<compile_context>
chip_gen: v7x
topology: tpu7x:2x2x1
jax: 0.10.2.dev20260603
libtpu: 0.0.44.dev20260713+nightly
codegen_flags: <defaults>
</compile_context>

<pallas_src>
import functools

import jax
import jax.numpy as jnp
from jax import lax
from jax.experimental import pallas as pl
from jax.experimental.pallas import tpu as pltpu
from jax.experimental.pallas import tpu_sc as plsc

B = 16384
D = 32
V = 1_000_000
NC = 2
NS = 16
NW = NC * NS
B_PER_W = B // NW
N_CHUNK = B_PER_W // 16

RING = 8

_mesh = plsc.VectorSubcoreMesh(core_axis_name="c", subcore_axis_name="s")


@functools.partial(
    pl.kernel,
    out_type=jax.ShapeDtypeStruct((B * D,), jnp.float32),
    mesh=_mesh,
    compiler_params=pltpu.CompilerParams(
        use_tc_tiling_on_sc=True, needs_layout_passes=False),
    scratch_types=[
        pltpu.VMEM((B_PER_W,), jnp.int32),
        pltpu.VMEM((B_PER_W,), jnp.int32),
        pltpu.VMEM((D, RING * 128), jnp.float32),
        pltpu.VMEM((D, RING * 128), jnp.float32),
        pltpu.VMEM((B_PER_W * D,), jnp.float32),
        pltpu.SemaphoreType.DMA,
        pltpu.SemaphoreType.DMA,
    ],
)
def _gather_mul(uidx_hbm, iidx_hbm, utab_hbm, itab_hbm, out_hbm,
                uidx_v, iidx_v, uring_v, iring_v, prod_v, sem_a, sem_b):
    wid = lax.axis_index("s") * NC + lax.axis_index("c")
    base = wid * B_PER_W
    pltpu.sync_copy(uidx_hbm.at[pl.ds(base, B_PER_W)], uidx_v)
    pltpu.sync_copy(iidx_hbm.at[pl.ds(base, B_PER_W)], iidx_v)

    iota16 = lax.iota(jnp.int32, 16)
    half = RING // 2

    def issue(chunk16, lo, slot0, sem):
        evu = uidx_v[pl.ds(chunk16, 16)]
        evi = iidx_v[pl.ds(chunk16, 16)]
        for j in range(half):
            bu = pl.multiple_of((evu[lo + j] >> 7) * 128, 128)
            bi = pl.multiple_of((evi[lo + j] >> 7) * 128, 128)
            sl = pl.ds((slot0 + j) * 128, 128)
            pltpu.async_copy(utab_hbm.at[:, pl.ds(bu, 128)], uring_v.at[:, sl], sem)
            pltpu.async_copy(itab_hbm.at[:, pl.ds(bi, 128)], iring_v.at[:, sl], sem)

    def drain(sem):
        for _ in range(2):
            pltpu.make_async_copy(
                utab_hbm.at[:, pl.ds(0, half * 128)],
                uring_v.at[:, pl.ds(0, half * 128)], sem).wait()

    def extract(chunk16, lo, slot0):
        evu = uidx_v[pl.ds(chunk16, 16)]
        evi = iidx_v[pl.ds(chunk16, 16)]
        for j in range(half):
            cu = (evu[lo + j] & 127) + (slot0 + j) * 128
            ci = (evi[lo + j] & 127) + (slot0 + j) * 128
            cuv = jnp.full((16,), cu, jnp.int32)
            civ = jnp.full((16,), ci, jnp.int32)
            for fh in range(2):
                rows = iota16 + fh * 16
                uvals = plsc.load_gather(uring_v, [rows, cuv])
                ivals = plsc.load_gather(iring_v, [rows, civ])
                prod_v[pl.ds((chunk16 + lo + j) * D + fh * 16, 16)] = uvals * ivals

    sems = (sem_a, sem_b)
    issue(0, 0, 0, sem_a)
    issue(0, half, half, sem_b)

    def pipe_body(p, carry):
        c16 = p * 16
        for q in range(4):
            sem = sems[q % 2]
            slot0 = (q % 2) * half
            drain(sem)
            extract(c16, q * half, slot0)
            nxt_chunk = c16 + 16 * ((q + 2) // 4)
            nxt_lo = half * ((q + 2) % 4)
            if q < 2:
                issue(nxt_chunk, nxt_lo, slot0, sem)
            else:
                @pl.when(p < (B_PER_W // 16) - 1)
                def _(nc=nxt_chunk, nl=nxt_lo, s0=slot0, sm=sem):
                    issue(nc, nl, s0, sm)
        return carry

    lax.fori_loop(0, B_PER_W // 16, pipe_body, 0)
    pltpu.sync_copy(prod_v, out_hbm.at[pl.ds(wid * (B_PER_W * D), B_PER_W * D)])


_GRID = 8
_BLK = B // _GRID
_ROWS = _BLK * D // 128


def _mlp_body(x_ref, wa_ref, ba_ref, wo_ref, bo_ref, o_ref):
    x = x_ref[...].reshape(_ROWS, 128)
    h = jnp.maximum(
        jnp.dot(x, wa_ref[...], preferred_element_type=jnp.float32) + ba_ref[...],
        0.0)
    o_ref[...] = jax.nn.sigmoid(
        jnp.dot(h, wo_ref[...], preferred_element_type=jnp.float32) + bo_ref[...])


def _mlp(flat, W_blk, b_blk, Wo_blk, b_out2):
    return pl.pallas_call(
        _mlp_body,
        grid=(_GRID,),
        in_specs=[
            pl.BlockSpec((_BLK * D,), lambda i: (i,)),
            pl.BlockSpec((128, 128), lambda i: (0, 0)),
            pl.BlockSpec((1, 128), lambda i: (0, 0)),
            pl.BlockSpec((128, 4), lambda i: (0, 0)),
            pl.BlockSpec((1, 1), lambda i: (0, 0)),
        ],
        out_specs=pl.BlockSpec((_ROWS, 4), lambda i: (i, 0)),
        out_shape=jax.ShapeDtypeStruct((B // 4, 4), jnp.float32),
    )(flat, W_blk, b_blk, Wo_blk, b_out2)


def kernel(user_input, item_input, user_table, item_table, W_att, b_att, W_out, b_out):
    uidx = user_input.astype(jnp.int32)
    iidx = item_input.astype(jnp.int32)
    flat = _gather_mul(uidx, iidx, user_table.T, item_table.T)
    eye4 = jnp.eye(4, dtype=jnp.float32)
    W_blk = jnp.kron(eye4, W_att)
    Wo_blk = jnp.kron(eye4, W_out)
    b_blk = jnp.tile(b_att, 4).reshape(1, 128)
    out = _mlp(flat, W_blk, b_blk, Wo_blk, b_out.reshape(1, 1))
    return out.reshape(B, 1)

# --- scband reference (transcript-rebuilt; emitter-appended) ---
"""Pipeline reference for scband-kgat-43782896615969 (READ-ONLY COPY).

The authoritative reference and input builder live on the scoring server;
editing this copy changes nothing except your own understanding.
"""

import jax, jax.numpy as jnp
import numpy as np

NUM_USERS = 1000000
NUM_ITEMS = 1000000
EMBED_DIM = 32
BATCH = 16384


def setup_inputs(seed: int = 0) -> dict:
    key = jax.random.key(seed)
    ks = jax.random.split(key, 8)
    user_input = jax.random.randint(ks[0], (BATCH,), 0, NUM_USERS, dtype=jnp.int64 if jax.config.read('jax_enable_x64') else jnp.int32)
    item_input = jax.random.randint(ks[1], (BATCH,), 0, NUM_ITEMS, dtype=jnp.int64 if jax.config.read('jax_enable_x64') else jnp.int32)
    user_table = jax.random.normal(ks[2], (NUM_USERS, EMBED_DIM), dtype=jnp.float32) * 0.05
    item_table = jax.random.normal(ks[3], (NUM_ITEMS, EMBED_DIM), dtype=jnp.float32) * 0.05
    # Dense(embedding_dim, relu) -> attention layer params
    W_att = jax.random.normal(ks[4], (EMBED_DIM, EMBED_DIM), dtype=jnp.float32) * (1.0 / np.sqrt(EMBED_DIM))
    b_att = jnp.zeros((EMBED_DIM,), dtype=jnp.float32)
    # Dense(1, sigmoid) -> output layer params
    W_out = jax.random.normal(ks[5], (EMBED_DIM, 1), dtype=jnp.float32) * (1.0 / np.sqrt(EMBED_DIM))
    b_out = jnp.zeros((1,), dtype=jnp.float32)
    return {
        'user_input': user_input,
        'item_input': item_input,
        'user_table': user_table,
        'item_table': item_table,
        'W_att': W_att,
        'b_att': b_att,
        'W_out': W_out,
        'b_out': b_out,
    }


def reference(user_input, item_input, user_table, item_table, W_att, b_att, W_out, b_out):
    # Embedding lookups (gather)
    user_emb = jnp.take(user_table, user_input, axis=0)  # [B, D]
    item_emb = jnp.take(item_table, item_input, axis=0)  # [B, D]
    # Elementwise interaction + attention Dense(relu)
    interaction = jax.nn.relu(jnp.dot(user_emb * item_emb, W_att) + b_att)
    # Dropout is a no-op in inference mode
    # Output Dense(1, sigmoid)
    output = jax.nn.sigmoid(jnp.dot(interaction, W_out) + b_out)  # [B, 1]
    return output

if __name__ == "__main__":
    import jax
    _d = setup_inputs()
    print(jax.jit(kernel)(*tuple(_d.values())))

</pallas_src>

<mosaic_0001>
#map = affine_map<(d0, d1) -> (0)>
#map1 = affine_map<(d0, d1) -> (0, 0)>
module attributes {stable_mosaic.version = 14 : i64} {
  func.func @_gather_mul(%arg0: i32, %arg1: i32, %arg2: memref<16384xi32, #tpu.memory_space<hbm>>, %arg3: memref<16384xi32, #tpu.memory_space<hbm>>, %arg4: memref<32x1000000xf32, #tpu.memory_space<hbm>>, %arg5: memref<32x1000000xf32, #tpu.memory_space<hbm>>, %arg6: memref<524288xf32, #tpu.memory_space<hbm>>, %arg7: memref<512xi32, #tpu.memory_space<vmem>>, %arg8: memref<512xi32, #tpu.memory_space<vmem>>, %arg9: memref<32x1024xf32, #tpu.memory_space<vmem>>, %arg10: memref<32x1024xf32, #tpu.memory_space<vmem>>, %arg11: memref<16384xf32, #tpu.memory_space<vmem>>, %arg12: memref<!tpu.dma_semaphore, #tpu.memory_space<semaphore_mem>>, %arg13: memref<!tpu.dma_semaphore, #tpu.memory_space<semaphore_mem>>) attributes {dimension_semantics = [#tpu.dimension_semantics<core_parallel>, #tpu.dimension_semantics<subcore_parallel>], iteration_bounds = array<i64: 2, 16>, scalar_prefetch = 0 : i64, scratch_operands = 7 : i64, tpu.core_type = #tpu.core_type<sc_vector_subcore>, window_params = [{transform_indices = #map}, {transform_indices = #map}, {transform_indices = #map1}, {transform_indices = #map1}, {transform_indices = #map}]} {
    %mul3A = arith.constant 2 : i32
    %mul3A_0 = arith.muli %arg1, %mul3A : i32
    %add3A = arith.addi %mul3A_0, %arg0 : i32
    %mul3A_1 = arith.constant 512 : i32
    %mul3A_2 = arith.muli %add3A, %mul3A_1 : i32
    "tpu.region"() ({
      %run_scoped3A = tpu.sem_alloc : memref<!tpu.dma_semaphore, #tpu.memory_space<semaphore_mem>>
      %dma_start3A_284 = tpu.memref_slice %arg2[%mul3A_2] : memref<16384xi32, #tpu.memory_space<hbm>> -> memref<512xi32, #tpu.memory_space<hbm>>
      %dma_start3A_285 = tpu.memref_slice %arg2[%mul3A_2] : memref<16384xi32, #tpu.memory_space<hbm>> -> memref<512xi32, #tpu.memory_space<hbm>>
      tpu.enqueue_dma source(%dma_start3A_285 : memref<512xi32, #tpu.memory_space<hbm>>) target(%arg7 : memref<512xi32, #tpu.memory_space<vmem>>) target_semaphore(%run_scoped3A : memref<!tpu.dma_semaphore, #tpu.memory_space<semaphore_mem>>)
      %dma_wait3A = tpu.memref_slice %arg2[%mul3A_2] : memref<16384xi32, #tpu.memory_space<hbm>> -> memref<512xi32, #tpu.memory_space<hbm>>
      %dma_wait3A_286 = tpu.memref_slice %arg2[%mul3A_2] : memref<16384xi32, #tpu.memory_space<hbm>> -> memref<512xi32, #tpu.memory_space<hbm>>
      tpu.wait_dma2 semaphore(%run_scoped3A : memref<!tpu.dma_semaphore, #tpu.memory_space<semaphore_mem>>) src(%dma_wait3A_286 : memref<512xi32, #tpu.memory_space<hbm>>) dst(%arg7 : memref<512xi32, #tpu.memory_space<vmem>>)
      tpu.yield
    }) : () -> ()
    "tpu.region"() ({
      %run_scoped3A = tpu.sem_alloc : memref<!tpu.dma_semaphore, #tpu.memory_space<semaphore_mem>>
      %dma_start3A_284 = tpu.memref_slice %arg3[%mul3A_2] : memref<16384xi32, #tpu.memory_space<hbm>> -> memref<512xi32, #tpu.memory_space<hbm>>
      %dma_start3A_285 = tpu.memref_slice %arg3[%mul3A_2] : memref<16384xi32, #tpu.memory_space<hbm>> -> memref<512xi32, #tpu.memory_space<hbm>>
      tpu.enqueue_dma source(%dma_start3A_285 : memref<512xi32, #tpu.memory_space<hbm>>) target(%arg8 : memref<512xi32, #tpu.memory_space<vmem>>) target_semaphore(%run_scoped3A : memref<!tpu.dma_semaphore, #tpu.memory_space<semaphore_mem>>)
      %dma_wait3A = tpu.memref_slice %arg3[%mul3A_2] : memref<16384xi32, #tpu.memory_space<hbm>> -> memref<512xi32, #tpu.memory_space<hbm>>
      %dma_wait3A_286 = tpu.memref_slice %arg3[%mul3A_2] : memref<16384xi32, #tpu.memory_space<hbm>> -> memref<512xi32, #tpu.memory_space<hbm>>
      tpu.wait_dma2 semaphore(%run_scoped3A : memref<!tpu.dma_semaphore, #tpu.memory_space<semaphore_mem>>) src(%dma_wait3A_286 : memref<512xi32, #tpu.memory_space<hbm>>) dst(%arg8 : memref<512xi32, #tpu.memory_space<vmem>>)
      tpu.yield
    }) : () -> ()
    %iota3A = tpu.iota {dimensions = array<i32: 0>} : vector<16xi32>
    %get3A = arith.constant 0 : index
    %get3A_3 = tpu.vector_load %arg7[%get3A] {strides = array<i32>} : memref<512xi32, #tpu.memory_space<vmem>>, vector<16xi32>,
    %get3A_4 = arith.constant 0 : index
    %get3A_5 = tpu.vector_load %arg8[%get3A_4] {strides = array<i32>} : memref<512xi32, #tpu.memory_space<vmem>>, vector<16xi32>,
    %slice3A = vector.extract_strided_slice %get3A_3 {offsets = [0], sizes = [1], strides = [1]} : vector<16xi32> to vector<1xi32>
    %squeeze3A = vector.extract %slice3A[0] : i32 from vector<1xi32>
    %shift_right_arithmetic3A = arith.constant 7 : i32
    %shift_right_arithmetic3A_6 = arith.shrsi %squeeze3A, %shift_right_arithmetic3A : i32
    %mul3A_7 = arith.constant 128 : i32
    %mul3A_8 = arith.muli %shift_right_arithmetic3A_6, %mul3A_7 : i32
    %multiple_of3A = tpu.assume_multiple %mul3A_8, 128 : i32
    %slice3A_9 = vector.extract_strided_slice %get3A_5 {offsets = [0], sizes = [1], strides = [1]} : vector<16xi32> to vector<1xi32>
    %squeeze3A_10 = vector.extract %slice3A_9[0] : i32 from vector<1xi32>
    %shift_right_arithmetic3A_11 = arith.constant 7 : i32
    %shift_right_arithmetic3A_12 = arith.shrsi %squeeze3A_10, %shift_right_arithmetic3A_11 : i32
    %mul3A_13 = arith.constant 128 : i32
    %mul3A_14 = arith.muli %shift_right_arithmetic3A_12, %mul3A_13 : i32
    %multiple_of3A_15 = tpu.assume_multiple %mul3A_14, 128 : i32
    %dma_start3A = arith.constant 0 : i32
    %dma_start3A_16 = arith.constant 0 : i32
    %dma_start3A_17 = tpu.memref_slice %arg9[%dma_start3A, %dma_start3A_16] : memref<32x1024xf32, #tpu.memory_space<vmem>> -> memref<32x128xf32, #tpu.memory_space<vmem>>
    %dma_start3A_18 = arith.constant 0 : i32
    %dma_start3A_19 = tpu.memref_slice %arg4[%dma_start3A_18, %multiple_of3A] : memref<32x1000000xf32, #tpu.memory_space<hbm>> -> memref<32x128xf32, #tpu.memory_space<hbm>>
    %dma_start3A_20 = arith.constant 0 : i32
    %dma_start3A_21 = arith.constant 0 : i32
    %dma_start3A_22 = tpu.memref_slice %arg9[%dma_start3A_20, %dma_start3A_21] : memref<32x1024xf32, #tpu.memory_space<vmem>> -> memref<32x128xf32, #tpu.memory_space<vmem>>
    %dma_start3A_23 = arith.constant 0 : i32
    %dma_start3A_24 = tpu.memref_slice %arg4[%dma_start3A_23, %multiple_of3A] : memref<32x1000000xf32, #tpu.memory_space<hbm>> -> memref<32x128xf32, #tpu.memory_space<hbm>>
    tpu.enqueue_dma source(%dma_start3A_24 : memref<32x128xf32, #tpu.memory_space<hbm>>) target(%dma_start3A_22 : memref<32x128xf32, #tpu.memory_space<vmem>>) target_semaphore(%arg12 : memref<!tpu.dma_semaphore, #tpu.memory_space<semaphore_mem>>)
    %dma_start3A_25 = arith.constant 0 : i32
    %dma_start3A_26 = arith.constant 0 : i32
    %dma_start3A_27 = tpu.memref_slice %arg10[%dma_start3A_25, %dma_start3A_26] : memref<32x1024xf32, #tpu.memory_space<vmem>> -> memref<32x128xf32, #tpu.memory_space<vmem>>
    %dma_start3A_28 = arith.constant 0 : i32
    %dma_start3A_29 = tpu.memref_slice %arg5[%dma_start3A_28, %multiple_of3A_15] : memref<32x1000000xf32, #tpu.memory_space<hbm>> -> memref<32x128xf32, #tpu.memory_space<hbm>>
    %dma_start3A_30 = arith.constant 0 : i32
    %dma_start3A_31 = arith.constant 0 : i32
    %dma_start3A_32 = tpu.memref_slice %arg10[%dma_start3A_30, %dma_start3A_31] : memref<32x1024xf32, #tpu.memory_space<vmem>> -> memref<32x128xf32, #tpu.memory_space<vmem>>
    %dma_start3A_33 = arith.constant 0 : i32
    %dma_start3A_34 = tpu.memref_slice %arg5[%dma_start3A_33, %multiple_of3A_15] : memref<32x1000000xf32, #tpu.memory_space<hbm>> -> memref<32x128xf32, #tpu.memory_space<hbm>>
    tpu.enqueue_dma source(%dma_start3A_34 : memref<32x128xf32, #tpu.memory_space<hbm>>) target(%dma_start3A_32 : memref<32x128xf32, #tpu.memory_space<vmem>>) target_semaphore(%arg12 : memref<!tpu.dma_semaphore, #tpu.memory_space<semaphore_mem>>)
    %slice3A_35 = vector.extract_strided_slice %get3A_3 {offsets = [1], sizes = [1], strides = [1]} : vector<16xi32> to vector<1xi32>
    %squeeze3A_36 = vector.extract %slice3A_35[0] : i32 from vector<1xi32>
    %shift_right_arithmetic3A_37 = arith.constant 7 : i32
    %shift_right_arithmetic3A_38 = arith.shrsi %squeeze3A_36, %shift_right_arithmetic3A_37 : i32
    %mul3A_39 = arith.constant 128 : i32
    %mul3A_40 = arith.muli %shift_right_arithmetic3A_38, %mul3A_39 : i32
    %multiple_of3A_41 = tpu.assume_multiple %mul3A_40, 128 : i32
    %slice3A_42 = vector.extract_strided_slice %get3A_5 {offsets = [1], sizes = [1], strides = [1]} : vector<16xi32> to vector<1xi32>
    %squeeze3A_43 = vector.extract %slice3A_42[0] : i32 from vector<1xi32>
    %shift_right_arithmetic3A_44 = arith.constant 7 : i32
    %shift_right_arithmetic3A_45 = arith.shrsi %squeeze3A_43, %shift_right_arithmetic3A_44 : i32
    %mul3A_46 = arith.constant 128 : i32
    %mul3A_47 = arith.muli %shift_right_arithmetic3A_45, %mul3A_46 : i32
    %multiple_of3A_48 = tpu.assume_multiple %mul3A_47, 128 : i32
    %dma_start3A_49 = arith.constant 0 : i32
    %dma_start3A_50 = arith.constant 128 : i32
    %dma_start3A_51 = tpu.memref_slice %arg9[%dma_start3A_49, %dma_start3A_50] : memref<32x1024xf32, #tpu.memory_space<vmem>> -> memref<32x128xf32, #tpu.memory_space<vmem>>
    %dma_start3A_52 = arith.constant 0 : i32
    %dma_start3A_53 = tpu.memref_slice %arg4[%dma_start3A_52, %multiple_of3A_41] : memref<32x1000000xf32, #tpu.memory_space<hbm>> -> memref<32x128xf32, #tpu.memory_space<hbm>>
    %dma_start3A_54 = arith.constant 0 : i32
    %dma_start3A_55 = arith.constant 128 : i32
    %dma_start3A_56 = tpu.memref_slice %arg9[%dma_start3A_54, %dma_start3A_55] : memref<32x1024xf32, #tpu.memory_space<vmem>> -> memref<32x128xf32, #tpu.memory_space<vmem>>
    %dma_start3A_57 = arith.constant 0 : i32
    %dma_start3A_58 = tpu.memref_slice %arg4[%dma_start3A_57, %multiple_of3A_41] : memref<32x1000000xf32, #tpu.memory_space<hbm>> -> memref<32x128xf32, #tpu.memory_space<hbm>>
    tpu.enqueue_dma source(%dma_start3A_58 : memref<32x128xf32, #tpu.memory_space<hbm>>) target(%dma_start3A_56 : memref<32x128xf32, #tpu.memory_space<vmem>>) target_semaphore(%arg12 : memref<!tpu.dma_semaphore, #tpu.memory_space<semaphore_mem>>)
    %dma_start3A_59 = arith.constant 0 : i32
    %dma_start3A_60 = arith.constant 128 : i32
    %dma_start3A_61 = tpu.memref_slice %arg10[%dma_start3A_59, %dma_start3A_60] : memref<32x1024xf32, #tpu.memory_space<vmem>> -> memref<32x128xf32, #tpu.memory_space<vmem>>
    %dma_start3A_62 = arith.constant 0 : i32
    %dma_start3A_63 = tpu.memref_slice %arg5[%dma_start3A_62, %multiple_of3A_48] : memref<32x1000000xf32, #tpu.memory_space<hbm>> -> memref<32x128xf32, #tpu.memory_space<hbm>>
    %dma_start3A_64 = arith.constant 0 : i32
    %dma_start3A_65 = arith.constant 128 : i32
    %dma_start3A_66 = tpu.memref_slice %arg10[%dma_start3A_64, %dma_start3A_65] : memref<32x1024xf32, #tpu.memory_space<vmem>> -> memref<32x128xf32, #tpu.memory_space<vmem>>
    %dma_start3A_67 = arith.constant 0 : i32
    %dma_start3A_68 = tpu.memref_slice %arg5[%dma_start3A_67, %multiple_of3A_48] : memref<32x1000000xf32, #tpu.memory_space<hbm>> -> memref<32x128xf32, #tpu.memory_space<hbm>>
    tpu.enqueue_dma source(%dma_start3A_68 : memref<32x128xf32, #tpu.memory_space<hbm>>) target(%dma_start3A_66 : memref<32x128xf32, #tpu.memory_space<vmem>>) target_semaphore(%arg12 : memref<!tpu.dma_semaphore, #tpu.memory_space<semaphore_mem>>)
    %slice3A_69 = vector.extract_strided_slice %get3A_3 {offsets = [2], sizes = [1], strides = [1]} : vector<16xi32> to vector<1xi32>
    %squeeze3A_70 = vector.extract %slice3A_69[0] : i32 from vector<1xi32>
    %shift_right_arithmetic3A_71 = arith.constant 7 : i32
    %shift_right_arithmetic3A_72 = arith.shrsi %squeeze3A_70, %shift_right_arithmetic3A_71 : i32
    %mul3A_73 = arith.constant 128 : i32
    %mul3A_74 = arith.muli %shift_right_arithmetic3A_72, %mul3A_73 : i32
    %multiple_of3A_75 = tpu.assume_multiple %mul3A_74, 128 : i32
    %slice3A_76 = vector.extract_strided_slice %get3A_5 {offsets = [2], sizes = [1], strides = [1]} : vector<16xi32> to vector<1xi32>
    %squeeze3A_77 = vector.extract %slice3A_76[0] : i32 from vector<1xi32>
    %shift_right_arithmetic3A_78 = arith.constant 7 : i32
    %shift_right_arithmetic3A_79 = arith.shrsi %squeeze3A_77, %shift_right_arithmetic3A_78 : i32
    %mul3A_80 = arith.constant 128 : i32
    %mul3A_81 = arith.muli %shift_right_arithmetic3A_79, %mul3A_80 : i32
    %multiple_of3A_82 = tpu.assume_multiple %mul3A_81, 128 : i32
    %dma_start3A_83 = arith.constant 0 : i32
    %dma_start3A_84 = arith.constant 256 : i32
    %dma_start3A_85 = tpu.memref_slice %arg9[%dma_start3A_83, %dma_start3A_84] : memref<32x1024xf32, #tpu.memory_space<vmem>> -> memref<32x128xf32, #tpu.memory_space<vmem>>
    %dma_start3A_86 = arith.constant 0 : i32
    %dma_start3A_87 = tpu.memref_slice %arg4[%dma_start3A_86, %multiple_of3A_75] : memref<32x1000000xf32, #tpu.memory_space<hbm>> -> memref<32x128xf32, #tpu.memory_space<hbm>>
    %dma_start3A_88 = arith.constant 0 : i32
    %dma_start3A_89 = arith.constant 256 : i32
    %dma_start3A_90 = tpu.memref_slice %arg9[%dma_start3A_88, %dma_start3A_89] : memref<32x1024xf32, #tpu.memory_space<vmem>> -> memref<32x128xf32, #tpu.memory_space<vmem>>
    %dma_start3A_91 = arith.constant 0 : i32
    %dma_start3A_92 = tpu.memref_slice %arg4[%dma_start3A_91, %multiple_of3A_75] : memref<32x1000000xf32, #tpu.memory_space<hbm>> -> memref<32x128xf32, #tpu.memory_space<hbm>>
    tpu.enqueue_dma source(%dma_start3A_92 : memref<32x128xf32, #tpu.memory_space<hbm>>) target(%dma_start3A_90 : memref<32x128xf32, #tpu.memory_space<vmem>>) target_semaphore(%arg12 : memref<!tpu.dma_semaphore, #tpu.memory_space<semaphore_mem>>)
    %dma_start3A_93 = arith.constant 0 : i32
    %dma_start3A_94 = arith.constant 256 : i32
    %dma_start3A_95 = tpu.memref_slice %arg10[%dma_start3A_93, %dma_start3A_94] : memref<32x1024xf32, #tpu.memory_space<vmem>> -> memref<32x128xf32, #tpu.memory_space<vmem>>
    %dma_start3A_96 = arith.constant 0 : i32
    %dma_start3A_97 = tpu.memref_slice %arg5[%dma_start3A_96, %multiple_of3A_82] : memref<32x1000000xf32, #tpu.memory_space<hbm>> -> memref<32x128xf32, #tpu.memory_space<hbm>>
    %dma_start3A_98 = arith.constant 0 : i32
    %dma_start3A_99 = arith.constant 256 : i32
    %dma_start3A_100 = tpu.memref_slice %arg10[%dma_start3A_98, %dma_start3A_99] : memref<32x1024xf32, #tpu.memory_space<vmem>> -> memref<32x128xf32, #tpu.memory_space<vmem>>
    %dma_start3A_101 = arith.constant 0 : i32
    %dma_start3A_102 = tpu.memref_slice %arg5[%dma_start3A_101, %multiple_of3A_82] : memref<32x1000000xf32, #tpu.memory_space<hbm>> -> memref<32x128xf32, #tpu.memory_space<hbm>>
    tpu.enqueue_dma source(%dma_start3A_102 : memref<32x128xf32, #tpu.memory_space<hbm>>) target(%dma_start3A_100 : memref<32x128xf32, #tpu.memory_space<vmem>>) target_semaphore(%arg12 : memref<!tpu.dma_semaphore, #tpu.memory_space<semaphore_mem>>)
    %slice3A_103 = vector.extract_strided_slice %get3A_3 {offsets = [3], sizes = [1], strides = [1]} : vector<16xi32> to vector<1xi32>
    %squeeze3A_104 = vector.extract %slice3A_103[0] : i32 from vector<1xi32>
    %shift_right_arithmetic3A_105 = arith.constant 7 : i32
    %shift_right_arithmetic3A_106 = arith.shrsi %squeeze3A_104, %shift_right_arithmetic3A_105 : i32
    %mul3A_107 = arith.constant 128 : i32
    %mul3A_108 = arith.muli %shift_right_arithmetic3A_106, %mul3A_107 : i32
    %multiple_of3A_109 = tpu.assume_multiple %mul3A_108, 128 : i32
    %slice3A_110 = vector.extract_strided_slice %get3A_5 {offsets = [3], sizes = [1], strides = [1]} : vector<16xi32> to vector<1xi32>
    %squeeze3A_111 = vector.extract %slice3A_110[0] : i32 from vector<1xi32>
    %shift_right_arithmetic3A_112 = arith.constant 7 : i32
    %shift_right_arithmetic3A_113 = arith.shrsi %squeeze3A_111, %shift_right_arithmetic3A_112 : i32
    %mul3A_114 = arith.constant 128 : i32
    %mul3A_115 = arith.muli %shift_right_arithmetic3A_113, %mul3A_114 : i32
    %multiple_of3A_116 = tpu.assume_multiple %mul3A_115, 128 : i32
    %dma_start3A_117 = arith.constant 0 : i32
    %dma_start3A_118 = arith.constant 384 : i32
    %dma_start3A_119 = tpu.memref_slice %arg9[%dma_start3A_117, %dma_start3A_118] : memref<32x1024xf32, #tpu.memory_space<vmem>> -> memref<32x128xf32, #tpu.memory_space<vmem>>
    %dma_start3A_120 = arith.constant 0 : i32
    %dma_start3A_121 = tpu.memref_slice %arg4[%dma_start3A_120, %multiple_of3A_109] : memref<32x1000000xf32, #tpu.memory_space<hbm>> -> memref<32x128xf32, #tpu.memory_space<hbm>>
    %dma_start3A_122 = arith.constant 0 : i32
    %dma_start3A_123 = arith.constant 384 : i32
    %dma_start3A_124 = tpu.memref_slice %arg9[%dma_start3A_122, %dma_start3A_123] : memref<32x1024xf32, #tpu.memory_space<vmem>> -> memref<32x128xf32, #tpu.memory_space<vmem>>
    %dma_start3A_125 = arith.constant 0 : i32
    %dma_start3A_126 = tpu.memref_slice %arg4[%dma_start3A_125, %multiple_of3A_109] : memref<32x1000000xf32, #tpu.memory_space<hbm>> -> memref<32x128xf32, #tpu.memory_space<hbm>>
    tpu.enqueue_dma source(%dma_start3A_126 : memref<32x128xf32, #tpu.memory_space<hbm>>) target(%dma_start3A_124 : memref<32x128xf32, #tpu.memory_space<vmem>>) target_semaphore(%arg12 : memref<!tpu.dma_semaphore, #tpu.memory_space<semaphore_mem>>)
    %dma_start3A_127 = arith.constant 0 : i32
    %dma_start3A_128 = arith.constant 384 : i32
    %dma_start3A_129 = tpu.memref_slice %arg10[%dma_start3A_127, %dma_start3A_128] : memref<32x1024xf32, #tpu.memory_space<vmem>> -> memref<32x128xf32, #tpu.memory_space<vmem>>
    %dma_start3A_130 = arith.constant 0 : i32
    %dma_start3A_131 = tpu.memref_slice %arg5[%dma_start3A_130, %multiple_of3A_116] : memref<32x1000000xf32, #tpu.memory_space<hbm>> -> memref<32x128xf32, #tpu.memory_space<hbm>>
    %dma_start3A_132 = arith.constant 0 : i32
    %dma_start3A_133 = arith.constant 384 : i32
    %dma_start3A_134 = tpu.memref_slice %arg10[%dma_start3A_132, %dma_start3A_133] : memref<32x1024xf32, #tpu.memory_space<vmem>> -> memref<32x128xf32, #tpu.memory_space<vmem>>
    %dma_start3A_135 = arith.constant 0 : i32
    %dma_start3A_136 = tpu.memref_slice %arg5[%dma_start3A_135, %multiple_of3A_116] : memref<32x1000000xf32, #tpu.memory_space<hbm>> -> memref<32x128xf32, #tpu.memory_space<hbm>>
    tpu.enqueue_dma source(%dma_start3A_136 : memref<32x128xf32, #tpu.memory_space<hbm>>) target(%dma_start3A_134 : memref<32x128xf32, #tpu.memory_space<vmem>>) target_semaphore(%arg12 : memref<!tpu.dma_semaphore, #tpu.memory_space<semaphore_mem>>)
    %get3A_137 = arith.constant 0 : index
    %get3A_138 = tpu.vector_load %arg7[%get3A_137] {strides = array<i32>} : memref<512xi32, #tpu.memory_space<vmem>>, vector<16xi32>,
    %get3A_139 = arith.constant 0 : index
    %get3A_140 = tpu.vector_load %arg8[%get3A_139] {strides = array<i32>} : memref<512xi32, #tpu.memory_space<vmem>>, vector<16xi32>,
    %slice3A_141 = vector.extract_strided_slice %get3A_138 {offsets = [4], sizes = [1], strides = [1]} : vector<16xi32> to vector<1xi32>
    %squeeze3A_142 = vector.extract %slice3A_141[0] : i32 from vector<1xi32>
    %shift_right_arithmetic3A_143 = arith.constant 7 : i32
    %shift_right_arithmetic3A_144 = arith.shrsi %squeeze3A_142, %shift_right_arithmetic3A_143 : i32
    %mul3A_145 = arith.constant 128 : i32
    %mul3A_146 = arith.muli %shift_right_arithmetic3A_144, %mul3A_145 : i32
    %multiple_of3A_147 = tpu.assume_multiple %mul3A_146, 128 : i32
    %slice3A_148 = vector.extract_strided_slice %get3A_140 {offsets = [4], sizes = [1], strides = [1]} : vector<16xi32> to vector<1xi32>
    %squeeze3A_149 = vector.extract %slice3A_148[0] : i32 from vector<1xi32>
    %shift_right_arithmetic3A_150 = arith.constant 7 : i32
    %shift_right_arithmetic3A_151 = arith.shrsi %squeeze3A_149, %shift_right_arithmetic3A_150 : i32
    %mul3A_152 = arith.constant 128 : i32
    %mul3A_153 = arith.muli %shift_right_arithmetic3A_151, %mul3A_152 : i32
    %multiple_of3A_154 = tpu.assume_multiple %mul3A_153, 128 : i32
    %dma_start3A_155 = arith.constant 0 : i32
    %dma_start3A_156 = arith.constant 512 : i32
    %dma_start3A_157 = tpu.memref_slice %arg9[%dma_start3A_155, %dma_start3A_156] : memref<32x1024xf32, #tpu.memory_space<vmem>> -> memref<32x128xf32, #tpu.memory_space<vmem>>
    %dma_start3A_158 = arith.constant 0 : i32
    %dma_start3A_159 = tpu.memref_slice %arg4[%dma_start3A_158, %multiple_of3A_147] : memref<32x1000000xf32, #tpu.memory_space<hbm>> -> memref<32x128xf32, #tpu.memory_space<hbm>>
    %dma_start3A_160 = arith.constant 0 : i32
    %dma_start3A_161 = arith.constant 512 : i32
    %dma_start3A_162 = tpu.memref_slice %arg9[%dma_start3A_160, %dma_start3A_161] : memref<32x1024xf32, #tpu.memory_space<vmem>> -> memref<32x128xf32, #tpu.memory_space<vmem>>
    %dma_start3A_163 = arith.constant 0 : i32
    %dma_start3A_164 = tpu.memref_slice %arg4[%dma_start3A_163, %multiple_of3A_147] : memref<32x1000000xf32, #tpu.memory_space<hbm>> -> memref<32x128xf32, #tpu.memory_space<hbm>>
    tpu.enqueue_dma source(%dma_start3A_164 : memref<32x128xf32, #tpu.memory_space<hbm>>) target(%dma_start3A_162 : memref<32x128xf32, #tpu.memory_space<vmem>>) target_semaphore(%arg13 : memref<!tpu.dma_semaphore, #tpu.memory_space<semaphore_mem>>)
    %dma_start3A_165 = arith.constant 0 : i32
    %dma_start3A_166 = arith.constant 512 : i32
    %dma_start3A_167 = tpu.memref_slice %arg10[%dma_start3A_165, %dma_start3A_166] : memref<32x1024xf32, #tpu.memory_space<vmem>> -> memref<32x128xf32, #tpu.memory_space<vmem>>
    %dma_start3A_168 = arith.constant 0 : i32
    %dma_start3A_169 = tpu.memref_slice %arg5[%dma_start3A_168, %multiple_of3A_154] : memref<32x1000000xf32, #tpu.memory_space<hbm>> -> memref<32x128xf32, #tpu.memory_space<hbm>>
    %dma_start3A_170 = arith.constant 0 : i32
    %dma_start3A_171 = arith.constant 512 : i32
    %dma_start3A_172 = tpu.memref_slice %arg10[%dma_start3A_170, %dma_start3A_171] : memref<32x1024xf32, #tpu.memory_space<vmem>> -> memref<32x128xf32, #tpu.memory_space<vmem>>
    %dma_start3A_173 = arith.constant 0 : i32
    %dma_start3A_174 = tpu.memref_slice %arg5[%dma_start3A_173, %multiple_of3A_154] : memref<32x1000000xf32, #tpu.memory_space<hbm>> -> memref<32x128xf32, #tpu.memory_space<hbm>>
    tpu.enqueue_dma source(%dma_start3A_174 : memref<32x128xf32, #tpu.memory_space<hbm>>) target(%dma_start3A_172 : memref<32x128xf32, #tpu.memory_space<vmem>>) target_semaphore(%arg13 : memref<!tpu.dma_semaphore, #tpu.memory_space<semaphore_mem>>)
    %slice3A_175 = vector.extract_strided_slice %get3A_138 {offsets = [5], sizes = [1], strides = [1]} : vector<16xi32> to vector<1xi32>
    %squeeze3A_176 = vector.extract %slice3A_175[0] : i32 from vector<1xi32>
    %shift_right_arithmetic3A_177 = arith.constant 7 : i32
    %shift_right_arithmetic3A_178 = arith.shrsi %squeeze3A_176, %shift_right_arithmetic3A_177 : i32
    %mul3A_179 = arith.constant 128 : i32
    %mul3A_180 = arith.muli %shift_right_arithmetic3A_178, %mul3A_179 : i32
    %multiple_of3A_181 = tpu.assume_multiple %mul3A_180, 128 : i32
    %slice3A_182 = vector.extract_strided_slice %get3A_140 {offsets = [5], sizes = [1], strides = [1]} : vector<16xi32> to vector<1xi32>
    %squeeze3A_183 = vector.extract %slice3A_182[0] : i32 from vector<1xi32>
    %shift_right_arithmetic3A_184 = arith.constant 7 : i32
    %shift_right_arithmetic3A_185 = arith.shrsi %squeeze3A_183, %shift_right_arithmetic3A_184 : i32
    %mul3A_186 = arith.constant 128 : i32
    %mul3A_187 = arith.muli %shift_right_arithmetic3A_185, %mul3A_186 : i32
    %multiple_of3A_188 = tpu.assume_multiple %mul3A_187, 128 : i32
    %dma_start3A_189 = arith.constant 0 : i32
    %dma_start3A_190 = arith.constant 640 : i32
    %dma_start3A_191 = tpu.memref_slice %arg9[%dma_start3A_189, %dma_start3A_190] : memref<32x1024xf32, #tpu.memory_space<vmem>> -> memref<32x128xf32, #tpu.memory_space<vmem>>
    %dma_start3A_192 = arith.constant 0 : i32
    %dma_start3A_193 = tpu.memref_slice %arg4[%dma_start3A_192, %multiple_of3A_181] : memref<32x1000000xf32, #tpu.memory_space<hbm>> -> memref<32x128xf32, #tpu.memory_space<hbm>>
    %dma_start3A_194 = arith.constant 0 : i32
    %dma_start3A_195 = arith.constant 640 : i32
    %dma_start3A_196 = tpu.memref_slice %arg9[%dma_start3A_194, %dma_start3A_195] : memref<32x1024xf32, #tpu.memory_space<vmem>> -> memref<32x128xf32, #tpu.memory_space<vmem>>
    %dma_start3A_197 = arith.constant 0 : i32
    %dma_start3A_198 = tpu.memref_slice %arg4[%dma_start3A_197, %multiple_of3A_181] : memref<32x1000000xf32, #tpu.memory_space<hbm>> -> memref<32x128xf32, #tpu.memory_space<hbm>>
    tpu.enqueue_dma source(%dma_start3A_198 : memref<32x128xf32, #tpu.memory_space<hbm>>) target(%dma_start3A_196 : memref<32x128xf32, #tpu.memory_space<vmem>>) target_semaphore(%arg13 : memref<!tpu.dma_semaphore, #tpu.memory_space<semaphore_mem>>)
    %dma_start3A_199 = arith.constant 0 : i32
    %dma_start3A_200 = arith.constant 640 : i32
    %dma_start3A_201 = tpu.memref_slice %arg10[%dma_start3A_199, %dma_start3A_200] : memref<32x1024xf32, #tpu.memory_space<vmem>> -> memref<32x128xf32, #tpu.memory_space<vmem>>
    %dma_start3A_202 = arith.constant 0 : i32
    %dma_start3A_203 = tpu.memref_slice %arg5[%dma_start3A_202, %multiple_of3A_188] : memref<32x1000000xf32, #tpu.memory_space<hbm>> -> memref<32x128xf32, #tpu.memory_space<hbm>>
    %dma_start3A_204 = arith.constant 0 : i32
    %dma_start3A_205 = arith.constant 640 : i32
    %dma_start3A_206 = tpu.memref_slice %arg10[%dma_start3A_204, %dma_start3A_205] : memref<32x1024xf32, #tpu.memory_space<vmem>> -> memref<32x128xf32, #tpu.memory_space<vmem>>
    %dma_start3A_207 = arith.constant 0 : i32
    %dma_start3A_208 = tpu.memref_slice %arg5[%dma_start3A_207, %multiple_of3A_188] : memref<32x1000000xf32, #tpu.memory_space<hbm>> -> memref<32x128xf32, #tpu.memory_space<hbm>>
    tpu.enqueue_dma source(%dma_start3A_208 : memref<32x128xf32, #tpu.memory_space<hbm>>) target(%dma_start3A_206 : memref<32x128xf32, #tpu.memory_space<vmem>>) target_semaphore(%arg13 : memref<!tpu.dma_semaphore, #tpu.memory_space<semaphore_mem>>)
    %slice3A_209 = vector.extract_strided_slice %get3A_138 {offsets = [6], sizes = [1], strides = [1]} : vector<16xi32> to vector<1xi32>
    %squeeze3A_210 = vector.extract %slice3A_209[0] : i32 from vector<1xi32>
    %shift_right_arithmetic3A_211 = arith.constant 7 : i32
    %shift_right_arithmetic3A_212 = arith.shrsi %squeeze3A_210, %shift_right_arithmetic3A_211 : i32
    %mul3A_213 = arith.constant 128 : i32
    %mul3A_214 = arith.muli %shift_right_arithmetic3A_212, %mul3A_213 : i32
    %multiple_of3A_215 = tpu.assume_multiple %mul3A_214, 128 : i32
    %slice3A_216 = vector.extract_strided_slice %get3A_140 {offsets = [6], sizes = [1], strides = [1]} : vector<16xi32> to vector<1xi32>
    %squeeze3A_217 = vector.extract %slice3A_216[0] : i32 from vector<1xi32>
    %shift_right_arithmetic3A_218 = arith.constant 7 : i32
    %shift_right_arithmetic3A_219 = arith.shrsi %squeeze3A_217, %shift_right_arithmetic3A_218 : i32
    %mul3A_220 = arith.constant 128 : i32
    %mul3A_221 = arith.muli %shift_right_arithmetic3A_219, %mul3A_220 : i32
    %multiple_of3A_222 = tpu.assume_multiple %mul3A_221, 128 : i32
    %dma_start3A_223 = arith.constant 0 : i32
    %dma_start3A_224 = arith.constant 768 : i32
    %dma_start3A_225 = tpu.memref_slice %arg9[%dma_start3A_223, %dma_start3A_224] : memref<32x1024xf32, #tpu.memory_space<vmem>> -> memref<32x128xf32, #tpu.memory_space<vmem>>
    %dma_start3A_226 = arith.constant 0 : i32
    %dma_start3A_227 = tpu.memref_slice %arg4[%dma_start3A_226, %multiple_of3A_215] : memref<32x1000000xf32, #tpu.memory_space<hbm>> -> memref<32x128xf32, #tpu.memory_space<hbm>>
    %dma_start3A_228 = arith.constant 0 : i32
    %dma_start3A_229 = arith.constant 768 : i32
    %dma_start3A_230 = tpu.memref_slice %arg9[%dma_start3A_228, %dma_start3A_229] : memref<32x1024xf32, #tpu.memory_space<vmem>> -> memref<32x128xf32, #tpu.memory_space<vmem>>
    %dma_start3A_231 = arith.constant 0 : i32
    %dma_start3A_232 = tpu.memref_slice %arg4[%dma_start3A_231, %multiple_of3A_215] : memref<32x1000000xf32, #tpu.memory_space<hbm>> -> memref<32x128xf32, #tpu.memory_space<hbm>>
    tpu.enqueue_dma source(%dma_start3A_232 : memref<32x128xf32, #tpu.memory_space<hbm>>) target(%dma_start3A_230 : memref<32x128xf32, #tpu.memory_space<vmem>>) target_semaphore(%arg13 : memref<!tpu.dma_semaphore, #tpu.memory_space<semaphore_mem>>)
    %dma_start3A_233 = arith.constant 0 : i32
    %dma_start3A_234 = arith.constant 768 : i32
    %dma_start3A_235 = tpu.memref_slice %arg10[%dma_start3A_233, %dma_start3A_234] : memref<32x1024xf32, #tpu.memory_space<vmem>> -> memref<32x128xf32, #tpu.memory_space<vmem>>
    %dma_start3A_236 = arith.constant 0 : i32
    %dma_start3A_237 = tpu.memref_slice %arg5[%dma_start3A_236, %multiple_of3A_222] : memref<32x1000000xf32, #tpu.memory_space<hbm>> -> memref<32x128xf32, #tpu.memory_space<hbm>>
    %dma_start3A_238 = arith.constant 0 : i32
    %dma_start3A_239 = arith.constant 768 : i32
    %dma_start3A_240 = tpu.memref_slice %arg10[%dma_start3A_238, %dma_start3A_239] : memref<32x1024xf32, #tpu.memory_space<vmem>> -> memref<32x128xf32, #tpu.memory_space<vmem>>
    %dma_start3A_241 = arith.constant 0 : i32
    %dma_start3A_242 = tpu.memref_slice %arg5[%dma_start3A_241, %multiple_of3A_222] : memref<32x1000000xf32, #tpu.memory_space<hbm>> -> memref<32x128xf32, #tpu.memory_space<hbm>>
    tpu.enqueue_dma source(%dma_start3A_242 : memref<32x128xf32, #tpu.memory_space<hbm>>) target(%dma_start3A_240 : memref<32x128xf32, #tpu.memory_space<vmem>>) target_semaphore(%arg13 : memref<!tpu.dma_semaphore, #tpu.memory_space<semaphore_mem>>)
    %slice3A_243 = vector.extract_strided_slice %get3A_138 {offsets = [7], sizes = [1], strides = [1]} : vector<16xi32> to vector<1xi32>
    %squeeze3A_244 = vector.extract %slice3A_243[0] : i32 from vector<1xi32>
    %shift_right_arithmetic3A_245 = arith.constant 7 : i32
    %shift_right_arithmetic3A_246 = arith.shrsi %squeeze3A_244, %shift_right_arithmetic3A_245 : i32
    %mul3A_247 = arith.constant 128 : i32
    %mul3A_248 = arith.muli %shift_right_arithmetic3A_246, %mul3A_247 : i32
    %multiple_of3A_249 = tpu.assume_multiple %mul3A_248, 128 : i32
    %slice3A_250 = vector.extract_strided_slice %get3A_140 {offsets = [7], sizes = [1], strides = [1]} : vector<16xi32> to vector<1xi32>
    %squeeze3A_251 = vector.extract %slice3A_250[0] : i32 from vector<1xi32>
    %shift_right_arithmetic3A_252 = arith.constant 7 : i32
    %shift_right_arithmetic3A_253 = arith.shrsi %squeeze3A_251, %shift_right_arithmetic3A_252 : i32
    %mul3A_254 = arith.constant 128 : i32
    %mul3A_255 = arith.muli %shift_right_arithmetic3A_253, %mul3A_254 : i32
    %multiple_of3A_256 = tpu.assume_multiple %mul3A_255, 128 : i32
    %dma_start3A_257 = arith.constant 0 : i32
    %dma_start3A_258 = arith.constant 896 : i32
    %dma_start3A_259 = tpu.memref_slice %arg9[%dma_start3A_257, %dma_start3A_258] : memref<32x1024xf32, #tpu.memory_space<vmem>> -> memref<32x128xf32, #tpu.memory_space<vmem>>
    %dma_start3A_260 = arith.constant 0 : i32
    %dma_start3A_261 = tpu.memref_slice %arg4[%dma_start3A_260, %multiple_of3A_249] : memref<32x1000000xf32, #tpu.memory_space<hbm>> -> memref<32x128xf32, #tpu.memory_space<hbm>>
    %dma_start3A_262 = arith.constant 0 : i32
    %dma_start3A_263 = arith.constant 896 : i32
    %dma_start3A_264 = tpu.memref_slice %arg9[%dma_start3A_262, %dma_start3A_263] : memref<32x1024xf32, #tpu.memory_space<vmem>> -> memref<32x128xf32, #tpu.memory_space<vmem>>
    %dma_start3A_265 = arith.constant 0 : i32
    %dma_start3A_266 = tpu.memref_slice %arg4[%dma_start3A_265, %multiple_of3A_249] : memref<32x1000000xf32, #tpu.memory_space<hbm>> -> memref<32x128xf32, #tpu.memory_space<hbm>>
    tpu.enqueue_dma source(%dma_start3A_266 : memref<32x128xf32, #tpu.memory_space<hbm>>) target(%dma_start3A_264 : memref<32x128xf32, #tpu.memory_space<vmem>>) target_semaphore(%arg13 : memref<!tpu.dma_semaphore, #tpu.memory_space<semaphore_mem>>)
    %dma_start3A_267 = arith.constant 0 : i32
    %dma_start3A_268 = arith.constant 896 : i32
    %dma_start3A_269 = tpu.memref_slice %arg10[%dma_start3A_267, %dma_start3A_268] : memref<32x1024xf32, #tpu.memory_space<vmem>> -> memref<32x128xf32, #tpu.memory_space<vmem>>
    %dma_start3A_270 = arith.constant 0 : i32
    %dma_start3A_271 = tpu.memref_slice %arg5[%dma_start3A_270, %multiple_of3A_256] : memref<32x1000000xf32, #tpu.memory_space<hbm>> -> memref<32x128xf32, #tpu.memory_space<hbm>>
    %dma_start3A_272 = arith.constant 0 : i32
    %dma_start3A_273 = arith.constant 896 : i32
    %dma_start3A_274 = tpu.memref_slice %arg10[%dma_start3A_272, %dma_start3A_273] : memref<32x1024xf32, #tpu.memory_space<vmem>> -> memref<32x128xf32, #tpu.memory_space<vmem>>
    %dma_start3A_275 = arith.constant 0 : i32
    %dma_start3A_276 = tpu.memref_slice %arg5[%dma_start3A_275, %multiple_of3A_256] : memref<32x1000000xf32, #tpu.memory_space<hbm>> -> memref<32x128xf32, #tpu.memory_space<hbm>>
    tpu.enqueue_dma source(%dma_start3A_276 : memref<32x128xf32, #tpu.memory_space<hbm>>) target(%dma_start3A_274 : memref<32x128xf32, #tpu.memory_space<vmem>>) target_semaphore(%arg13 : memref<!tpu.dma_semaphore, #tpu.memory_space<semaphore_mem>>)
    %scan3A = arith.constant 0 : i32
    %scan3A_277 = arith.constant 0 : i32
    %scan3A_278 = arith.constant 32 : i32
    %scan3A_279 = arith.addi %scan3A_277, %scan3A_278 : i32
    %scan3A_280 = arith.constant 1 : i32
    scf.for %scan3A_284 = %scan3A_277 to %scan3A_279 step %scan3A_280  : i32 {
      %mul3A_285 = arith.constant 16 : i32
      %mul3A_286 = arith.muli %scan3A_284, %mul3A_285 : i32
      %dma_wait3A = arith.constant 0 : i32
      %dma_wait3A_287 = arith.constant 0 : i32
      %dma_wait3A_288 = tpu.memref_slice %arg9[%dma_wait3A, %dma_wait3A_287] : memref<32x1024xf32, #tpu.memory_space<vmem>> -> memref<32x512xf32, #tpu.memory_space<vmem>>
      %dma_wait3A_289 = arith.constant 0 : i32
      %dma_wait3A_290 = arith.constant 0 : i32
      %dma_wait3A_291 = tpu.memref_slice %arg4[%dma_wait3A_289, %dma_wait3A_290] : memref<32x1000000xf32, #tpu.memory_space<hbm>> -> memref<32x512xf32, #tpu.memory_space<hbm>>
      %dma_wait3A_292 = arith.constant 0 : i32
      %dma_wait3A_293 = arith.constant 0 : i32
      %dma_wait3A_294 = tpu.memref_slice %arg9[%dma_wait3A_292, %dma_wait3A_293] : memref<32x1024xf32, #tpu.memory_space<vmem>> -> memref<32x512xf32, #tpu.memory_space<vmem>>
      %dma_wait3A_295 = arith.constant 0 : i32
      %dma_wait3A_296 = arith.constant 0 : i32
      %dma_wait3A_297 = tpu.memref_slice %arg4[%dma_wait3A_295, %dma_wait3A_296] : memref<32x1000000xf32, #tpu.memory_space<hbm>> -> memref<32x512xf32, #tpu.memory_space<hbm>>
      tpu.wait_dma2 semaphore(%arg12 : memref<!tpu.dma_semaphore, #tpu.memory_space<semaphore_mem>>) src(%dma_wait3A_297 : memref<32x512xf32, #tpu.memory_space<hbm>>) dst(%dma_wait3A_294 : memref<32x512xf32, #tpu.memory_space<vmem>>)
      %dma_wait3A_298 = arith.constant 0 : i32
      %dma_wait3A_299 = arith.constant 0 : i32
      %dma_wait3A_300 = tpu.memref_slice %arg9[%dma_wait3A_298, %dma_wait3A_299] : memref<32x1024xf32, #tpu.memory_space<vmem>> -> memref<32x512xf32, #tpu.memory_space<vmem>>
      %dma_wait3A_301 = arith.constant 0 : i32
      %dma_wait3A_302 = arith.constant 0 : i32
      %dma_wait3A_303 = tpu.memref_slice %arg4[%dma_wait3A_301, %dma_wait3A_302] : memref<32x1000000xf32, #tpu.memory_space<hbm>> -> memref<32x512xf32, #tpu.memory_space<hbm>>
      %dma_wait3A_304 = arith.constant 0 : i32
      %dma_wait3A_305 = arith.constant 0 : i32
      %dma_wait3A_306 = tpu.memref_slice %arg9[%dma_wait3A_304, %dma_wait3A_305] : memref<32x1024xf32, #tpu.memory_space<vmem>> -> memref<32x512xf32, #tpu.memory_space<vmem>>
      %dma_wait3A_307 = arith.constant 0 : i32
      %dma_wait3A_308 = arith.constant 0 : i32
      %dma_wait3A_309 = tpu.memref_slice %arg4[%dma_wait3A_307, %dma_wait3A_308] : memref<32x1000000xf32, #tpu.memory_space<hbm>> -> memref<32x512xf32, #tpu.memory_space<hbm>>
      tpu.wait_dma2 semaphore(%arg12 : memref<!tpu.dma_semaphore, #tpu.memory_space<semaphore_mem>>) src(%dma_wait3A_309 : memref<32x512xf32, #tpu.memory_space<hbm>>) dst(%dma_wait3A_306 : memref<32x512xf32, #tpu.memory_space<vmem>>)
      %get3A_310 = arith.index_cast %mul3A_286 : i32 to index
      %get3A_311 = tpu.vector_load %arg7[%get3A_310] {strides = array<i32>} : memref<512xi32, #tpu.memory_space<vmem>>, vector<16xi32>,
      %get3A_312 = arith.index_cast %mul3A_286 : i32 to index
      %get3A_313 = tpu.vector_load %arg8[%get3A_312] {strides = array<i32>} : memref<512xi32, #tpu.memory_space<vmem>>, vector<16xi32>,
      %slice3A_314 = vector.extract_strided_slice %get3A_311 {offsets = [0], sizes = [1], strides = [1]} : vector<16xi32> to vector<1xi32>
      %squeeze3A_315 = vector.extract %slice3A_314[0] : i32 from vector<1xi32>
      %and3A = arith.constant 127 : i32
      %and3A_316 = arith.andi %squeeze3A_315, %and3A : i32
      %add3A_317 = arith.constant 0 : i32
      %add3A_318 = arith.addi %and3A_316, %add3A_317 : i32
      %slice3A_319 = vector.extract_strided_slice %get3A_313 {offsets = [0], sizes = [1], strides = [1]} : vector<16xi32> to vector<1xi32>
      %squeeze3A_320 = vector.extract %slice3A_319[0] : i32 from vector<1xi32>
      %and3A_321 = arith.constant 127 : i32
      %and3A_322 = arith.andi %squeeze3A_320, %and3A_321 : i32
      %add3A_323 = arith.constant 0 : i32
      %add3A_324 = arith.addi %and3A_322, %add3A_323 : i32
      %broadcast_in_dim3A = vector.broadcast %add3A_318 : i32 to vector<16xi32>
      %broadcast_in_dim3A_325 = vector.broadcast %add3A_324 : i32 to vector<16xi32>
      %add3A_326 = arith.constant 0 : i32
      %add3A_327 = vector.broadcast %add3A_326 : i32 to vector<16xi32>
      %add3A_328 = arith.addi %iota3A, %add3A_327 : vector<16xi32>
      %gather3A = tpu.vector_load_idx %arg9[%add3A_328, %broadcast_in_dim3A] : memref<32x1024xf32, #tpu.memory_space<vmem>>[vector<16xi32>, vector<16xi32>], vector<16xf32>,
      %gather3A_329 = tpu.vector_load_idx %arg10[%add3A_328, %broadcast_in_dim3A_325] : memref<32x1024xf32, #tpu.memory_space<vmem>>[vector<16xi32>, vector<16xi32>], vector<16xf32>,
      %mul3A_330 = arith.mulf %gather3A, %gather3A_329 : vector<16xf32>
      %add3A_331 = arith.constant 0 : i32
      %add3A_332 = arith.addi %mul3A_286, %add3A_331 : i32
      %add3A_333 = arith.constant 0 : i32
      %add3A_334 = arith.addi %add3A_332, %add3A_333 : i32
      %mul3A_335 = arith.constant 32 : i32
      %mul3A_336 = arith.muli %add3A_334, %mul3A_335 : i32
      %add3A_337 = arith.constant 0 : i32
      %add3A_338 = arith.addi %mul3A_336, %add3A_337 : i32
      %swap3A = arith.index_cast %add3A_338 : i32 to index
      %swap3A_339 = tpu.vector_load %arg11[%swap3A] {strides = array<i32>} : memref<16384xf32, #tpu.memory_space<vmem>>, vector<16xf32>,
      tpu.vector_store %arg11[%swap3A], %mul3A_330 {strides = array<i32>} : memref<16384xf32, #tpu.memory_space<vmem>>, vector<16xf32>,
      %add3A_340 = arith.constant 16 : i32
      %add3A_341 = vector.broadcast %add3A_340 : i32 to vector<16xi32>
      %add3A_342 = arith.addi %iota3A, %add3A_341 : vector<16xi32>
      %gather3A_343 = tpu.vector_load_idx %arg9[%add3A_342, %broadcast_in_dim3A] : memref<32x1024xf32, #tpu.memory_space<vmem>>[vector<16xi32>, vector<16xi32>], vector<16xf32>,
      %gather3A_344 = tpu.vector_load_idx %arg10[%add3A_342, %broadcast_in_dim3A_325] : memref<32x1024xf32, #tpu.memory_space<vmem>>[vector<16xi32>, vector<16xi32>], vector<16xf32>,
      %mul3A_345 = arith.mulf %gather3A_343, %gather3A_344 : vector<16xf32>
      %add3A_346 = arith.constant 0 : i32
      %add3A_347 = arith.addi %mul3A_286, %add3A_346 : i32
      %add3A_348 = arith.constant 0 : i32
      %add3A_349 = arith.addi %add3A_347, %add3A_348 : i32
      %mul3A_350 = arith.constant 32 : i32
      %mul3A_351 = arith.muli %add3A_349, %mul3A_350 : i32
      %add3A_352 = arith.constant 16 : i32
      %add3A_353 = arith.addi %mul3A_351, %add3A_352 : i32
      %swap3A_354 = arith.index_cast %add3A_353 : i32 to index
      %swap3A_355 = tpu.vector_load %arg11[%swap3A_354] {strides = array<i32>} : memref<16384xf32, #tpu.memory_space<vmem>>, vector<16xf32>,
      tpu.vector_store %arg11[%swap3A_354], %mul3A_345 {strides = array<i32>} : memref<16384xf32, #tpu.memory_space<vmem>>, vector<16xf32>,
      %slice3A_356 = vector.extract_strided_slice %get3A_311 {offsets = [1], sizes = [1], strides = [1]} : vector<16xi32> to vector<1xi32>
      %squeeze3A_357 = vector.extract %slice3A_356[0] : i32 from vector<1xi32>
      %and3A_358 = arith.constant 127 : i32
      %and3A_359 = arith.andi %squeeze3A_357, %and3A_358 : i32
      %add3A_360 = arith.constant 128 : i32
      %add3A_361 = arith.addi %and3A_359, %add3A_360 : i32
      %slice3A_362 = vector.extract_strided_slice %get3A_313 {offsets = [1], sizes = [1], strides = [1]} : vector<16xi32> to vector<1xi32>
      %squeeze3A_363 = vector.extract %slice3A_362[0] : i32 from vector<1xi32>
      %and3A_364 = arith.constant 127 : i32
      %and3A_365 = arith.andi %squeeze3A_363, %and3A_364 : i32
      %add3A_366 = arith.constant 128 : i32
      %add3A_367 = arith.addi %and3A_365, %add3A_366 : i32
      %broadcast_in_dim3A_368 = vector.broadcast %add3A_361 : i32 to vector<16xi32>
      %broadcast_in_dim3A_369 = vector.broadcast %add3A_367 : i32 to vector<16xi32>
      %add3A_370 = arith.constant 0 : i32
      %add3A_371 = vector.broadcast %add3A_370 : i32 to vector<16xi32>
      %add3A_372 = arith.addi %iota3A, %add3A_371 : vector<16xi32>
      %gather3A_373 = tpu.vector_load_idx %arg9[%add3A_372, %broadcast_in_dim3A_368] : memref<32x1024xf32, #tpu.memory_space<vmem>>[vector<16xi32>, vector<16xi32>], vector<16xf32>,
      %gather3A_374 = tpu.vector_load_idx %arg10[%add3A_372, %broadcast_in_dim3A_369] : memref<32x1024xf32, #tpu.memory_space<vmem>>[vector<16xi32>, vector<16xi32>], vector<16xf32>,
      %mul3A_375 = arith.mulf %gather3A_373, %gather3A_374 : vector<16xf32>
      %add3A_376 = arith.constant 0 : i32
      %add3A_377 = arith.addi %mul3A_286, %add3A_376 : i32
      %add3A_378 = arith.constant 1 : i32
      %add3A_379 = arith.addi %add3A_377, %add3A_378 : i32
      %mul3A_380 = arith.constant 32 : i32
      %mul3A_381 = arith.muli %add3A_379, %mul3A_380 : i32
      %add3A_382 = arith.constant 0 : i32
      %add3A_383 = arith.addi %mul3A_381, %add3A_382 : i32
      %swap3A_384 = arith.index_cast %add3A_383 : i32 to index
      %swap3A_385 = tpu.vector_load %arg11[%swap3A_384] {strides = array<i32>} : memref<16384xf32, #tpu.memory_space<vmem>>, vector<16xf32>,
      tpu.vector_store %arg11[%swap3A_384], %mul3A_375 {strides = array<i32>} : memref<16384xf32, #tpu.memory_space<vmem>>, vector<16xf32>,
      %add3A_386 = arith.constant 16 : i32
      %add3A_387 = vector.broadcast %add3A_386 : i32 to vector<16xi32>
      %add3A_388 = arith.addi %iota3A, %add3A_387 : vector<16xi32>
      %gather3A_389 = tpu.vector_load_idx %arg9[%add3A_388, %broadcast_in_dim3A_368] : memref<32x1024xf32, #tpu.memory_space<vmem>>[vector<16xi32>, vector<16xi32>], vector<16xf32>,
      %gather3A_390 = tpu.vector_load_idx %arg10[%add3A_388, %broadcast_in_dim3A_369] : memref<32x1024xf32, #tpu.memory_space<vmem>>[vector<16xi32>, vector<16xi32>], vector<16xf32>,
      %mul3A_391 = arith.mulf %gather3A_389, %gather3A_390 : vector<16xf32>
      %add3A_392 = arith.constant 0 : i32
      %add3A_393 = arith.addi %mul3A_286, %add3A_392 : i32
      %add3A_394 = arith.constant 1 : i32
      %add3A_395 = arith.addi %add3A_393, %add3A_394 : i32
      %mul3A_396 = arith.constant 32 : i32
      %mul3A_397 = arith.muli %add3A_395, %mul3A_396 : i32
      %add3A_398 = arith.constant 16 : i32
      %add3A_399 = arith.addi %mul3A_397, %add3A_398 : i32
      %swap3A_400 = arith.index_cast %add3A_399 : i32 to index
      %swap3A_401 = tpu.vector_load %arg11[%swap3A_400] {strides = array<i32>} : memref<16384xf32, #tpu.memory_space<vmem>>, vector<16xf32>,
      tpu.vector_store %arg11[%swap3A_400], %mul3A_391 {strides = array<i32>} : memref<16384xf32, #tpu.memory_space<vmem>>, vector<16xf32>,
      %slice3A_402 = vector.extract_strided_slice %get3A_311 {offsets = [2], sizes = [1], strides = [1]} : vector<16xi32> to vector<1xi32>
      %squeeze3A_403 = vector.extract %slice3A_402[0] : i32 from vector<1xi32>
      %and3A_404 = arith.constant 127 : i32
      %and3A_405 = arith.andi %squeeze3A_403, %and3A_404 : i32
      %add3A_406 = arith.constant 256 : i32
      %add3A_407 = arith.addi %and3A_405, %add3A_406 : i32
      %slice3A_408 = vector.extract_strided_slice %get3A_313 {offsets = [2], sizes = [1], strides = [1]} : vector<16xi32> to vector<1xi32>
      %squeeze3A_409 = vector.extract %slice3A_408[0] : i32 from vector<1xi32>
      %and3A_410 = arith.constant 127 : i32
      %and3A_411 = arith.andi %squeeze3A_409, %and3A_410 : i32
      %add3A_412 = arith.constant 256 : i32
      %add3A_413 = arith.addi %and3A_411, %add3A_412 : i32
      %broadcast_in_dim3A_414 = vector.broadcast %add3A_407 : i32 to vector<16xi32>
      %broadcast_in_dim3A_415 = vector.broadcast %add3A_413 : i32 to vector<16xi32>
      %add3A_416 = arith.constant 0 : i32
      %add3A_417 = vector.broadcast %add3A_416 : i32 to vector<16xi32>
      %add3A_418 = arith.addi %iota3A, %add3A_417 : vector<16xi32>
      %gather3A_419 = tpu.vector_load_idx %arg9[%add3A_418, %broadcast_in_dim3A_414] : memref<32x1024xf32, #tpu.memory_space<vmem>>[vector<16xi32>, vector<16xi32>], vector<16xf32>,
      %gather3A_420 = tpu.vector_load_idx %arg10[%add3A_418, %broadcast_in_dim3A_415] : memref<32x1024xf32, #tpu.memory_space<vmem>>[vector<16xi32>, vector<16xi32>], vector<16xf32>,
      %mul3A_421 = arith.mulf %gather3A_419, %gather3A_420 : vector<16xf32>
      %add3A_422 = arith.constant 0 : i32
      %add3A_423 = arith.addi %mul3A_286, %add3A_422 : i32
      %add3A_424 = arith.constant 2 : i32
      %add3A_425 = arith.addi %add3A_423, %add3A_424 : i32
      %mul3A_426 = arith.constant 32 : i32
      %mul3A_427 = arith.muli %add3A_425, %mul3A_426 : i32
      %add3A_428 = arith.constant 0 : i32
      %add3A_429 = arith.addi %mul3A_427, %add3A_428 : i32
      %swap3A_430 = arith.index_cast %add3A_429 : i32 to index
      %swap3A_431 = tpu.vector_load %arg11[%swap3A_430] {strides = array<i32>} : memref<16384xf32, #tpu.memory_space<vmem>>, vector<16xf32>,
      tpu.vector_store %arg11[%swap3A_430], %mul3A_421 {strides = array<i32>} : memref<16384xf32, #tpu.memory_space<vmem>>, vector<16xf32>,
      %add3A_432 = arith.constant 16 : i32
      %add3A_433 = vector.broadcast %add3A_432 : i32 to vector<16xi32>
      %add3A_434 = arith.addi %iota3A, %add3A_433 : vector<16xi32>
      %gather3A_435 = tpu.vector_load_idx %arg9[%add3A_434, %broadcast_in_dim3A_414] : memref<32x1024xf32, #tpu.memory_space<vmem>>[vector<16xi32>, vector<16xi32>], vector<16xf32>,
      %gather3A_436 = tpu.vector_load_idx %arg10[%add3A_434, %broadcast_in_dim3A_415] : memref<32x1024xf32, #tpu.memory_space<vmem>>[vector<16xi32>, vector<16xi32>], vector<16xf32>,
      %mul3A_437 = arith.mulf %gather3A_435, %gather3A_436 : vector<16xf32>
      %add3A_438 = arith.constant 0 : i32
      %add3A_439 = arith.addi %mul3A_286, %add3A_438 : i32
      %add3A_440 = arith.constant 2 : i32
      %add3A_441 = arith.addi %add3A_439, %add3A_440 : i32
      %mul3A_442 = arith.constant 32 : i32
      %mul3A_443 = arith.muli %add3A_441, %mul3A_442 : i32
      %add3A_444 = arith.constant 16 : i32
      %add3A_445 = arith.addi %mul3A_443, %add3A_444 : i32
      %swap3A_446 = arith.index_cast %add3A_445 : i32 to index
      %swap3A_447 = tpu.vector_load %arg11[%swap3A_446] {strides = array<i32>} : memref<16384xf32, #tpu.memory_space<vmem>>, vector<16xf32>,
      tpu.vector_store %arg11[%swap3A_446], %mul3A_437 {strides = array<i32>} : memref<16384xf32, #tpu.memory_space<vmem>>, vector<16xf32>,
      %slice3A_448 = vector.extract_strided_slice %get3A_311 {offsets = [3], sizes = [1], strides = [1]} : vector<16xi32> to vector<1xi32>
      %squeeze3A_449 = vector.extract %slice3A_448[0] : i32 from vector<1xi32>
      %and3A_450 = arith.constant 127 : i32
      %and3A_451 = arith.andi %squeeze3A_449, %and3A_450 : i32
      %add3A_452 = arith.constant 384 : i32
      %add3A_453 = arith.addi %and3A_451, %add3A_452 : i32
      %slice3A_454 = vector.extract_strided_slice %get3A_313 {offsets = [3], sizes = [1], strides = [1]} : vector<16xi32> to vector<1xi32>
      %squeeze3A_455 = vector.extract %slice3A_454[0] : i32 from vector<1xi32>
      %and3A_456 = arith.constant 127 : i32
      %and3A_457 = arith.andi %squeeze3A_455, %and3A_456 : i32
      %add3A_458 = arith.constant 384 : i32
      %add3A_459 = arith.addi %and3A_457, %add3A_458 : i32
      %broadcast_in_dim3A_460 = vector.broadcast %add3A_453 : i32 to vector<16xi32>
      %broadcast_in_dim3A_461 = vector.broadcast %add3A_459 : i32 to vector<16xi32>
      %add3A_462 = arith.constant 0 : i32
      %add3A_463 = vector.broadcast %add3A_462 : i32 to vector<16xi32>
      %add3A_464 = arith.addi %iota3A, %add3A_463 : vector<16xi32>
      %gather3A_465 = tpu.vector_load_idx %arg9[%add3A_464, %broadcast_in_dim3A_460] : memref<32x1024xf32, #tpu.memory_space<vmem>>[vector<16xi32>, vector<16xi32>], vector<16xf32>,
      %gather3A_466 = tpu.vector_load_idx %arg10[%add3A_464, %broadcast_in_dim3A_461] : memref<32x1024xf32, #tpu.memory_space<vmem>>[vector<16xi32>, vector<16xi32>], vector<16xf32>,
      %mul3A_467 = arith.mulf %gather3A_465, %gather3A_466 : vector<16xf32>
      %add3A_468 = arith.constant 0 : i32
      %add3A_469 = arith.addi %mul3A_286, %add3A_468 : i32
      %add3A_470 = arith.constant 3 : i32
      %add3A_471 = arith.addi %add3A_469, %add3A_470 : i32
      %mul3A_472 = arith.constant 32 : i32
      %mul3A_473 = arith.muli %add3A_471, %mul3A_472 : i32
      %add3A_474 = arith.constant 0 : i32
      %add3A_475 = arith.addi %mul3A_473, %add3A_474 : i32
      %swap3A_476 = arith.index_cast %add3A_475 : i32 to index
      %swap3A_477 = tpu.vector_load %arg11[%swap3A_476] {strides = array<i32>} : memref<16384xf32, #tpu.memory_space<vmem>>, vector<16xf32>,
      tpu.vector_store %arg11[%swap3A_476], %mul3A_467 {strides = array<i32>} : memref<16384xf32, #tpu.memory_space<vmem>>, vector<16xf32>,
      %add3A_478 = arith.constant 16 : i32
      %add3A_479 = vector.broadcast %add3A_478 : i32 to vector<16xi32>
      %add3A_480 = arith.addi %iota3A, %add3A_479 : vector<16xi32>
      %gather3A_481 = tpu.vector_load_idx %arg9[%add3A_480, %broadcast_in_dim3A_460] : memref<32x1024xf32, #tpu.memory_space<vmem>>[vector<16xi32>, vector<16xi32>], vector<16xf32>,
      %gather3A_482 = tpu.vector_load_idx %arg10[%add3A_480, %broadcast_in_dim3A_461] : memref<32x1024xf32, #tpu.memory_space<vmem>>[vector<16xi32>, vector<16xi32>], vector<16xf32>,
      %mul3A_483 = arith.mulf %gather3A_481, %gather3A_482 : vector<16xf32>
      %add3A_484 = arith.constant 0 : i32
      %add3A_485 = arith.addi %mul3A_286, %add3A_484 : i32
      %add3A_486 = arith.constant 3 : i32
      %add3A_487 = arith.addi %add3A_485, %add3A_486 : i32
      %mul3A_488 = arith.constant 32 : i32
      %mul3A_489 = arith.muli %add3A_487, %mul3A_488 : i32
      %add3A_490 = arith.constant 16 : i32
      %add3A_491 = arith.addi %mul3A_489, %add3A_490 : i32
      %swap3A_492 = arith.index_cast %add3A_491 : i32 to index
      %swap3A_493 = tpu.vector_load %arg11[%swap3A_492] {strides = array<i32>} : memref<16384xf32, #tpu.memory_space<vmem>>, vector<16xf32>,
      tpu.vector_store %arg11[%swap3A_492], %mul3A_483 {strides = array<i32>} : memref<16384xf32, #tpu.memory_space<vmem>>, vector<16xf32>,
      %add3A_494 = arith.constant 0 : i32
      %add3A_495 = arith.addi %mul3A_286, %add3A_494 : i32
      %get3A_496 = arith.index_cast %add3A_495 : i32 to index
      %get3A_497 = tpu.vector_load %arg7[%get3A_496] {strides = array<i32>} : memref<512xi32, #tpu.memory_space<vmem>>, vector<16xi32>,
      %get3A_498 = arith.index_cast %add3A_495 : i32 to index
      %get3A_499 = tpu.vector_load %arg8[%get3A_498] {strides = array<i32>} : memref<512xi32, #tpu.memory_space<vmem>>, vector<16xi32>,
      %slice3A_500 = vector.extract_strided_slice %get3A_497 {offsets = [8], sizes = [1], strides = [1]} : vector<16xi32> to vector<1xi32>
      %squeeze3A_501 = vector.extract %slice3A_500[0] : i32 from vector<1xi32>
      %shift_right_arithmetic3A_502 = arith.constant 7 : i32
      %shift_right_arithmetic3A_503 = arith.shrsi %squeeze3A_501, %shift_right_arithmetic3A_502 : i32
      %mul3A_504 = arith.constant 128 : i32
      %mul3A_505 = arith.muli %shift_right_arithmetic3A_503, %mul3A_504 : i32
      %multiple_of3A_506 = tpu.assume_multiple %mul3A_505, 128 : i32
      %slice3A_507 = vector.extract_strided_slice %get3A_499 {offsets = [8], sizes = [1], strides = [1]} : vector<16xi32> to vector<1xi32>
      %squeeze3A_508 = vector.extract %slice3A_507[0] : i32 from vector<1xi32>
      %shift_right_arithmetic3A_509 = arith.constant 7 : i32
      %shift_right_arithmetic3A_510 = arith.shrsi %squeeze3A_508, %shift_right_arithmetic3A_509 : i32
      %mul3A_511 = arith.constant 128 : i32
      %mul3A_512 = arith.muli %shift_right_arithmetic3A_510, %mul3A_511 : i32
      %multiple_of3A_513 = tpu.assume_multiple %mul3A_512, 128 : i32
      %dma_start3A_514 = arith.constant 0 : i32
      %dma_start3A_515 = arith.constant 0 : i32
      %dma_start3A_516 = tpu.memref_slice %arg9[%dma_start3A_514, %dma_start3A_515] : memref<32x1024xf32, #tpu.memory_space<vmem>> -> memref<32x128xf32, #tpu.memory_space<vmem>>
      %dma_start3A_517 = arith.constant 0 : i32
      %dma_start3A_518 = tpu.memref_slice %arg4[%dma_start3A_517, %multiple_of3A_506] : memref<32x1000000xf32, #tpu.memory_space<hbm>> -> memref<32x128xf32, #tpu.memory_space<hbm>>
      %dma_start3A_519 = arith.constant 0 : i32
      %dma_start3A_520 = arith.constant 0 : i32
      %dma_start3A_521 = tpu.memref_slice %arg9[%dma_start3A_519, %dma_start3A_520] : memref<32x1024xf32, #tpu.memory_space<vmem>> -> memref<32x128xf32, #tpu.memory_space<vmem>>
      %dma_start3A_522 = arith.constant 0 : i32
      %dma_start3A_523 = tpu.memref_slice %arg4[%dma_start3A_522, %multiple_of3A_506] : memref<32x1000000xf32, #tpu.memory_space<hbm>> -> memref<32x128xf32, #tpu.memory_space<hbm>>
      tpu.enqueue_dma source(%dma_start3A_523 : memref<32x128xf32, #tpu.memory_space<hbm>>) target(%dma_start3A_521 : memref<32x128xf32, #tpu.memory_space<vmem>>) target_semaphore(%arg12 : memref<!tpu.dma_semaphore, #tpu.memory_space<semaphore_mem>>)
      %dma_start3A_524 = arith.constant 0 : i32
      %dma_start3A_525 = arith.constant 0 : i32
      %dma_start3A_526 = tpu.memref_slice %arg10[%dma_start3A_524, %dma_start3A_525] : memref<32x1024xf32, #tpu.memory_space<vmem>> -> memref<32x128xf32, #tpu.memory_space<vmem>>
      %dma_start3A_527 = arith.constant 0 : i32
      %dma_start3A_528 = tpu.memref_slice %arg5[%dma_start3A_527, %multiple_of3A_513] : memref<32x1000000xf32, #tpu.memory_space<hbm>> -> memref<32x128xf32, #tpu.memory_space<hbm>>
      %dma_start3A_529 = arith.constant 0 : i32
      %dma_start3A_530 = arith.constant 0 : i32
      %dma_start3A_531 = tpu.memref_slice %arg10[%dma_start3A_529, %dma_start3A_530] : memref<32x1024xf32, #tpu.memory_space<vmem>> -> memref<32x128xf32, #tpu.memory_space<vmem>>
      %dma_start3A_532 = arith.constant 0 : i32
      %dma_start3A_533 = tpu.memref_slice %arg5[%dma_start3A_532, %multiple_of3A_513] : memref<32x1000000xf32, #tpu.memory_space<hbm>> -> memref<32x128xf32, #tpu.memory_space<hbm>>
      tpu.enqueue_dma source(%dma_start3A_533 : memref<32x128xf32, #tpu.memory_space<hbm>>) target(%dma_start3A_531 : memref<32x128xf32, #tpu.memory_space<vmem>>) target_semaphore(%arg12 : memref<!tpu.dma_semaphore, #tpu.memory_space<semaphore_mem>>)
      %slice3A_534 = vector.extract_strided_slice %get3A_497 {offsets = [9], sizes = [1], strides = [1]} : vector<16xi32> to vector<1xi32>
      %squeeze3A_535 = vector.extract %slice3A_534[0] : i32 from vector<1xi32>
      %shift_right_arithmetic3A_536 = arith.constant 7 : i32
      %shift_right_arithmetic3A_537 = arith.shrsi %squeeze3A_535, %shift_right_arithmetic3A_536 : i32
      %mul3A_538 = arith.constant 128 : i32
      %mul3A_539 = arith.muli %shift_right_arithmetic3A_537, %mul3A_538 : i32
      %multiple_of3A_540 = tpu.assume_multiple %mul3A_539, 128 : i32
      %slice3A_541 = vector.extract_strided_slice %get3A_499 {offsets = [9], sizes = [1], strides = [1]} : vector<16xi32> to vector<1xi32>
      %squeeze3A_542 = vector.extract %slice3A_541[0] : i32 from vector<1xi32>
      %shift_right_arithmetic3A_543 = arith.constant 7 : i32
      %shift_right_arithmetic3A_544 = arith.shrsi %squeeze3A_542, %shift_right_arithmetic3A_543 : i32
      %mul3A_545 = arith.constant 128 : i32
      %mul3A_546 = arith.muli %shift_right_arithmetic3A_544, %mul3A_545 : i32
      %multiple_of3A_547 = tpu.assume_multiple %mul3A_546, 128 : i32
      %dma_start3A_548 = arith.constant 0 : i32
      %dma_start3A_549 = arith.constant 128 : i32
      %dma_start3A_550 = tpu.memref_slice %arg9[%dma_start3A_548, %dma_start3A_549] : memref<32x1024xf32, #tpu.memory_space<vmem>> -> memref<32x128xf32, #tpu.memory_space<vmem>>
      %dma_start3A_551 = arith.constant 0 : i32
      %dma_start3A_552 = tpu.memref_slice %arg4[%dma_start3A_551, %multiple_of3A_540] : memref<32x1000000xf32, #tpu.memory_space<hbm>> -> memref<32x128xf32, #tpu.memory_space<hbm>>
      %dma_start3A_553 = arith.constant 0 : i32
      %dma_start3A_554 = arith.constant 128 : i32
      %dma_start3A_555 = tpu.memref_slice %arg9[%dma_start3A_553, %dma_start3A_554] : memref<32x1024xf32, #tpu.memory_space<vmem>> -> memref<32x128xf32, #tpu.memory_space<vmem>>
      %dma_start3A_556 = arith.constant 0 : i32
      %dma_start3A_557 = tpu.memref_slice %arg4[%dma_start3A_556, %multiple_of3A_540] : memref<32x1000000xf32, #tpu.memory_space<hbm>> -> memref<32x128xf32, #tpu.memory_space<hbm>>
      tpu.enqueue_dma source(%dma_start3A_557 : memref<32x128xf32, #tpu.memory_space<hbm>>) target(%dma_start3A_555 : memref<32x128xf32, #tpu.memory_space<vmem>>) target_semaphore(%arg12 : memref<!tpu.dma_semaphore, #tpu.memory_space<semaphore_mem>>)
      %dma_start3A_558 = arith.constant 0 : i32
      %dma_start3A_559 = arith.constant 128 : i32
      %dma_start3A_560 = tpu.memref_slice %arg10[%dma_start3A_558, %dma_start3A_559] : memref<32x1024xf32, #tpu.memory_space<vmem>> -> memref<32x128xf32, #tpu.memory_space<vmem>>
      %dma_start3A_561 = arith.constant 0 : i32
      %dma_start3A_562 = tpu.memref_slice %arg5[%dma_start3A_561, %multiple_of3A_547] : memref<32x1000000xf32, #tpu.memory_space<hbm>> -> memref<32x128xf32, #tpu.memory_space<hbm>>
      %dma_start3A_563 = arith.constant 0 : i32
      %dma_start3A_564 = arith.constant 128 : i32
      %dma_start3A_565 = tpu.memref_slice %arg10[%dma_start3A_563, %dma_start3A_564] : memref<32x1024xf32, #tpu.memory_space<vmem>> -> memref<32x128xf32, #tpu.memory_space<vmem>>
      %dma_start3A_566 = arith.constant 0 : i32
      %dma_start3A_567 = tpu.memref_slice %arg5[%dma_start3A_566, %multiple_of3A_547] : memref<32x1000000xf32, #tpu.memory_space<hbm>> -> memref<32x128xf32, #tpu.memory_space<hbm>>
      tpu.enqueue_dma source(%dma_start3A_567 : memref<32x128xf32, #tpu.memory_space<hbm>>) target(%dma_start3A_565 : memref<32x128xf32, #tpu.memory_space<vmem>>) target_semaphore(%arg12 : memref<!tpu.dma_semaphore, #tpu.memory_space<semaphore_mem>>)
      %slice3A_568 = vector.extract_strided_slice %get3A_497 {offsets = [10], sizes = [1], strides = [1]} : vector<16xi32> to vector<1xi32>
      %squeeze3A_569 = vector.extract %slice3A_568[0] : i32 from vector<1xi32>
      %shift_right_arithmetic3A_570 = arith.constant 7 : i32
      %shift_right_arithmetic3A_571 = arith.shrsi %squeeze3A_569, %shift_right_arithmetic3A_570 : i32
      %mul3A_572 = arith.constant 128 : i32
      %mul3A_573 = arith.muli %shift_right_arithmetic3A_571, %mul3A_572 : i32
      %multiple_of3A_574 = tpu.assume_multiple %mul3A_573, 128 : i32
      %slice3A_575 = vector.extract_strided_slice %get3A_499 {offsets = [10], sizes = [1], strides = [1]} : vector<16xi32> to vector<1xi32>
      %squeeze3A_576 = vector.extract %slice3A_575[0] : i32 from vector<1xi32>
      %shift_right_arithmetic3A_577 = arith.constant 7 : i32
      %shift_right_arithmetic3A_578 = arith.shrsi %squeeze3A_576, %shift_right_arithmetic3A_577 : i32
      %mul3A_579 = arith.constant 128 : i32
      %mul3A_580 = arith.muli %shift_right_arithmetic3A_578, %mul3A_579 : i32
      %multiple_of3A_581 = tpu.assume_multiple %mul3A_580, 128 : i32
      %dma_start3A_582 = arith.constant 0 : i32
      %dma_start3A_583 = arith.constant 256 : i32
      %dma_start3A_584 = tpu.memref_slice %arg9[%dma_start3A_582, %dma_start3A_583] : memref<32x1024xf32, #tpu.memory_space<vmem>> -> memref<32x128xf32, #tpu.memory_space<vmem>>
      %dma_start3A_585 = arith.constant 0 : i32
      %dma_start3A_586 = tpu.memref_slice %arg4[%dma_start3A_585, %multiple_of3A_574] : memref<32x1000000xf32, #tpu.memory_space<hbm>> -> memref<32x128xf32, #tpu.memory_space<hbm>>
      %dma_start3A_587 = arith.constant 0 : i32
      %dma_start3A_588 = arith.constant 256 : i32
      %dma_start3A_589 = tpu.memref_slice %arg9[%dma_start3A_587, %dma_start3A_588] : memref<32x1024xf32, #tpu.memory_space<vmem>> -> memref<32x128xf32, #tpu.memory_space<vmem>>
      %dma_start3A_590 = arith.constant 0 : i32
      %dma_start3A_591 = tpu.memref_slice %arg4[%dma_start3A_590, %multiple_of3A_574] : memref<32x1000000xf32, #tpu.memory_space<hbm>> -> memref<32x128xf32, #tpu.memory_space<hbm>>
      tpu.enqueue_dma source(%dma_start3A_591 : memref<32x128xf32, #tpu.memory_space<hbm>>) target(%dma_start3A_589 : memref<32x128xf32, #tpu.memory_space<vmem>>) target_semaphore(%arg12 : memref<!tpu.dma_semaphore, #tpu.memory_space<semaphore_mem>>)
      %dma_start3A_592 = arith.constant 0 : i32
      %dma_start3A_593 = arith.constant 256 : i32
      %dma_start3A_594 = tpu.memref_slice %arg10[%dma_start3A_592, %dma_start3A_593] : memref<32x1024xf32, #tpu.memory_space<vmem>> -> memref<32x128xf32, #tpu.memory_space<vmem>>
      %dma_start3A_595 = arith.constant 0 : i32
      %dma_start3A_596 = tpu.memref_slice %arg5[%dma_start3A_595, %multiple_of3A_581] : memref<32x1000000xf32, #tpu.memory_space<hbm>> -> memref<32x128xf32, #tpu.memory_space<hbm>>
      %dma_start3A_597 = arith.constant 0 : i32
      %dma_start3A_598 = arith.constant 256 : i32
      %dma_start3A_599 = tpu.memref_slice %arg10[%dma_start3A_597, %dma_start3A_598] : memref<32x1024xf32, #tpu.memory_space<vmem>> -> memref<32x128xf32, #tpu.memory_space<vmem>>
      %dma_start3A_600 = arith.constant 0 : i32
      %dma_start3A_601 = tpu.memref_slice %arg5[%dma_start3A_600, %multiple_of3A_581] : memref<32x1000000xf32, #tpu.memory_space<hbm>> -> memref<32x128xf32, #tpu.memory_space<hbm>>
      tpu.enqueue_dma source(%dma_start3A_601 : memref<32x128xf32, #tpu.memory_space<hbm>>) target(%dma_start3A_599 : memref<32x128xf32, #tpu.memory_space<vmem>>) target_semaphore(%arg12 : memref<!tpu.dma_semaphore, #tpu.memory_space<semaphore_mem>>)
      %slice3A_602 = vector.extract_strided_slice %get3A_497 {offsets = [11], sizes = [1], strides = [1]} : vector<16xi32> to vector<1xi32>
      %squeeze3A_603 = vector.extract %slice3A_602[0] : i32 from vector<1xi32>
      %shift_right_arithmetic3A_604 = arith.constant 7 : i32
      %shift_right_arithmetic3A_605 = arith.shrsi %squeeze3A_603, %shift_right_arithmetic3A_604 : i32
      %mul3A_606 = arith.constant 128 : i32
      %mul3A_607 = arith.muli %shift_right_arithmetic3A_605, %mul3A_606 : i32
      %multiple_of3A_608 = tpu.assume_multiple %mul3A_607, 128 : i32
      %slice3A_609 = vector.extract_strided_slice %get3A_499 {offsets = [11], sizes = [1], strides = [1]} : vector<16xi32> to vector<1xi32>
      %squeeze3A_610 = vector.extract %slice3A_609[0] : i32 from vector<1xi32>
      %shift_right_arithmetic3A_611 = arith.constant 7 : i32
      %shift_right_arithmetic3A_612 = arith.shrsi %squeeze3A_610, %shift_right_arithmetic3A_611 : i32
      %mul3A_613 = arith.constant 128 : i32
      %mul3A_614 = arith.muli %shift_right_arithmetic3A_612, %mul3A_613 : i32
      %multiple_of3A_615 = tpu.assume_multiple %mul3A_614, 128 : i32
      %dma_start3A_616 = arith.constant 0 : i32
      %dma_start3A_617 = arith.constant 384 : i32
      %dma_start3A_618 = tpu.memref_slice %arg9[%dma_start3A_616, %dma_start3A_617] : memref<32x1024xf32, #tpu.memory_space<vmem>> -> memref<32x128xf32, #tpu.memory_space<vmem>>
      %dma_start3A_619 = arith.constant 0 : i32
      %dma_start3A_620 = tpu.memref_slice %arg4[%dma_start3A_619, %multiple_of3A_608] : memref<32x1000000xf32, #tpu.memory_space<hbm>> -> memref<32x128xf32, #tpu.memory_space<hbm>>
      %dma_start3A_621 = arith.constant 0 : i32
      %dma_start3A_622 = arith.constant 384 : i32
      %dma_start3A_623 = tpu.memref_slice %arg9[%dma_start3A_621, %dma_start3A_622] : memref<32x1024xf32, #tpu.memory_space<vmem>> -> memref<32x128xf32, #tpu.memory_space<vmem>>
      %dma_start3A_624 = arith.constant 0 : i32
      %dma_start3A_625 = tpu.memref_slice %arg4[%dma_start3A_624, %multiple_of3A_608] : memref<32x1000000xf32, #tpu.memory_space<hbm>> -> memref<32x128xf32, #tpu.memory_space<hbm>>
      tpu.enqueue_dma source(%dma_start3A_625 : memref<32x128xf32, #tpu.memory_space<hbm>>) target(%dma_start3A_623 : memref<32x128xf32, #tpu.memory_space<vmem>>) target_semaphore(%arg12 : memref<!tpu.dma_semaphore, #tpu.memory_space<semaphore_mem>>)
      %dma_start3A_626 = arith.constant 0 : i32
      %dma_start3A_627 = arith.constant 384 : i32
      %dma_start3A_628 = tpu.memref_slice %arg10[%dma_start3A_626, %dma_start3A_627] : memref<32x1024xf32, #tpu.memory_space<vmem>> -> memref<32x128xf32, #tpu.memory_space<vmem>>
      %dma_start3A_629 = arith.constant 0 : i32
      %dma_start3A_630 = tpu.memref_slice %arg5[%dma_start3A_629, %multiple_of3A_615] : memref<32x1000000xf32, #tpu.memory_space<hbm>> -> memref<32x128xf32, #tpu.memory_space<hbm>>
      %dma_start3A_631 = arith.constant 0 : i32
      %dma_start3A_632 = arith.constant 384 : i32
      %dma_start3A_633 = tpu.memref_slice %arg10[%dma_start3A_631, %dma_start3A_632] : memref<32x1024xf32, #tpu.memory_space<vmem>> -> memref<32x128xf32, #tpu.memory_space<vmem>>
      %dma_start3A_634 = arith.constant 0 : i32
      %dma_start3A_635 = tpu.memref_slice %arg5[%dma_start3A_634, %multiple_of3A_615] : memref<32x1000000xf32, #tpu.memory_space<hbm>> -> memref<32x128xf32, #tpu.memory_space<hbm>>
      tpu.enqueue_dma source(%dma_start3A_635 : memref<32x128xf32, #tpu.memory_space<hbm>>) target(%dma_start3A_633 : memref<32x128xf32, #tpu.memory_space<vmem>>) target_semaphore(%arg12 : memref<!tpu.dma_semaphore, #tpu.memory_space<semaphore_mem>>)
      %dma_wait3A_636 = arith.constant 0 : i32
      %dma_wait3A_637 = arith.constant 0 : i32
      %dma_wait3A_638 = tpu.memref_slice %arg9[%dma_wait3A_636, %dma_wait3A_637] : memref<32x1024xf32, #tpu.memory_space<vmem>> -> memref<32x512xf32, #tpu.memory_space<vmem>>
      %dma_wait3A_639 = arith.constant 0 : i32
      %dma_wait3A_640 = arith.constant 0 : i32
      %dma_wait3A_641 = tpu.memref_slice %arg4[%dma_wait3A_639, %dma_wait3A_640] : memref<32x1000000xf32, #tpu.memory_space<hbm>> -> memref<32x512xf32, #tpu.memory_space<hbm>>
      %dma_wait3A_642 = arith.constant 0 : i32
      %dma_wait3A_643 = arith.constant 0 : i32
      %dma_wait3A_644 = tpu.memref_slice %arg9[%dma_wait3A_642, %dma_wait3A_643] : memref<32x1024xf32, #tpu.memory_space<vmem>> -> memref<32x512xf32, #tpu.memory_space<vmem>>
      %dma_wait3A_645 = arith.constant 0 : i32
      %dma_wait3A_646 = arith.constant 0 : i32
      %dma_wait3A_647 = tpu.memref_slice %arg4[%dma_wait3A_645, %dma_wait3A_646] : memref<32x1000000xf32, #tpu.memory_space<hbm>> -> memref<32x512xf32, #tpu.memory_space<hbm>>
      tpu.wait_dma2 semaphore(%arg13 : memref<!tpu.dma_semaphore, #tpu.memory_space<semaphore_mem>>) src(%dma_wait3A_647 : memref<32x512xf32, #tpu.memory_space<hbm>>) dst(%dma_wait3A_644 : memref<32x512xf32, #tpu.memory_space<vmem>>)
      %dma_wait3A_648 = arith.constant 0 : i32
      %dma_wait3A_649 = arith.constant 0 : i32
      %dma_wait3A_650 = tpu.memref_slice %arg9[%dma_wait3A_648, %dma_wait3A_649] : memref<32x1024xf32, #tpu.memory_space<vmem>> -> memref<32x512xf32, #tpu.memory_space<vmem>>
      %dma_wait3A_651 = arith.constant 0 : i32
      %dma_wait3A_652 = arith.constant 0 : i32
      %dma_wait3A_653 = tpu.memref_slice %arg4[%dma_wait3A_651, %dma_wait3A_652] : memref<32x1000000xf32, #tpu.memory_space<hbm>> -> memref<32x512xf32, #tpu.memory_space<hbm>>
      %dma_wait3A_654 = arith.constant 0 : i32
      %dma_wait3A_655 = arith.constant 0 : i32
      %dma_wait3A_656 = tpu.memref_slice %arg9[%dma_wait3A_654, %dma_wait3A_655] : memref<32x1024xf32, #tpu.memory_space<vmem>> -> memref<32x512xf32, #tpu.memory_space<vmem>>
      %dma_wait3A_657 = arith.constant 0 : i32
      %dma_wait3A_658 = arith.constant 0 : i32
      %dma_wait3A_659 = tpu.memref_slice %arg4[%dma_wait3A_657, %dma_wait3A_658] : memref<32x1000000xf32, #tpu.memory_space<hbm>> -> memref<32x512xf32, #tpu.memory_space<hbm>>
      tpu.wait_dma2 semaphore(%arg13 : memref<!tpu.dma_semaphore, #tpu.memory_space<semaphore_mem>>) src(%dma_wait3A_659 : memref<32x512xf32, #tpu.memory_space<hbm>>) dst(%dma_wait3A_656 : memref<32x512xf32, #tpu.memory_space<vmem>>)
      %get3A_660 = arith.index_cast %mul3A_286 : i32 to index
      %get3A_661 = tpu.vector_load %arg7[%get3A_660] {strides = array<i32>} : memref<512xi32, #tpu.memory_space<vmem>>, vector<16xi32>,
      %get3A_662 = arith.index_cast %mul3A_286 : i32 to index
      %get3A_663 = tpu.vector_load %arg8[%get3A_662] {strides = array<i32>} : memref<512xi32, #tpu.memory_space<vmem>>, vector<16xi32>,
      %slice3A_664 = vector.extract_strided_slice %get3A_661 {offsets = [4], sizes = [1], strides = [1]} : vector<16xi32> to vector<1xi32>
      %squeeze3A_665 = vector.extract %slice3A_664[0] : i32 from vector<1xi32>
      %and3A_666 = arith.constant 127 : i32
      %and3A_667 = arith.andi %squeeze3A_665, %and3A_666 : i32
      %add3A_668 = arith.constant 512 : i32
      %add3A_669 = arith.addi %and3A_667, %add3A_668 : i32
      %slice3A_670 = vector.extract_strided_slice %get3A_663 {offsets = [4], sizes = [1], strides = [1]} : vector<16xi32> to vector<1xi32>
      %squeeze3A_671 = vector.extract %slice3A_670[0] : i32 from vector<1xi32>
      %and3A_672 = arith.constant 127 : i32
      %and3A_673 = arith.andi %squeeze3A_671, %and3A_672 : i32
      %add3A_674 = arith.constant 512 : i32
      %add3A_675 = arith.addi %and3A_673, %add3A_674 : i32
      %broadcast_in_dim3A_676 = vector.broadcast %add3A_669 : i32 to vector<16xi32>
      %broadcast_in_dim3A_677 = vector.broadcast %add3A_675 : i32 to vector<16xi32>
      %add3A_678 = arith.constant 0 : i32
      %add3A_679 = vector.broadcast %add3A_678 : i32 to vector<16xi32>
      %add3A_680 = arith.addi %iota3A, %add3A_679 : vector<16xi32>
      %gather3A_681 = tpu.vector_load_idx %arg9[%add3A_680, %broadcast_in_dim3A_676] : memref<32x1024xf32, #tpu.memory_space<vmem>>[vector<16xi32>, vector<16xi32>], vector<16xf32>,
      %gather3A_682 = tpu.vector_load_idx %arg10[%add3A_680, %broadcast_in_dim3A_677] : memref<32x1024xf32, #tpu.memory_space<vmem>>[vector<16xi32>, vector<16xi32>], vector<16xf32>,
      %mul3A_683 = arith.mulf %gather3A_681, %gather3A_682 : vector<16xf32>
      %add3A_684 = arith.constant 4 : i32
      %add3A_685 = arith.addi %mul3A_286, %add3A_684 : i32
      %add3A_686 = arith.constant 0 : i32
      %add3A_687 = arith.addi %add3A_685, %add3A_686 : i32
      %mul3A_688 = arith.constant 32 : i32
      %mul3A_689 = arith.muli %add3A_687, %mul3A_688 : i32
      %add3A_690 = arith.constant 0 : i32
      %add3A_691 = arith.addi %mul3A_689, %add3A_690 : i32
      %swap3A_692 = arith.index_cast %add3A_691 : i32 to index
      %swap3A_693 = tpu.vector_load %arg11[%swap3A_692] {strides = array<i32>} : memref<16384xf32, #tpu.memory_space<vmem>>, vector<16xf32>,
      tpu.vector_store %arg11[%swap3A_692], %mul3A_683 {strides = array<i32>} : memref<16384xf32, #tpu.memory_space<vmem>>, vector<16xf32>,
      %add3A_694 = arith.constant 16 : i32
      %add3A_695 = vector.broadcast %add3A_694 : i32 to vector<16xi32>
      %add3A_696 = arith.addi %iota3A, %add3A_695 : vector<16xi32>
      %gather3A_697 = tpu.vector_load_idx %arg9[%add3A_696, %broadcast_in_dim3A_676] : memref<32x1024xf32, #tpu.memory_space<vmem>>[vector<16xi32>, vector<16xi32>], vector<16xf32>,
      %gather3A_698 = tpu.vector_load_idx %arg10[%add3A_696, %broadcast_in_dim3A_677] : memref<32x1024xf32, #tpu.memory_space<vmem>>[vector<16xi32>, vector<16xi32>], vector<16xf32>,
      %mul3A_699 = arith.mulf %gather3A_697, %gather3A_698 : vector<16xf32>
      %add3A_700 = arith.constant 4 : i32
      %add3A_701 = arith.addi %mul3A_286, %add3A_700 : i32
      %add3A_702 = arith.constant 0 : i32
      %add3A_703 = arith.addi %add3A_701, %add3A_702 : i32
      %mul3A_704 = arith.constant 32 : i32
      %mul3A_705 = arith.muli %add3A_703, %mul3A_704 : i32
      %add3A_706 = arith.constant 16 : i32
      %add3A_707 = arith.addi %mul3A_705, %add3A_706 : i32
      %swap3A_708 = arith.index_cast %add3A_707 : i32 to index
      %swap3A_709 = tpu.vector_load %arg11[%swap3A_708] {strides = array<i32>} : memref<16384xf32, #tpu.memory_space<vmem>>, vector<16xf32>,
      tpu.vector_store %arg11[%swap3A_708], %mul3A_699 {strides = array<i32>} : memref<16384xf32, #tpu.memory_space<vmem>>, vector<16xf32>,
      %slice3A_710 = vector.extract_strided_slice %get3A_661 {offsets = [5], sizes = [1], strides = [1]} : vector<16xi32> to vector<1xi32>
      %squeeze3A_711 = vector.extract %slice3A_710[0] : i32 from vector<1xi32>
      %and3A_712 = arith.constant 127 : i32
      %and3A_713 = arith.andi %squeeze3A_711, %and3A_712 : i32
      %add3A_714 = arith.constant 640 : i32
      %add3A_715 = arith.addi %and3A_713, %add3A_714 : i32
      %slice3A_716 = vector.extract_strided_slice %get3A_663 {offsets = [5], sizes = [1], strides = [1]} : vector<16xi32> to vector<1xi32>
      %squeeze3A_717 = vector.extract %slice3A_716[0] : i32 from vector<1xi32>
      %and3A_718 = arith.constant 127 : i32
      %and3A_719 = arith.andi %squeeze3A_717, %and3A_718 : i32
      %add3A_720 = arith.constant 640 : i32
      %add3A_721 = arith.addi %and3A_719, %add3A_720 : i32
      %broadcast_in_dim3A_722 = vector.broadcast %add3A_715 : i32 to vector<16xi32>
      %broadcast_in_dim3A_723 = vector.broadcast %add3A_721 : i32 to vector<16xi32>
      %add3A_724 = arith.constant 0 : i32
      %add3A_725 = vector.broadcast %add3A_724 : i32 to vector<16xi32>
      %add3A_726 = arith.addi %iota3A, %add3A_725 : vector<16xi32>
      %gather3A_727 = tpu.vector_load_idx %arg9[%add3A_726, %broadcast_in_dim3A_722] : memref<32x1024xf32, #tpu.memory_space<vmem>>[vector<16xi32>, vector<16xi32>], vector<16xf32>,
      %gather3A_728 = tpu.vector_load_idx %arg10[%add3A_726, %broadcast_in_dim3A_723] : memref<32x1024xf32, #tpu.memory_space<vmem>>[vector<16xi32>, vector<16xi32>], vector<16xf32>,
      %mul3A_729 = arith.mulf %gather3A_727, %gather3A_728 : vector<16xf32>
      %add3A_730 = arith.constant 4 : i32
      %add3A_731 = arith.addi %mul3A_286, %add3A_730 : i32
      %add3A_732 = arith.constant 1 : i32
      %add3A_733 = arith.addi %add3A_731, %add3A_732 : i32
      %mul3A_734 = arith.constant 32 : i32
      %mul3A_735 = arith.muli %add3A_733, %mul3A_734 : i32
      %add3A_736 = arith.constant 0 : i32
      %add3A_737 = arith.addi %mul3A_735, %add3A_736 : i32
      %swap3A_738 = arith.index_cast %add3A_737 : i32 to index
      %swap3A_739 = tpu.vector_load %arg11[%swap3A_738] {strides = array<i32>} : memref<16384xf32, #tpu.memory_space<vmem>>, vector<16xf32>,
      tpu.vector_store %arg11[%swap3A_738], %mul3A_729 {strides = array<i32>} : memref<16384xf32, #tpu.memory_space<vmem>>, vector<16xf32>,
      %add3A_740 = arith.constant 16 : i32
      %add3A_741 = vector.broadcast %add3A_740 : i32 to vector<16xi32>
      %add3A_742 = arith.addi %iota3A, %add3A_741 : vector<16xi32>
      %gather3A_743 = tpu.vector_load_idx %arg9[%add3A_742, %broadcast_in_dim3A_722] : memref<32x1024xf32, #tpu.memory_space<vmem>>[vector<16xi32>, vector<16xi32>], vector<16xf32>,
      %gather3A_744 = tpu.vector_load_idx %arg10[%add3A_742, %broadcast_in_dim3A_723] : memref<32x1024xf32, #tpu.memory_space<vmem>>[vector<16xi32>, vector<16xi32>], vector<16xf32>,
      %mul3A_745 = arith.mulf %gather3A_743, %gather3A_744 : vector<16xf32>
      %add3A_746 = arith.constant 4 : i32
      %add3A_747 = arith.addi %mul3A_286, %add3A_746 : i32
      %add3A_748 = arith.constant 1 : i32
      %add3A_749 = arith.addi %add3A_747, %add3A_748 : i32
      %mul3A_750 = arith.constant 32 : i32
      %mul3A_751 = arith.muli %add3A_749, %mul3A_750 : i32
      %add3A_752 = arith.constant 16 : i32
      %add3A_753 = arith.addi %mul3A_751, %add3A_752 : i32
      %swap3A_754 = arith.index_cast %add3A_753 : i32 to index
      %swap3A_755 = tpu.vector_load %arg11[%swap3A_754] {strides = array<i32>} : memref<16384xf32, #tpu.memory_space<vmem>>, vector<16xf32>,
      tpu.vector_store %arg11[%swap3A_754], %mul3A_745 {strides = array<i32>} : memref<16384xf32, #tpu.memory_space<vmem>>, vector<16xf32>,
      %slice3A_756 = vector.extract_strided_slice %get3A_661 {offsets = [6], sizes = [1], strides = [1]} : vector<16xi32> to vector<1xi32>
      %squeeze3A_757 = vector.extract %slice3A_756[0] : i32 from vector<1xi32>
      %and3A_758 = arith.constant 127 : i32
      %and3A_759 = arith.andi %squeeze3A_757, %and3A_758 : i32
      %add3A_760 = arith.constant 768 : i32
      %add3A_761 = arith.addi %and3A_759, %add3A_760 : i32
      %slice3A_762 = vector.extract_strided_slice %get3A_663 {offsets = [6], sizes = [1], strides = [1]} : vector<16xi32> to vector<1xi32>
      %squeeze3A_763 = vector.extract %slice3A_762[0] : i32 from vector<1xi32>
      %and3A_764 = arith.constant 127 : i32
      %and3A_765 = arith.andi %squeeze3A_763, %and3A_764 : i32
      %add3A_766 = arith.constant 768 : i32
      %add3A_767 = arith.addi %and3A_765, %add3A_766 : i32
      %broadcast_in_dim3A_768 = vector.broadcast %add3A_761 : i32 to vector<16xi32>
      %broadcast_in_dim3A_769 = vector.broadcast %add3A_767 : i32 to vector<16xi32>
      %add3A_770 = arith.constant 0 : i32
      %add3A_771 = vector.broadcast %add3A_770 : i32 to vector<16xi32>
      %add3A_772 = arith.addi %iota3A, %add3A_771 : vector<16xi32>
      %gather3A_773 = tpu.vector_load_idx %arg9[%add3A_772, %broadcast_in_dim3A_768] : memref<32x1024xf32, #tpu.memory_space<vmem>>[vector<16xi32>, vector<16xi32>], vector<16xf32>,
      %gather3A_774 = tpu.vector_load_idx %arg10[%add3A_772, %broadcast_in_dim3A_769] : memref<32x1024xf32, #tpu.memory_space<vmem>>[vector<16xi32>, vector<16xi32>], vector<16xf32>,
      %mul3A_775 = arith.mulf %gather3A_773, %gather3A_774 : vector<16xf32>
      %add3A_776 = arith.constant 4 : i32
      %add3A_777 = arith.addi %mul3A_286, %add3A_776 : i32
      %add3A_778 = arith.constant 2 : i32
      %add3A_779 = arith.addi %add3A_777, %add3A_778 : i32
      %mul3A_780 = arith.constant 32 : i32
      %mul3A_781 = arith.muli %add3A_779, %mul3A_780 : i32
      %add3A_782 = arith.constant 0 : i32
      %add3A_783 = arith.addi %mul3A_781, %add3A_782 : i32
      %swap3A_784 = arith.index_cast %add3A_783 : i32 to index
      %swap3A_785 = tpu.vector_load %arg11[%swap3A_784] {strides = array<i32>} : memref<16384xf32, #tpu.memory_space<vmem>>, vector<16xf32>,
      tpu.vector_store %arg11[%swap3A_784], %mul3A_775 {strides = array<i32>} : memref<16384xf32, #tpu.memory_space<vmem>>, vector<16xf32>,
      %add3A_786 = arith.constant 16 : i32
      %add3A_787 = vector.broadcast %add3A_786 : i32 to vector<16xi32>
      %add3A_788 = arith.addi %iota3A, %add3A_787 : vector<16xi32>
      %gather3A_789 = tpu.vector_load_idx %arg9[%add3A_788, %broadcast_in_dim3A_768] : memref<32x1024xf32, #tpu.memory_space<vmem>>[vector<16xi32>, vector<16xi32>], vector<16xf32>,
      %gather3A_790 = tpu.vector_load_idx %arg10[%add3A_788, %broadcast_in_dim3A_769] : memref<32x1024xf32, #tpu.memory_space<vmem>>[vector<16xi32>, vector<16xi32>], vector<16xf32>,
      %mul3A_791 = arith.mulf %gather3A_789, %gather3A_790 : vector<16xf32>
      %add3A_792 = arith.constant 4 : i32
      %add3A_793 = arith.addi %mul3A_286, %add3A_792 : i32
      %add3A_794 = arith.constant 2 : i32
      %add3A_795 = arith.addi %add3A_793, %add3A_794 : i32
      %mul3A_796 = arith.constant 32 : i32
      %mul3A_797 = arith.muli %add3A_795, %mul3A_796 : i32
      %add3A_798 = arith.constant 16 : i32
      %add3A_799 = arith.addi %mul3A_797, %add3A_798 : i32
      %swap3A_800 = arith.index_cast %add3A_799 : i32 to index
      %swap3A_801 = tpu.vector_load %arg11[%swap3A_800] {strides = array<i32>} : memref<16384xf32, #tpu.memory_space<vmem>>, vector<16xf32>,
      tpu.vector_store %arg11[%swap3A_800], %mul3A_791 {strides = array<i32>} : memref<16384xf32, #tpu.memory_space<vmem>>, vector<16xf32>,
      %slice3A_802 = vector.extract_strided_slice %get3A_661 {offsets = [7], sizes = [1], strides = [1]} : vector<16xi32> to vector<1xi32>
      %squeeze3A_803 = vector.extract %slice3A_802[0] : i32 from vector<1xi32>
      %and3A_804 = arith.constant 127 : i32
      %and3A_805 = arith.andi %squeeze3A_803, %and3A_804 : i32
      %add3A_806 = arith.constant 896 : i32
      %add3A_807 = arith.addi %and3A_805, %add3A_806 : i32
      %slice3A_808 = vector.extract_strided_slice %get3A_663 {offsets = [7], sizes = [1], strides = [1]} : vector<16xi32> to vector<1xi32>
      %squeeze3A_809 = vector.extract %slice3A_808[0] : i32 from vector<1xi32>
      %and3A_810 = arith.constant 127 : i32
      %and3A_811 = arith.andi %squeeze3A_809, %and3A_810 : i32
      %add3A_812 = arith.constant 896 : i32
      %add3A_813 = arith.addi %and3A_811, %add3A_812 : i32
      %broadcast_in_dim3A_814 = vector.broadcast %add3A_807 : i32 to vector<16xi32>
      %broadcast_in_dim3A_815 = vector.broadcast %add3A_813 : i32 to vector<16xi32>
      %add3A_816 = arith.constant 0 : i32
      %add3A_817 = vector.broadcast %add3A_816 : i32 to vector<16xi32>
      %add3A_818 = arith.addi %iota3A, %add3A_817 : vector<16xi32>
      %gather3A_819 = tpu.vector_load_idx %arg9[%add3A_818, %broadcast_in_dim3A_814] : memref<32x1024xf32, #tpu.memory_space<vmem>>[vector<16xi32>, vector<16xi32>], vector<16xf32>,
      %gather3A_820 = tpu.vector_load_idx %arg10[%add3A_818, %broadcast_in_dim3A_815] : memref<32x1024xf32, #tpu.memory_space<vmem>>[vector<16xi32>, vector<16xi32>], vector<16xf32>,
      %mul3A_821 = arith.mulf %gather3A_819, %gather3A_820 : vector<16xf32>
      %add3A_822 = arith.constant 4 : i32
      %add3A_823 = arith.addi %mul3A_286, %add3A_822 : i32
      %add3A_824 = arith.constant 3 : i32
      %add3A_825 = arith.addi %add3A_823, %add3A_824 : i32
      %mul3A_826 = arith.constant 32 : i32
      %mul3A_827 = arith.muli %add3A_825, %mul3A_826 : i32
      %add3A_828 = arith.constant 0 : i32
      %add3A_829 = arith.addi %mul3A_827, %add3A_828 : i32
      %swap3A_830 = arith.index_cast %add3A_829 : i32 to index
      %swap3A_831 = tpu.vector_load %arg11[%swap3A_830] {strides = array<i32>} : memref<16384xf32, #tpu.memory_space<vmem>>, vector<16xf32>,
      tpu.vector_store %arg11[%swap3A_830], %mul3A_821 {strides = array<i32>} : memref<16384xf32, #tpu.memory_space<vmem>>, vector<16xf32>,
      %add3A_832 = arith.constant 16 : i32
      %add3A_833 = vector.broadcast %add3A_832 : i32 to vector<16xi32>
      %add3A_834 = arith.addi %iota3A, %add3A_833 : vector<16xi32>
      %gather3A_835 = tpu.vector_load_idx %arg9[%add3A_834, %broadcast_in_dim3A_814] : memref<32x1024xf32, #tpu.memory_space<vmem>>[vector<16xi32>, vector<16xi32>], vector<16xf32>,
      %gather3A_836 = tpu.vector_load_idx %arg10[%add3A_834, %broadcast_in_dim3A_815] : memref<32x1024xf32, #tpu.memory_space<vmem>>[vector<16xi32>, vector<16xi32>], vector<16xf32>,
      %mul3A_837 = arith.mulf %gather3A_835, %gather3A_836 : vector<16xf32>
      %add3A_838 = arith.constant 4 : i32
      %add3A_839 = arith.addi %mul3A_286, %add3A_838 : i32
      %add3A_840 = arith.constant 3 : i32
      %add3A_841 = arith.addi %add3A_839, %add3A_840 : i32
      %mul3A_842 = arith.constant 32 : i32
      %mul3A_843 = arith.muli %add3A_841, %mul3A_842 : i32
      %add3A_844 = arith.constant 16 : i32
      %add3A_845 = arith.addi %mul3A_843, %add3A_844 : i32
      %swap3A_846 = arith.index_cast %add3A_845 : i32 to index
      %swap3A_847 = tpu.vector_load %arg11[%swap3A_846] {strides = array<i32>} : memref<16384xf32, #tpu.memory_space<vmem>>, vector<16xf32>,
      tpu.vector_store %arg11[%swap3A_846], %mul3A_837 {strides = array<i32>} : memref<16384xf32, #tpu.memory_space<vmem>>, vector<16xf32>,
      %add3A_848 = arith.constant 0 : i32
      %add3A_849 = arith.addi %mul3A_286, %add3A_848 : i32
      %get3A_850 = arith.index_cast %add3A_849 : i32 to index
      %get3A_851 = tpu.vector_load %arg7[%get3A_850] {strides = array<i32>} : memref<512xi32, #tpu.memory_space<vmem>>, vector<16xi32>,
      %get3A_852 = arith.index_cast %add3A_849 : i32 to index
      %get3A_853 = tpu.vector_load %arg8[%get3A_852] {strides = array<i32>} : memref<512xi32, #tpu.memory_space<vmem>>, vector<16xi32>,
      %slice3A_854 = vector.extract_strided_slice %get3A_851 {offsets = [12], sizes = [1], strides = [1]} : vector<16xi32> to vector<1xi32>
      %squeeze3A_855 = vector.extract %slice3A_854[0] : i32 from vector<1xi32>
      %shift_right_arithmetic3A_856 = arith.constant 7 : i32
      %shift_right_arithmetic3A_857 = arith.shrsi %squeeze3A_855, %shift_right_arithmetic3A_856 : i32
      %mul3A_858 = arith.constant 128 : i32
      %mul3A_859 = arith.muli %shift_right_arithmetic3A_857, %mul3A_858 : i32
      %multiple_of3A_860 = tpu.assume_multiple %mul3A_859, 128 : i32
      %slice3A_861 = vector.extract_strided_slice %get3A_853 {offsets = [12], sizes = [1], strides = [1]} : vector<16xi32> to vector<1xi32>
      %squeeze3A_862 = vector.extract %slice3A_861[0] : i32 from vector<1xi32>
      %shift_right_arithmetic3A_863 = arith.constant 7 : i32
      %shift_right_arithmetic3A_864 = arith.shrsi %squeeze3A_862, %shift_right_arithmetic3A_863 : i32
      %mul3A_865 = arith.constant 128 : i32
      %mul3A_866 = arith.muli %shift_right_arithmetic3A_864, %mul3A_865 : i32
      %multiple_of3A_867 = tpu.assume_multiple %mul3A_866, 128 : i32
      %dma_start3A_868 = arith.constant 0 : i32
      %dma_start3A_869 = arith.constant 512 : i32
      %dma_start3A_870 = tpu.memref_slice %arg9[%dma_start3A_868, %dma_start3A_869] : memref<32x1024xf32, #tpu.memory_space<vmem>> -> memref<32x128xf32, #tpu.memory_space<vmem>>
      %dma_start3A_871 = arith.constant 0 : i32
      %dma_start3A_872 = tpu.memref_slice %arg4[%dma_start3A_871, %multiple_of3A_860] : memref<32x1000000xf32, #tpu.memory_space<hbm>> -> memref<32x128xf32, #tpu.memory_space<hbm>>
      %dma_start3A_873 = arith.constant 0 : i32
      %dma_start3A_874 = arith.constant 512 : i32
      %dma_start3A_875 = tpu.memref_slice %arg9[%dma_start3A_873, %dma_start3A_874] : memref<32x1024xf32, #tpu.memory_space<vmem>> -> memref<32x128xf32, #tpu.memory_space<vmem>>
      %dma_start3A_876 = arith.constant 0 : i32
      %dma_start3A_877 = tpu.memref_slice %arg4[%dma_start3A_876, %multiple_of3A_860] : memref<32x1000000xf32, #tpu.memory_space<hbm>> -> memref<32x128xf32, #tpu.memory_space<hbm>>
      tpu.enqueue_dma source(%dma_start3A_877 : memref<32x128xf32, #tpu.memory_space<hbm>>) target(%dma_start3A_875 : memref<32x128xf32, #tpu.memory_space<vmem>>) target_semaphore(%arg13 : memref<!tpu.dma_semaphore, #tpu.memory_space<semaphore_mem>>)
      %dma_start3A_878 = arith.constant 0 : i32
      %dma_start3A_879 = arith.constant 512 : i32
      %dma_start3A_880 = tpu.memref_slice %arg10[%dma_start3A_878, %dma_start3A_879] : memref<32x1024xf32, #tpu.memory_space<vmem>> -> memref<32x128xf32, #tpu.memory_space<vmem>>
      %dma_start3A_881 = arith.constant 0 : i32
      %dma_start3A_882 = tpu.memref_slice %arg5[%dma_start3A_881, %multiple_of3A_867] : memref<32x1000000xf32, #tpu.memory_space<hbm>> -> memref<32x128xf32, #tpu.memory_space<hbm>>
      %dma_start3A_883 = arith.constant 0 : i32
      %dma_start3A_884 = arith.constant 512 : i32
      %dma_start3A_885 = tpu.memref_slice %arg10[%dma_start3A_883, %dma_start3A_884] : memref<32x1024xf32, #tpu.memory_space<vmem>> -> memref<32x128xf32, #tpu.memory_space<vmem>>
      %dma_start3A_886 = arith.constant 0 : i32
      %dma_start3A_887 = tpu.memref_slice %arg5[%dma_start3A_886, %multiple_of3A_867] : memref<32x1000000xf32, #tpu.memory_space<hbm>> -> memref<32x128xf32, #tpu.memory_space<hbm>>
      tpu.enqueue_dma source(%dma_start3A_887 : memref<32x128xf32, #tpu.memory_space<hbm>>) target(%dma_start3A_885 : memref<32x128xf32, #tpu.memory_space<vmem>>) target_semaphore(%arg13 : memref<!tpu.dma_semaphore, #tpu.memory_space<semaphore_mem>>)
      %slice3A_888 = vector.extract_strided_slice %get3A_851 {offsets = [13], sizes = [1], strides = [1]} : vector<16xi32> to vector<1xi32>
      %squeeze3A_889 = vector.extract %slice3A_888[0] : i32 from vector<1xi32>
      %shift_right_arithmetic3A_890 = arith.constant 7 : i32
      %shift_right_arithmetic3A_891 = arith.shrsi %squeeze3A_889, %shift_right_arithmetic3A_890 : i32
      %mul3A_892 = arith.constant 128 : i32
      %mul3A_893 = arith.muli %shift_right_arithmetic3A_891, %mul3A_892 : i32
      %multiple_of3A_894 = tpu.assume_multiple %mul3A_893, 128 : i32
      %slice3A_895 = vector.extract_strided_slice %get3A_853 {offsets = [13], sizes = [1], strides = [1]} : vector<16xi32> to vector<1xi32>
      %squeeze3A_896 = vector.extract %slice3A_895[0] : i32 from vector<1xi32>
      %shift_right_arithmetic3A_897 = arith.constant 7 : i32
      %shift_right_arithmetic3A_898 = arith.shrsi %squeeze3A_896, %shift_right_arithmetic3A_897 : i32
      %mul3A_899 = arith.constant 128 : i32
      %mul3A_900 = arith.muli %shift_right_arithmetic3A_898, %mul3A_899 : i32
      %multiple_of3A_901 = tpu.assume_multiple %mul3A_900, 128 : i32
      %dma_start3A_902 = arith.constant 0 : i32
      %dma_start3A_903 = arith.constant 640 : i32
      %dma_start3A_904 = tpu.memref_slice %arg9[%dma_start3A_902, %dma_start3A_903] : memref<32x1024xf32, #tpu.memory_space<vmem>> -> memref<32x128xf32, #tpu.memory_space<vmem>>
      %dma_start3A_905 = arith.constant 0 : i32
      %dma_start3A_906 = tpu.memref_slice %arg4[%dma_start3A_905, %multiple_of3A_894] : memref<32x1000000xf32, #tpu.memory_space<hbm>> -> memref<32x128xf32, #tpu.memory_space<hbm>>
      %dma_start3A_907 = arith.constant 0 : i32
      %dma_start3A_908 = arith.constant 640 : i32
      %dma_start3A_909 = tpu.memref_slice %arg9[%dma_start3A_907, %dma_start3A_908] : memref<32x1024xf32, #tpu.memory_space<vmem>> -> memref<32x128xf32, #tpu.memory_space<vmem>>
      %dma_start3A_910 = arith.constant 0 : i32
      %dma_start3A_911 = tpu.memref_slice %arg4[%dma_start3A_910, %multiple_of3A_894] : memref<32x1000000xf32, #tpu.memory_space<hbm>> -> memref<32x128xf32, #tpu.memory_space<hbm>>
      tpu.enqueue_dma source(%dma_start3A_911 : memref<32x128xf32, #tpu.memory_space<hbm>>) target(%dma_start3A_909 : memref<32x128xf32, #tpu.memory_space<vmem>>) target_semaphore(%arg13 : memref<!tpu.dma_semaphore, #tpu.memory_space<semaphore_mem>>)
      %dma_start3A_912 = arith.constant 0 : i32
      %dma_start3A_913 = arith.constant 640 : i32
      %dma_start3A_914 = tpu.memref_slice %arg10[%dma_start3A_912, %dma_start3A_913] : memref<32x1024xf32, #tpu.memory_space<vmem>> -> memref<32x128xf32, #tpu.memory_space<vmem>>
      %dma_start3A_915 = arith.constant 0 : i32
      %dma_start3A_916 = tpu.memref_slice %arg5[%dma_start3A_915, %multiple_of3A_901] : memref<32x1000000xf32, #tpu.memory_space<hbm>> -> memref<32x128xf32, #tpu.memory_space<hbm>>
      %dma_start3A_917 = arith.constant 0 : i32
      %dma_start3A_918 = arith.constant 640 : i32
      %dma_start3A_919 = tpu.memref_slice %arg10[%dma_start3A_917, %dma_start3A_918] : memref<32x1024xf32, #tpu.memory_space<vmem>> -> memref<32x128xf32, #tpu.memory_space<vmem>>
      %dma_start3A_920 = arith.constant 0 : i32
      %dma_start3A_921 = tpu.memref_slice %arg5[%dma_start3A_920, %multiple_of3A_901] : memref<32x1000000xf32, #tpu.memory_space<hbm>> -> memref<32x128xf32, #tpu.memory_space<hbm>>
      tpu.enqueue_dma source(%dma_start3A_921 : memref<32x128xf32, #tpu.memory_space<hbm>>) target(%dma_start3A_919 : memref<32x128xf32, #tpu.memory_space<vmem>>) target_semaphore(%arg13 : memref<!tpu.dma_semaphore, #tpu.memory_space<semaphore_mem>>)
      %slice3A_922 = vector.extract_strided_slice %get3A_851 {offsets = [14], sizes = [1], strides = [1]} : vector<16xi32> to vector<1xi32>
      %squeeze3A_923 = vector.extract %slice3A_922[0] : i32 from vector<1xi32>
      %shift_right_arithmetic3A_924 = arith.constant 7 : i32
      %shift_right_arithmetic3A_925 = arith.shrsi %squeeze3A_923, %shift_right_arithmetic3A_924 : i32
      %mul3A_926 = arith.constant 128 : i32
      %mul3A_927 = arith.muli %shift_right_arithmetic3A_925, %mul3A_926 : i32
      %multiple_of3A_928 = tpu.assume_multiple %mul3A_927, 128 : i32
      %slice3A_929 = vector.extract_strided_slice %get3A_853 {offsets = [14], sizes = [1], strides = [1]} : vector<16xi32> to vector<1xi32>
      %squeeze3A_930 = vector.extract %slice3A_929[0] : i32 from vector<1xi32>
      %shift_right_arithmetic3A_931 = arith.constant 7 : i32
      %shift_right_arithmetic3A_932 = arith.shrsi %squeeze3A_930, %shift_right_arithmetic3A_931 : i32
      %mul3A_933 = arith.constant 128 : i32
      %mul3A_934 = arith.muli %shift_right_arithmetic3A_932, %mul3A_933 : i32
      %multiple_of3A_935 = tpu.assume_multiple %mul3A_934, 128 : i32
      %dma_start3A_936 = arith.constant 0 : i32
      %dma_start3A_937 = arith.constant 768 : i32
      %dma_start3A_938 = tpu.memref_slice %arg9[%dma_start3A_936, %dma_start3A_937] : memref<32x1024xf32, #tpu.memory_space<vmem>> -> memref<32x128xf32, #tpu.memory_space<vmem>>
      %dma_start3A_939 = arith.constant 0 : i32
      %dma_start3A_940 = tpu.memref_slice %arg4[%dma_start3A_939, %multiple_of3A_928] : memref<32x1000000xf32, #tpu.memory_space<hbm>> -> memref<32x128xf32, #tpu.memory_space<hbm>>
      %dma_start3A_941 = arith.constant 0 : i32
      %dma_start3A_942 = arith.constant 768 : i32
      %dma_start3A_943 = tpu.memref_slice %arg9[%dma_start3A_941, %dma_start3A_942] : memref<32x1024xf32, #tpu.memory_space<vmem>> -> memref<32x128xf32, #tpu.memory_space<vmem>>
      %dma_start3A_944 = arith.constant 0 : i32
      %dma_start3A_945 = tpu.memref_slice %arg4[%dma_start3A_944, %multiple_of3A_928] : memref<32x1000000xf32, #tpu.memory_space<hbm>> -> memref<32x128xf32, #tpu.memory_space<hbm>>
      tpu.enqueue_dma source(%dma_start3A_945 : memref<32x128xf32, #tpu.memory_space<hbm>>) target(%dma_start3A_943 : memref<32x128xf32, #tpu.memory_space<vmem>>) target_semaphore(%arg13 : memref<!tpu.dma_semaphore, #tpu.memory_space<semaphore_mem>>)
      %dma_start3A_946 = arith.constant 0 : i32
      %dma_start3A_947 = arith.constant 768 : i32
      %dma_start3A_948 = tpu.memref_slice %arg10[%dma_start3A_946, %dma_start3A_947] : memref<32x1024xf32, #tpu.memory_space<vmem>> -> memref<32x128xf32, #tpu.memory_space<vmem>>
      %dma_start3A_949 = arith.constant 0 : i32
      %dma_start3A_950 = tpu.memref_slice %arg5[%dma_start3A_949, %multiple_of3A_935] : memref<32x1000000xf32, #tpu.memory_space<hbm>> -> memref<32x128xf32, #tpu.memory_space<hbm>>
      %dma_start3A_951 = arith.constant 0 : i32
      %dma_start3A_952 = arith.constant 768 : i32
      %dma_start3A_953 = tpu.memref_slice %arg10[%dma_start3A_951, %dma_start3A_952] : memref<32x1024xf32, #tpu.memory_space<vmem>> -> memref<32x128xf32, #tpu.memory_space<vmem>>
      %dma_start3A_954 = arith.constant 0 : i32
      %dma_start3A_955 = tpu.memref_slice %arg5[%dma_start3A_954, %multiple_of3A_935] : memref<32x1000000xf32, #tpu.memory_space<hbm>> -> memref<32x128xf32, #tpu.memory_space<hbm>>
      tpu.enqueue_dma source(%dma_start3A_955 : memref<32x128xf32, #tpu.memory_space<hbm>>) target(%dma_start3A_953 : memref<32x128xf32, #tpu.memory_space<vmem>>) target_semaphore(%arg13 : memref<!tpu.dma_semaphore, #tpu.memory_space<semaphore_mem>>)
      %slice3A_956 = vector.extract_strided_slice %get3A_851 {offsets = [15], sizes = [1], strides = [1]} : vector<16xi32> to vector<1xi32>
      %squeeze3A_957 = vector.extract %slice3A_956[0] : i32 from vector<1xi32>
      %shift_right_arithmetic3A_958 = arith.constant 7 : i32
      %shift_right_arithmetic3A_959 = arith.shrsi %squeeze3A_957, %shift_right_arithmetic3A_958 : i32
      %mul3A_960 = arith.constant 128 : i32
      %mul3A_961 = arith.muli %shift_right_arithmetic3A_959, %mul3A_960 : i32
      %multiple_of3A_962 = tpu.assume_multiple %mul3A_961, 128 : i32
      %slice3A_963 = vector.extract_strided_slice %get3A_853 {offsets = [15], sizes = [1], strides = [1]} : vector<16xi32> to vector<1xi32>
      %squeeze3A_964 = vector.extract %slice3A_963[0] : i32 from vector<1xi32>
      %shift_right_arithmetic3A_965 = arith.constant 7 : i32
      %shift_right_arithmetic3A_966 = arith.shrsi %squeeze3A_964, %shift_right_arithmetic3A_965 : i32
      %mul3A_967 = arith.constant 128 : i32
      %mul3A_968 = arith.muli %shift_right_arithmetic3A_966, %mul3A_967 : i32
      %multiple_of3A_969 = tpu.assume_multiple %mul3A_968, 128 : i32
      %dma_start3A_970 = arith.constant 0 : i32
      %dma_start3A_971 = arith.constant 896 : i32
      %dma_start3A_972 = tpu.memref_slice %arg9[%dma_start3A_970, %dma_start3A_971] : memref<32x1024xf32, #tpu.memory_space<vmem>> -> memref<32x128xf32, #tpu.memory_space<vmem>>
      %dma_start3A_973 = arith.constant 0 : i32
      %dma_start3A_974 = tpu.memref_slice %arg4[%dma_start3A_973, %multiple_of3A_962] : memref<32x1000000xf32, #tpu.memory_space<hbm>> -> memref<32x128xf32, #tpu.memory_space<hbm>>
      %dma_start3A_975 = arith.constant 0 : i32
      %dma_start3A_976 = arith.constant 896 : i32
      %dma_start3A_977 = tpu.memref_slice %arg9[%dma_start3A_975, %dma_start3A_976] : memref<32x1024xf32, #tpu.memory_space<vmem>> -> memref<32x128xf32, #tpu.memory_space<vmem>>
      %dma_start3A_978 = arith.constant 0 : i32
      %dma_start3A_979 = tpu.memref_slice %arg4[%dma_start3A_978, %multiple_of3A_962] : memref<32x1000000xf32, #tpu.memory_space<hbm>> -> memref<32x128xf32, #tpu.memory_space<hbm>>
      tpu.enqueue_dma source(%dma_start3A_979 : memref<32x128xf32, #tpu.memory_space<hbm>>) target(%dma_start3A_977 : memref<32x128xf32, #tpu.memory_space<vmem>>) target_semaphore(%arg13 : memref<!tpu.dma_semaphore, #tpu.memory_space<semaphore_mem>>)
      %dma_start3A_980 = arith.constant 0 : i32
      %dma_start3A_981 = arith.constant 896 : i32
      %dma_start3A_982 = tpu.memref_slice %arg10[%dma_start3A_980, %dma_start3A_981] : memref<32x1024xf32, #tpu.memory_space<vmem>> -> memref<32x128xf32, #tpu.memory_space<vmem>>
      %dma_start3A_983 = arith.constant 0 : i32
      %dma_start3A_984 = tpu.memref_slice %arg5[%dma_start3A_983, %multiple_of3A_969] : memref<32x1000000xf32, #tpu.memory_space<hbm>> -> memref<32x128xf32, #tpu.memory_space<hbm>>
      %dma_start3A_985 = arith.constant 0 : i32
      %dma_start3A_986 = arith.constant 896 : i32
      %dma_start3A_987 = tpu.memref_slice %arg10[%dma_start3A_985, %dma_start3A_986] : memref<32x1024xf32, #tpu.memory_space<vmem>> -> memref<32x128xf32, #tpu.memory_space<vmem>>
      %dma_start3A_988 = arith.constant 0 : i32
      %dma_start3A_989 = tpu.memref_slice %arg5[%dma_start3A_988, %multiple_of3A_969] : memref<32x1000000xf32, #tpu.memory_space<hbm>> -> memref<32x128xf32, #tpu.memory_space<hbm>>
      tpu.enqueue_dma source(%dma_start3A_989 : memref<32x128xf32, #tpu.memory_space<hbm>>) target(%dma_start3A_987 : memref<32x128xf32, #tpu.memory_space<vmem>>) target_semaphore(%arg13 : memref<!tpu.dma_semaphore, #tpu.memory_space<semaphore_mem>>)
      %dma_wait3A_990 = arith.constant 0 : i32
      %dma_wait3A_991 = arith.constant 0 : i32
      %dma_wait3A_992 = tpu.memref_slice %arg9[%dma_wait3A_990, %dma_wait3A_991] : memref<32x1024xf32, #tpu.memory_space<vmem>> -> memref<32x512xf32, #tpu.memory_space<vmem>>
      %dma_wait3A_993 = arith.constant 0 : i32
      %dma_wait3A_994 = arith.constant 0 : i32
      %dma_wait3A_995 = tpu.memref_slice %arg4[%dma_wait3A_993, %dma_wait3A_994] : memref<32x1000000xf32, #tpu.memory_space<hbm>> -> memref<32x512xf32, #tpu.memory_space<hbm>>
      %dma_wait3A_996 = arith.constant 0 : i32
      %dma_wait3A_997 = arith.constant 0 : i32
      %dma_wait3A_998 = tpu.memref_slice %arg9[%dma_wait3A_996, %dma_wait3A_997] : memref<32x1024xf32, #tpu.memory_space<vmem>> -> memref<32x512xf32, #tpu.memory_space<vmem>>
      %dma_wait3A_999 = arith.constant 0 : i32
      %dma_wait3A_1000 = arith.constant 0 : i32
      %dma_wait3A_1001 = tpu.memref_slice %arg4[%dma_wait3A_999, %dma_wait3A_1000] : memref<32x1000000xf32, #tpu.memory_space<hbm>> -> memref<32x512xf32, #tpu.memory_space<hbm>>
      tpu.wait_dma2 semaphore(%arg12 : memref<!tpu.dma_semaphore, #tpu.memory_space<semaphore_mem>>) src(%dma_wait3A_1001 : memref<32x512xf32, #tpu.memory_space<hbm>>) dst(%dma_wait3A_998 : memref<32x512xf32, #tpu.memory_space<vmem>>)
      %dma_wait3A_1002 = arith.constant 0 : i32
      %dma_wait3A_1003 = arith.constant 0 : i32
      %dma_wait3A_1004 = tpu.memref_slice %arg9[%dma_wait3A_1002, %dma_wait3A_1003] : memref<32x1024xf32, #tpu.memory_space<vmem>> -> memref<32x512xf32, #tpu.memory_space<vmem>>
      %dma_wait3A_1005 = arith.constant 0 : i32
      %dma_wait3A_1006 = arith.constant 0 : i32
      %dma_wait3A_1007 = tpu.memref_slice %arg4[%dma_wait3A_1005, %dma_wait3A_1006] : memref<32x1000000xf32, #tpu.memory_space<hbm>> -> memref<32x512xf32, #tpu.memory_space<hbm>>
      %dma_wait3A_1008 = arith.constant 0 : i32
      %dma_wait3A_1009 = arith.constant 0 : i32
      %dma_wait3A_1010 = tpu.memref_slice %arg9[%dma_wait3A_1008, %dma_wait3A_1009] : memref<32x1024xf32, #tpu.memory_space<vmem>> -> memref<32x512xf32, #tpu.memory_space<vmem>>
      %dma_wait3A_1011 = arith.constant 0 : i32
      %dma_wait3A_1012 = arith.constant 0 : i32
      %dma_wait3A_1013 = tpu.memref_slice %arg4[%dma_wait3A_1011, %dma_wait3A_1012] : memref<32x1000000xf32, #tpu.memory_space<hbm>> -> memref<32x512xf32, #tpu.memory_space<hbm>>
      tpu.wait_dma2 semaphore(%arg12 : memref<!tpu.dma_semaphore, #tpu.memory_space<semaphore_mem>>) src(%dma_wait3A_1013 : memref<32x512xf32, #tpu.memory_space<hbm>>) dst(%dma_wait3A_1010 : memref<32x512xf32, #tpu.memory_space<vmem>>)
      %get3A_1014 = arith.index_cast %mul3A_286 : i32 to index
      %get3A_1015 = tpu.vector_load %arg7[%get3A_1014] {strides = array<i32>} : memref<512xi32, #tpu.memory_space<vmem>>, vector<16xi32>,
      %get3A_1016 = arith.index_cast %mul3A_286 : i32 to index
      %get3A_1017 = tpu.vector_load %arg8[%get3A_1016] {strides = array<i32>} : memref<512xi32, #tpu.memory_space<vmem>>, vector<16xi32>,
      %slice3A_1018 = vector.extract_strided_slice %get3A_1015 {offsets = [8], sizes = [1], strides = [1]} : vector<16xi32> to vector<1xi32>
      %squeeze3A_1019 = vector.extract %slice3A_1018[0] : i32 from vector<1xi32>
      %and3A_1020 = arith.constant 127 : i32
      %and3A_1021 = arith.andi %squeeze3A_1019, %and3A_1020 : i32
      %add3A_1022 = arith.constant 0 : i32
      %add3A_1023 = arith.addi %and3A_1021, %add3A_1022 : i32
      %slice3A_1024 = vector.extract_strided_slice %get3A_1017 {offsets = [8], sizes = [1], strides = [1]} : vector<16xi32> to vector<1xi32>
      %squeeze3A_1025 = vector.extract %slice3A_1024[0] : i32 from vector<1xi32>
      %and3A_1026 = arith.constant 127 : i32
      %and3A_1027 = arith.andi %squeeze3A_1025, %and3A_1026 : i32
      %add3A_1028 = arith.constant 0 : i32
      %add3A_1029 = arith.addi %and3A_1027, %add3A_1028 : i32
      %broadcast_in_dim3A_1030 = vector.broadcast %add3A_1023 : i32 to vector<16xi32>
      %broadcast_in_dim3A_1031 = vector.broadcast %add3A_1029 : i32 to vector<16xi32>
      %add3A_1032 = arith.constant 0 : i32
      %add3A_1033 = vector.broadcast %add3A_1032 : i32 to vector<16xi32>
      %add3A_1034 = arith.addi %iota3A, %add3A_1033 : vector<16xi32>
      %gather3A_1035 = tpu.vector_load_idx %arg9[%add3A_1034, %broadcast_in_dim3A_1030] : memref<32x1024xf32, #tpu.memory_space<vmem>>[vector<16xi32>, vector<16xi32>], vector<16xf32>,
      %gather3A_1036 = tpu.vector_load_idx %arg10[%add3A_1034, %broadcast_in_dim3A_1031] : memref<32x1024xf32, #tpu.memory_space<vmem>>[vector<16xi32>, vector<16xi32>], vector<16xf32>,
      %mul3A_1037 = arith.mulf %gather3A_1035, %gather3A_1036 : vector<16xf32>
      %add3A_1038 = arith.constant 8 : i32
      %add3A_1039 = arith.addi %mul3A_286, %add3A_1038 : i32
      %add3A_1040 = arith.constant 0 : i32
      %add3A_1041 = arith.addi %add3A_1039, %add3A_1040 : i32
      %mul3A_1042 = arith.constant 32 : i32
      %mul3A_1043 = arith.muli %add3A_1041, %mul3A_1042 : i32
      %add3A_1044 = arith.constant 0 : i32
      %add3A_1045 = arith.addi %mul3A_1043, %add3A_1044 : i32
      %swap3A_1046 = arith.index_cast %add3A_1045 : i32 to index
      %swap3A_1047 = tpu.vector_load %arg11[%swap3A_1046] {strides = array<i32>} : memref<16384xf32, #tpu.memory_space<vmem>>, vector<16xf32>,
      tpu.vector_store %arg11[%swap3A_1046], %mul3A_1037 {strides = array<i32>} : memref<16384xf32, #tpu.memory_space<vmem>>, vector<16xf32>,
      %add3A_1048 = arith.constant 16 : i32
      %add3A_1049 = vector.broadcast %add3A_1048 : i32 to vector<16xi32>
      %add3A_1050 = arith.addi %iota3A, %add3A_1049 : vector<16xi32>
      %gather3A_1051 = tpu.vector_load_idx %arg9[%add3A_1050, %broadcast_in_dim3A_1030] : memref<32x1024xf32, #tpu.memory_space<vmem>>[vector<16xi32>, vector<16xi32>], vector<16xf32>,
      %gather3A_1052 = tpu.vector_load_idx %arg10[%add3A_1050, %broadcast_in_dim3A_1031] : memref<32x1024xf32, #tpu.memory_space<vmem>>[vector<16xi32>, vector<16xi32>], vector<16xf32>,
      %mul3A_1053 = arith.mulf %gather3A_1051, %gather3A_1052 : vector<16xf32>
      %add3A_1054 = arith.constant 8 : i32
      %add3A_1055 = arith.addi %mul3A_286, %add3A_1054 : i32
      %add3A_1056 = arith.constant 0 : i32
      %add3A_1057 = arith.addi %add3A_1055, %add3A_1056 : i32
      %mul3A_1058 = arith.constant 32 : i32
      %mul3A_1059 = arith.muli %add3A_1057, %mul3A_1058 : i32
      %add3A_1060 = arith.constant 16 : i32
      %add3A_1061 = arith.addi %mul3A_1059, %add3A_1060 : i32
      %swap3A_1062 = arith.index_cast %add3A_1061 : i32 to index
      %swap3A_1063 = tpu.vector_load %arg11[%swap3A_1062] {strides = array<i32>} : memref<16384xf32, #tpu.memory_space<vmem>>, vector<16xf32>,
      tpu.vector_store %arg11[%swap3A_1062], %mul3A_1053 {strides = array<i32>} : memref<16384xf32, #tpu.memory_space<vmem>>, vector<16xf32>,
      %slice3A_1064 = vector.extract_strided_slice %get3A_1015 {offsets = [9], sizes = [1], strides = [1]} : vector<16xi32> to vector<1xi32>
      %squeeze3A_1065 = vector.extract %slice3A_1064[0] : i32 from vector<1xi32>
      %and3A_1066 = arith.constant 127 : i32
      %and3A_1067 = arith.andi %squeeze3A_1065, %and3A_1066 : i32
      %add3A_1068 = arith.constant 128 : i32
      %add3A_1069 = arith.addi %and3A_1067, %add3A_1068 : i32
      %slice3A_1070 = vector.extract_strided_slice %get3A_1017 {offsets = [9], sizes = [1], strides = [1]} : vector<16xi32> to vector<1xi32>
      %squeeze3A_1071 = vector.extract %slice3A_1070[0] : i32 from vector<1xi32>
      %and3A_1072 = arith.constant 127 : i32
      %and3A_1073 = arith.andi %squeeze3A_1071, %and3A_1072 : i32
      %add3A_1074 = arith.constant 128 : i32
      %add3A_1075 = arith.addi %and3A_1073, %add3A_1074 : i32
      %broadcast_in_dim3A_1076 = vector.broadcast %add3A_1069 : i32 to vector<16xi32>
      %broadcast_in_dim3A_1077 = vector.broadcast %add3A_1075 : i32 to vector<16xi32>
      %add3A_1078 = arith.constant 0 : i32
      %add3A_1079 = vector.broadcast %add3A_1078 : i32 to vector<16xi32>
      %add3A_1080 = arith.addi %iota3A, %add3A_1079 : vector<16xi32>
      %gather3A_1081 = tpu.vector_load_idx %arg9[%add3A_1080, %broadcast_in_dim3A_1076] : memref<32x1024xf32, #tpu.memory_space<vmem>>[vector<16xi32>, vector<16xi32>], vector<16xf32>,
      %gather3A_1082 = tpu.vector_load_idx %arg10[%add3A_1080, %broadcast_in_dim3A_1077] : memref<32x1024xf32, #tpu.memory_space<vmem>>[vector<16xi32>, vector<16xi32>], vector<16xf32>,
      %mul3A_1083 = arith.mulf %gather3A_1081, %gather3A_1082 : vector<16xf32>
      %add3A_1084 = arith.constant 8 : i32
      %add3A_1085 = arith.addi %mul3A_286, %add3A_1084 : i32
      %add3A_1086 = arith.constant 1 : i32
      %add3A_1087 = arith.addi %add3A_1085, %add3A_1086 : i32
      %mul3A_1088 = arith.constant 32 : i32
      %mul3A_1089 = arith.muli %add3A_1087, %mul3A_1088 : i32
      %add3A_1090 = arith.constant 0 : i32
      %add3A_1091 = arith.addi %mul3A_1089, %add3A_1090 : i32
      %swap3A_1092 = arith.index_cast %add3A_1091 : i32 to index
      %swap3A_1093 = tpu.vector_load %arg11[%swap3A_1092] {strides = array<i32>} : memref<16384xf32, #tpu.memory_space<vmem>>, vector<16xf32>,
      tpu.vector_store %arg11[%swap3A_1092], %mul3A_1083 {strides = array<i32>} : memref<16384xf32, #tpu.memory_space<vmem>>, vector<16xf32>,
      %add3A_1094 = arith.constant 16 : i32
      %add3A_1095 = vector.broadcast %add3A_1094 : i32 to vector<16xi32>
      %add3A_1096 = arith.addi %iota3A, %add3A_1095 : vector<16xi32>
      %gather3A_1097 = tpu.vector_load_idx %arg9[%add3A_1096, %broadcast_in_dim3A_1076] : memref<32x1024xf32, #tpu.memory_space<vmem>>[vector<16xi32>, vector<16xi32>], vector<16xf32>,
      %gather3A_1098 = tpu.vector_load_idx %arg10[%add3A_1096, %broadcast_in_dim3A_1077] : memref<32x1024xf32, #tpu.memory_space<vmem>>[vector<16xi32>, vector<16xi32>], vector<16xf32>,
      %mul3A_1099 = arith.mulf %gather3A_1097, %gather3A_1098 : vector<16xf32>
      %add3A_1100 = arith.constant 8 : i32
      %add3A_1101 = arith.addi %mul3A_286, %add3A_1100 : i32
      %add3A_1102 = arith.constant 1 : i32
      %add3A_1103 = arith.addi %add3A_1101, %add3A_1102 : i32
      %mul3A_1104 = arith.constant 32 : i32
      %mul3A_1105 = arith.muli %add3A_1103, %mul3A_1104 : i32
      %add3A_1106 = arith.constant 16 : i32
      %add3A_1107 = arith.addi %mul3A_1105, %add3A_1106 : i32
      %swap3A_1108 = arith.index_cast %add3A_1107 : i32 to index
      %swap3A_1109 = tpu.vector_load %arg11[%swap3A_1108] {strides = array<i32>} : memref<16384xf32, #tpu.memory_space<vmem>>, vector<16xf32>,
      tpu.vector_store %arg11[%swap3A_1108], %mul3A_1099 {strides = array<i32>} : memref<16384xf32, #tpu.memory_space<vmem>>, vector<16xf32>,
      %slice3A_1110 = vector.extract_strided_slice %get3A_1015 {offsets = [10], sizes = [1], strides = [1]} : vector<16xi32> to vector<1xi32>
      %squeeze3A_1111 = vector.extract %slice3A_1110[0] : i32 from vector<1xi32>
      %and3A_1112 = arith.constant 127 : i32
      %and3A_1113 = arith.andi %squeeze3A_1111, %and3A_1112 : i32
      %add3A_1114 = arith.constant 256 : i32
      %add3A_1115 = arith.addi %and3A_1113, %add3A_1114 : i32
      %slice3A_1116 = vector.extract_strided_slice %get3A_1017 {offsets = [10], sizes = [1], strides = [1]} : vector<16xi32> to vector<1xi32>
      %squeeze3A_1117 = vector.extract %slice3A_1116[0] : i32 from vector<1xi32>
      %and3A_1118 = arith.constant 127 : i32
      %and3A_1119 = arith.andi %squeeze3A_1117, %and3A_1118 : i32
      %add3A_1120 = arith.constant 256 : i32
      %add3A_1121 = arith.addi %and3A_1119, %add3A_1120 : i32
      %broadcast_in_dim3A_1122 = vector.broadcast %add3A_1115 : i32 to vector<16xi32>
      %broadcast_in_dim3A_1123 = vector.broadcast %add3A_1121 : i32 to vector<16xi32>
      %add3A_1124 = arith.constant 0 : i32
      %add3A_1125 = vector.broadcast %add3A_1124 : i32 to vector<16xi32>
      %add3A_1126 = arith.addi %iota3A, %add3A_1125 : vector<16xi32>
      %gather3A_1127 = tpu.vector_load_idx %arg9[%add3A_1126, %broadcast_in_dim3A_1122] : memref<32x1024xf32, #tpu.memory_space<vmem>>[vector<16xi32>, vector<16xi32>], vector<16xf32>,
      %gather3A_1128 = tpu.vector_load_idx %arg10[%add3A_1126, %broadcast_in_dim3A_1123] : memref<32x1024xf32, #tpu.memory_space<vmem>>[vector<16xi32>, vector<16xi32>], vector<16xf32>,
      %mul3A_1129 = arith.mulf %gather3A_1127, %gather3A_1128 : vector<16xf32>
      %add3A_1130 = arith.constant 8 : i32
      %add3A_1131 = arith.addi %mul3A_286, %add3A_1130 : i32
      %add3A_1132 = arith.constant 2 : i32
      %add3A_1133 = arith.addi %add3A_1131, %add3A_1132 : i32
      %mul3A_1134 = arith.constant 32 : i32
      %mul3A_1135 = arith.muli %add3A_1133, %mul3A_1134 : i32
      %add3A_1136 = arith.constant 0 : i32
      %add3A_1137 = arith.addi %mul3A_1135, %add3A_1136 : i32
      %swap3A_1138 = arith.index_cast %add3A_1137 : i32 to index
      %swap3A_1139 = tpu.vector_load %arg11[%swap3A_1138] {strides = array<i32>} : memref<16384xf32, #tpu.memory_space<vmem>>, vector<16xf32>,
      tpu.vector_store %arg11[%swap3A_1138], %mul3A_1129 {strides = array<i32>} : memref<16384xf32, #tpu.memory_space<vmem>>, vector<16xf32>,
      %add3A_1140 = arith.constant 16 : i32
      %add3A_1141 = vector.broadcast %add3A_1140 : i32 to vector<16xi32>
      %add3A_1142 = arith.addi %iota3A, %add3A_1141 : vector<16xi32>
      %gather3A_1143 = tpu.vector_load_idx %arg9[%add3A_1142, %broadcast_in_dim3A_1122] : memref<32x1024xf32, #tpu.memory_space<vmem>>[vector<16xi32>, vector<16xi32>], vector<16xf32>,
      %gather3A_1144 = tpu.vector_load_idx %arg10[%add3A_1142, %broadcast_in_dim3A_1123] : memref<32x1024xf32, #tpu.memory_space<vmem>>[vector<16xi32>, vector<16xi32>], vector<16xf32>,
      %mul3A_1145 = arith.mulf %gather3A_1143, %gather3A_1144 : vector<16xf32>
      %add3A_1146 = arith.constant 8 : i32
      %add3A_1147 = arith.addi %mul3A_286, %add3A_1146 : i32
      %add3A_1148 = arith.constant 2 : i32
      %add3A_1149 = arith.addi %add3A_1147, %add3A_1148 : i32
      %mul3A_1150 = arith.constant 32 : i32
      %mul3A_1151 = arith.muli %add3A_1149, %mul3A_1150 : i32
      %add3A_1152 = arith.constant 16 : i32
      %add3A_1153 = arith.addi %mul3A_1151, %add3A_1152 : i32
      %swap3A_1154 = arith.index_cast %add3A_1153 : i32 to index
      %swap3A_1155 = tpu.vector_load %arg11[%swap3A_1154] {strides = array<i32>} : memref<16384xf32, #tpu.memory_space<vmem>>, vector<16xf32>,
      tpu.vector_store %arg11[%swap3A_1154], %mul3A_1145 {strides = array<i32>} : memref<16384xf32, #tpu.memory_space<vmem>>, vector<16xf32>,
      %slice3A_1156 = vector.extract_strided_slice %get3A_1015 {offsets = [11], sizes = [1], strides = [1]} : vector<16xi32> to vector<1xi32>
      %squeeze3A_1157 = vector.extract %slice3A_1156[0] : i32 from vector<1xi32>
      %and3A_1158 = arith.constant 127 : i32
      %and3A_1159 = arith.andi %squeeze3A_1157, %and3A_1158 : i32
      %add3A_1160 = arith.constant 384 : i32
      %add3A_1161 = arith.addi %and3A_1159, %add3A_1160 : i32
      %slice3A_1162 = vector.extract_strided_slice %get3A_1017 {offsets = [11], sizes = [1], strides = [1]} : vector<16xi32> to vector<1xi32>
      %squeeze3A_1163 = vector.extract %slice3A_1162[0] : i32 from vector<1xi32>
      %and3A_1164 = arith.constant 127 : i32
      %and3A_1165 = arith.andi %squeeze3A_1163, %and3A_1164 : i32
      %add3A_1166 = arith.constant 384 : i32
      %add3A_1167 = arith.addi %and3A_1165, %add3A_1166 : i32
      %broadcast_in_dim3A_1168 = vector.broadcast %add3A_1161 : i32 to vector<16xi32>
      %broadcast_in_dim3A_1169 = vector.broadcast %add3A_1167 : i32 to vector<16xi32>
      %add3A_1170 = arith.constant 0 : i32
      %add3A_1171 = vector.broadcast %add3A_1170 : i32 to vector<16xi32>
      %add3A_1172 = arith.addi %iota3A, %add3A_1171 : vector<16xi32>
      %gather3A_1173 = tpu.vector_load_idx %arg9[%add3A_1172, %broadcast_in_dim3A_1168] : memref<32x1024xf32, #tpu.memory_space<vmem>>[vector<16xi32>, vector<16xi32>], vector<16xf32>,
      %gather3A_1174 = tpu.vector_load_idx %arg10[%add3A_1172, %broadcast_in_dim3A_1169] : memref<32x1024xf32, #tpu.memory_space<vmem>>[vector<16xi32>, vector<16xi32>], vector<16xf32>,
      %mul3A_1175 = arith.mulf %gather3A_1173, %gather3A_1174 : vector<16xf32>
      %add3A_1176 = arith.constant 8 : i32
      %add3A_1177 = arith.addi %mul3A_286, %add3A_1176 : i32
      %add3A_1178 = arith.constant 3 : i32
      %add3A_1179 = arith.addi %add3A_1177, %add3A_1178 : i32
      %mul3A_1180 = arith.constant 32 : i32
      %mul3A_1181 = arith.muli %add3A_1179, %mul3A_1180 : i32
      %add3A_1182 = arith.constant 0 : i32
      %add3A_1183 = arith.addi %mul3A_1181, %add3A_1182 : i32
      %swap3A_1184 = arith.index_cast %add3A_1183 : i32 to index
      %swap3A_1185 = tpu.vector_load %arg11[%swap3A_1184] {strides = array<i32>} : memref<16384xf32, #tpu.memory_space<vmem>>, vector<16xf32>,
      tpu.vector_store %arg11[%swap3A_1184], %mul3A_1175 {strides = array<i32>} : memref<16384xf32, #tpu.memory_space<vmem>>, vector<16xf32>,
      %add3A_1186 = arith.constant 16 : i32
      %add3A_1187 = vector.broadcast %add3A_1186 : i32 to vector<16xi32>
      %add3A_1188 = arith.addi %iota3A, %add3A_1187 : vector<16xi32>
      %gather3A_1189 = tpu.vector_load_idx %arg9[%add3A_1188, %broadcast_in_dim3A_1168] : memref<32x1024xf32, #tpu.memory_space<vmem>>[vector<16xi32>, vector<16xi32>], vector<16xf32>,
      %gather3A_1190 = tpu.vector_load_idx %arg10[%add3A_1188, %broadcast_in_dim3A_1169] : memref<32x1024xf32, #tpu.memory_space<vmem>>[vector<16xi32>, vector<16xi32>], vector<16xf32>,
      %mul3A_1191 = arith.mulf %gather3A_1189, %gather3A_1190 : vector<16xf32>
      %add3A_1192 = arith.constant 8 : i32
      %add3A_1193 = arith.addi %mul3A_286, %add3A_1192 : i32
      %add3A_1194 = arith.constant 3 : i32
      %add3A_1195 = arith.addi %add3A_1193, %add3A_1194 : i32
      %mul3A_1196 = arith.constant 32 : i32
      %mul3A_1197 = arith.muli %add3A_1195, %mul3A_1196 : i32
      %add3A_1198 = arith.constant 16 : i32
      %add3A_1199 = arith.addi %mul3A_1197, %add3A_1198 : i32
      %swap3A_1200 = arith.index_cast %add3A_1199 : i32 to index
      %swap3A_1201 = tpu.vector_load %arg11[%swap3A_1200] {strides = array<i32>} : memref<16384xf32, #tpu.memory_space<vmem>>, vector<16xf32>,
      tpu.vector_store %arg11[%swap3A_1200], %mul3A_1191 {strides = array<i32>} : memref<16384xf32, #tpu.memory_space<vmem>>, vector<16xf32>,
      %add3A_1202 = arith.constant 16 : i32
      %add3A_1203 = arith.addi %mul3A_286, %add3A_1202 : i32
      %lt3A = arith.constant 31 : i32
      %lt3A_1204 = arith.cmpi slt, %scan3A_284, %lt3A : i32
      %convert_element_type3A = arith.extui %lt3A_1204 : i1 to i32
      %cond3A = arith.constant 0 : i32
      %cond3A_1205 = arith.cmpi ne, %convert_element_type3A, %cond3A : i32
      scf.if %cond3A_1205 {
        %get3A_1425 = arith.index_cast %add3A_1203 : i32 to index
        %get3A_1426 = tpu.vector_load %arg7[%get3A_1425] {strides = array<i32>} : memref<512xi32, #tpu.memory_space<vmem>>, vector<16xi32>,
        %get3A_1427 = arith.index_cast %add3A_1203 : i32 to index
        %get3A_1428 = tpu.vector_load %arg8[%get3A_1427] {strides = array<i32>} : memref<512xi32, #tpu.memory_space<vmem>>, vector<16xi32>,
        %slice3A_1429 = vector.extract_strided_slice %get3A_1426 {offsets = [0], sizes = [1], strides = [1]} : vector<16xi32> to vector<1xi32>
        %squeeze3A_1430 = vector.extract %slice3A_1429[0] : i32 from vector<1xi32>
        %shift_right_arithmetic3A_1431 = arith.constant 7 : i32
        %shift_right_arithmetic3A_1432 = arith.shrsi %squeeze3A_1430, %shift_right_arithmetic3A_1431 : i32
        %mul3A_1433 = arith.constant 128 : i32
        %mul3A_1434 = arith.muli %shift_right_arithmetic3A_1432, %mul3A_1433 : i32
        %multiple_of3A_1435 = tpu.assume_multiple %mul3A_1434, 128 : i32
        %slice3A_1436 = vector.extract_strided_slice %get3A_1428 {offsets = [0], sizes = [1], strides = [1]} : vector<16xi32> to vector<1xi32>
        %squeeze3A_1437 = vector.extract %slice3A_1436[0] : i32 from vector<1xi32>
        %shift_right_arithmetic3A_1438 = arith.constant 7 : i32
        %shift_right_arithmetic3A_1439 = arith.shrsi %squeeze3A_1437, %shift_right_arithmetic3A_1438 : i32
        %mul3A_1440 = arith.constant 128 : i32
        %mul3A_1441 = arith.muli %shift_right_arithmetic3A_1439, %mul3A_1440 : i32
        %multiple_of3A_1442 = tpu.assume_multiple %mul3A_1441, 128 : i32
        %dma_start3A_1443 = arith.constant 0 : i32
        %dma_start3A_1444 = arith.constant 0 : i32
        %dma_start3A_1445 = tpu.memref_slice %arg9[%dma_start3A_1443, %dma_start3A_1444] : memref<32x1024xf32, #tpu.memory_space<vmem>> -> memref<32x128xf32, #tpu.memory_space<vmem>>
        %dma_start3A_1446 = arith.constant 0 : i32
        %dma_start3A_1447 = tpu.memref_slice %arg4[%dma_start3A_1446, %multiple_of3A_1435] : memref<32x1000000xf32, #tpu.memory_space<hbm>> -> memref<32x128xf32, #tpu.memory_space<hbm>>
        %dma_start3A_1448 = arith.constant 0 : i32
        %dma_start3A_1449 = arith.constant 0 : i32
        %dma_start3A_1450 = tpu.memref_slice %arg9[%dma_start3A_1448, %dma_start3A_1449] : memref<32x1024xf32, #tpu.memory_space<vmem>> -> memref<32x128xf32, #tpu.memory_space<vmem>>
        %dma_start3A_1451 = arith.constant 0 : i32
        %dma_start3A_1452 = tpu.memref_slice %arg4[%dma_start3A_1451, %multiple_of3A_1435] : memref<32x1000000xf32, #tpu.memory_space<hbm>> -> memref<32x128xf32, #tpu.memory_space<hbm>>
        tpu.enqueue_dma source(%dma_start3A_1452 : memref<32x128xf32, #tpu.memory_space<hbm>>) target(%dma_start3A_1450 : memref<32x128xf32, #tpu.memory_space<vmem>>) target_semaphore(%arg12 : memref<!tpu.dma_semaphore, #tpu.memory_space<semaphore_mem>>)
        %dma_start3A_1453 = arith.constant 0 : i32
        %dma_start3A_1454 = arith.constant 0 : i32
        %dma_start3A_1455 = tpu.memref_slice %arg10[%dma_start3A_1453, %dma_start3A_1454] : memref<32x1024xf32, #tpu.memory_space<vmem>> -> memref<32x128xf32, #tpu.memory_space<vmem>>
        %dma_start3A_1456 = arith.constant 0 : i32
        %dma_start3A_1457 = tpu.memref_slice %arg5[%dma_start3A_1456, %multiple_of3A_1442] : memref<32x1000000xf32, #tpu.memory_space<hbm>> -> memref<32x128xf32, #tpu.memory_space<hbm>>
        %dma_start3A_1458 = arith.constant 0 : i32
        %dma_start3A_1459 = arith.constant 0 : i32
        %dma_start3A_1460 = tpu.memref_slice %arg10[%dma_start3A_1458, %dma_start3A_1459] : memref<32x1024xf32, #tpu.memory_space<vmem>> -> memref<32x128xf32, #tpu.memory_space<vmem>>
        %dma_start3A_1461 = arith.constant 0 : i32
        %dma_start3A_1462 = tpu.memref_slice %arg5[%dma_start3A_1461, %multiple_of3A_1442] : memref<32x1000000xf32, #tpu.memory_space<hbm>> -> memref<32x128xf32, #tpu.memory_space<hbm>>
        tpu.enqueue_dma source(%dma_start3A_1462 : memref<32x128xf32, #tpu.memory_space<hbm>>) target(%dma_start3A_1460 : memref<32x128xf32, #tpu.memory_space<vmem>>) target_semaphore(%arg12 : memref<!tpu.dma_semaphore, #tpu.memory_space<semaphore_mem>>)
        %slice3A_1463 = vector.extract_strided_slice %get3A_1426 {offsets = [1], sizes = [1], strides = [1]} : vector<16xi32> to vector<1xi32>
        %squeeze3A_1464 = vector.extract %slice3A_1463[0] : i32 from vector<1xi32>
        %shift_right_arithmetic3A_1465 = arith.constant 7 : i32
        %shift_right_arithmetic3A_1466 = arith.shrsi %squeeze3A_1464, %shift_right_arithmetic3A_1465 : i32
        %mul3A_1467 = arith.constant 128 : i32
        %mul3A_1468 = arith.muli %shift_right_arithmetic3A_1466, %mul3A_1467 : i32
        %multiple_of3A_1469 = tpu.assume_multiple %mul3A_1468, 128 : i32
        %slice3A_1470 = vector.extract_strided_slice %get3A_1428 {offsets = [1], sizes = [1], strides = [1]} : vector<16xi32> to vector<1xi32>
        %squeeze3A_1471 = vector.extract %slice3A_1470[0] : i32 from vector<1xi32>
        %shift_right_arithmetic3A_1472 = arith.constant 7 : i32
        %shift_right_arithmetic3A_1473 = arith.shrsi %squeeze3A_1471, %shift_right_arithmetic3A_1472 : i32
        %mul3A_1474 = arith.constant 128 : i32
        %mul3A_1475 = arith.muli %shift_right_arithmetic3A_1473, %mul3A_1474 : i32
        %multiple_of3A_1476 = tpu.assume_multiple %mul3A_1475, 128 : i32
        %dma_start3A_1477 = arith.constant 0 : i32
        %dma_start3A_1478 = arith.constant 128 : i32
        %dma_start3A_1479 = tpu.memref_slice %arg9[%dma_start3A_1477, %dma_start3A_1478] : memref<32x1024xf32, #tpu.memory_space<vmem>> -> memref<32x128xf32, #tpu.memory_space<vmem>>
        %dma_start3A_1480 = arith.constant 0 : i32
        %dma_start3A_1481 = tpu.memref_slice %arg4[%dma_start3A_1480, %multiple_of3A_1469] : memref<32x1000000xf32, #tpu.memory_space<hbm>> -> memref<32x128xf32, #tpu.memory_space<hbm>>
        %dma_start3A_1482 = arith.constant 0 : i32
        %dma_start3A_1483 = arith.constant 128 : i32
        %dma_start3A_1484 = tpu.memref_slice %arg9[%dma_start3A_1482, %dma_start3A_1483] : memref<32x1024xf32, #tpu.memory_space<vmem>> -> memref<32x128xf32, #tpu.memory_space<vmem>>
        %dma_start3A_1485 = arith.constant 0 : i32
        %dma_start3A_1486 = tpu.memref_slice %arg4[%dma_start3A_1485, %multiple_of3A_1469] : memref<32x1000000xf32, #tpu.memory_space<hbm>> -> memref<32x128xf32, #tpu.memory_space<hbm>>
        tpu.enqueue_dma source(%dma_start3A_1486 : memref<32x128xf32, #tpu.memory_space<hbm>>) target(%dma_start3A_1484 : memref<32x128xf32, #tpu.memory_space<vmem>>) target_semaphore(%arg12 : memref<!tpu.dma_semaphore, #tpu.memory_space<semaphore_mem>>)
        %dma_start3A_1487 = arith.constant 0 : i32
        %dma_start3A_1488 = arith.constant 128 : i32
        %dma_start3A_1489 = tpu.memref_slice %arg10[%dma_start3A_1487, %dma_start3A_1488] : memref<32x1024xf32, #tpu.memory_space<vmem>> -> memref<32x128xf32, #tpu.memory_space<vmem>>
        %dma_start3A_1490 = arith.constant 0 : i32
        %dma_start3A_1491 = tpu.memref_slice %arg5[%dma_start3A_1490, %multiple_of3A_1476] : memref<32x1000000xf32, #tpu.memory_space<hbm>> -> memref<32x128xf32, #tpu.memory_space<hbm>>
        %dma_start3A_1492 = arith.constant 0 : i32
        %dma_start3A_1493 = arith.constant 128 : i32
        %dma_start3A_1494 = tpu.memref_slice %arg10[%dma_start3A_1492, %dma_start3A_1493] : memref<32x1024xf32, #tpu.memory_space<vmem>> -> memref<32x128xf32, #tpu.memory_space<vmem>>
        %dma_start3A_1495 = arith.constant 0 : i32
        %dma_start3A_1496 = tpu.memref_slice %arg5[%dma_start3A_1495, %multiple_of3A_1476] : memref<32x1000000xf32, #tpu.memory_space<hbm>> -> memref<32x128xf32, #tpu.memory_space<hbm>>
        tpu.enqueue_dma source(%dma_start3A_1496 : memref<32x128xf32, #tpu.memory_space<hbm>>) target(%dma_start3A_1494 : memref<32x128xf32, #tpu.memory_space<vmem>>) target_semaphore(%arg12 : memref<!tpu.dma_semaphore, #tpu.memory_space<semaphore_mem>>)
        %slice3A_1497 = vector.extract_strided_slice %get3A_1426 {offsets = [2], sizes = [1], strides = [1]} : vector<16xi32> to vector<1xi32>
        %squeeze3A_1498 = vector.extract %slice3A_1497[0] : i32 from vector<1xi32>
        %shift_right_arithmetic3A_1499 = arith.constant 7 : i32
        %shift_right_arithmetic3A_1500 = arith.shrsi %squeeze3A_1498, %shift_right_arithmetic3A_1499 : i32
        %mul3A_1501 = arith.constant 128 : i32
        %mul3A_1502 = arith.muli %shift_right_arithmetic3A_1500, %mul3A_1501 : i32
        %multiple_of3A_1503 = tpu.assume_multiple %mul3A_1502, 128 : i32
        %slice3A_1504 = vector.extract_strided_slice %get3A_1428 {offsets = [2], sizes = [1], strides = [1]} : vector<16xi32> to vector<1xi32>
        %squeeze3A_1505 = vector.extract %slice3A_1504[0] : i32 from vector<1xi32>
        %shift_right_arithmetic3A_1506 = arith.constant 7 : i32
        %shift_right_arithmetic3A_1507 = arith.shrsi %squeeze3A_1505, %shift_right_arithmetic3A_1506 : i32
        %mul3A_1508 = arith.constant 128 : i32
        %mul3A_1509 = arith.muli %shift_right_arithmetic3A_1507, %mul3A_1508 : i32
        %multiple_of3A_1510 = tpu.assume_multiple %mul3A_1509, 128 : i32
        %dma_start3A_1511 = arith.constant 0 : i32
        %dma_start3A_1512 = arith.constant 256 : i32
        %dma_start3A_1513 = tpu.memref_slice %arg9[%dma_start3A_1511, %dma_start3A_1512] : memref<32x1024xf32, #tpu.memory_space<vmem>> -> memref<32x128xf32, #tpu.memory_space<vmem>>
        %dma_start3A_1514 = arith.constant 0 : i32
        %dma_start3A_1515 = tpu.memref_slice %arg4[%dma_start3A_1514, %multiple_of3A_1503] : memref<32x1000000xf32, #tpu.memory_space<hbm>> -> memref<32x128xf32, #tpu.memory_space<hbm>>
        %dma_start3A_1516 = arith.constant 0 : i32
        %dma_start3A_1517 = arith.constant 256 : i32
        %dma_start3A_1518 = tpu.memref_slice %arg9[%dma_start3A_1516, %dma_start3A_1517] : memref<32x1024xf32, #tpu.memory_space<vmem>> -> memref<32x128xf32, #tpu.memory_space<vmem>>
        %dma_start3A_1519 = arith.constant 0 : i32
        %dma_start3A_1520 = tpu.memref_slice %arg4[%dma_start3A_1519, %multiple_of3A_1503] : memref<32x1000000xf32, #tpu.memory_space<hbm>> -> memref<32x128xf32, #tpu.memory_space<hbm>>
        tpu.enqueue_dma source(%dma_start3A_1520 : memref<32x128xf32, #tpu.memory_space<hbm>>) target(%dma_start3A_1518 : memref<32x128xf32, #tpu.memory_space<vmem>>) target_semaphore(%arg12 : memref<!tpu.dma_semaphore, #tpu.memory_space<semaphore_mem>>)
        %dma_start3A_1521 = arith.constant 0 : i32
        %dma_start3A_1522 = arith.constant 256 : i32
        %dma_start3A_1523 = tpu.memref_slice %arg10[%dma_start3A_1521, %dma_start3A_1522] : memref<32x1024xf32, #tpu.memory_space<vmem>> -> memref<32x128xf32, #tpu.memory_space<vmem>>
        %dma_start3A_1524 = arith.constant 0 : i32
        %dma_start3A_1525 = tpu.memref_slice %arg5[%dma_start3A_1524, %multiple_of3A_1510] : memref<32x1000000xf32, #tpu.memory_space<hbm>> -> memref<32x128xf32, #tpu.memory_space<hbm>>
        %dma_start3A_1526 = arith.constant 0 : i32
        %dma_start3A_1527 = arith.constant 256 : i32
        %dma_start3A_1528 = tpu.memref_slice %arg10[%dma_start3A_1526, %dma_start3A_1527] : memref<32x1024xf32, #tpu.memory_space<vmem>> -> memref<32x128xf32, #tpu.memory_space<vmem>>
        %dma_start3A_1529 = arith.constant 0 : i32
        %dma_start3A_1530 = tpu.memref_slice %arg5[%dma_start3A_1529, %multiple_of3A_1510] : memref<32x1000000xf32, #tpu.memory_space<hbm>> -> memref<32x128xf32, #tpu.memory_space<hbm>>
        tpu.enqueue_dma source(%dma_start3A_1530 : memref<32x128xf32, #tpu.memory_space<hbm>>) target(%dma_start3A_1528 : memref<32x128xf32, #tpu.memory_space<vmem>>) target_semaphore(%arg12 : memref<!tpu.dma_semaphore, #tpu.memory_space<semaphore_mem>>)
        %slice3A_1531 = vector.extract_strided_slice %get3A_1426 {offsets = [3], sizes = [1], strides = [1]} : vector<16xi32> to vector<1xi32>
        %squeeze3A_1532 = vector.extract %slice3A_1531[0] : i32 from vector<1xi32>
        %shift_right_arithmetic3A_1533 = arith.constant 7 : i32
        %shift_right_arithmetic3A_1534 = arith.shrsi %squeeze3A_1532, %shift_right_arithmetic3A_1533 : i32
        %mul3A_1535 = arith.constant 128 : i32
        %mul3A_1536 = arith.muli %shift_right_arithmetic3A_1534, %mul3A_1535 : i32
        %multiple_of3A_1537 = tpu.assume_multiple %mul3A_1536, 128 : i32
        %slice3A_1538 = vector.extract_strided_slice %get3A_1428 {offsets = [3], sizes = [1], strides = [1]} : vector<16xi32> to vector<1xi32>
        %squeeze3A_1539 = vector.extract %slice3A_1538[0] : i32 from vector<1xi32>
        %shift_right_arithmetic3A_1540 = arith.constant 7 : i32
        %shift_right_arithmetic3A_1541 = arith.shrsi %squeeze3A_1539, %shift_right_arithmetic3A_1540 : i32
        %mul3A_1542 = arith.constant 128 : i32
        %mul3A_1543 = arith.muli %shift_right_arithmetic3A_1541, %mul3A_1542 : i32
        %multiple_of3A_1544 = tpu.assume_multiple %mul3A_1543, 128 : i32
        %dma_start3A_1545 = arith.constant 0 : i32
        %dma_start3A_1546 = arith.constant 384 : i32
        %dma_start3A_1547 = tpu.memref_slice %arg9[%dma_start3A_1545, %dma_start3A_1546] : memref<32x1024xf32, #tpu.memory_space<vmem>> -> memref<32x128xf32, #tpu.memory_space<vmem>>
        %dma_start3A_1548 = arith.constant 0 : i32
        %dma_start3A_1549 = tpu.memref_slice %arg4[%dma_start3A_1548, %multiple_of3A_1537] : memref<32x1000000xf32, #tpu.memory_space<hbm>> -> memref<32x128xf32, #tpu.memory_space<hbm>>
        %dma_start3A_1550 = arith.constant 0 : i32
        %dma_start3A_1551 = arith.constant 384 : i32
        %dma_start3A_1552 = tpu.memref_slice %arg9[%dma_start3A_1550, %dma_start3A_1551] : memref<32x1024xf32, #tpu.memory_space<vmem>> -> memref<32x128xf32, #tpu.memory_space<vmem>>
        %dma_start3A_1553 = arith.constant 0 : i32
        %dma_start3A_1554 = tpu.memref_slice %arg4[%dma_start3A_1553, %multiple_of3A_1537] : memref<32x1000000xf32, #tpu.memory_space<hbm>> -> memref<32x128xf32, #tpu.memory_space<hbm>>
        tpu.enqueue_dma source(%dma_start3A_1554 : memref<32x128xf32, #tpu.memory_space<hbm>>) target(%dma_start3A_1552 : memref<32x128xf32, #tpu.memory_space<vmem>>) target_semaphore(%arg12 : memref<!tpu.dma_semaphore, #tpu.memory_space<semaphore_mem>>)
        %dma_start3A_1555 = arith.constant 0 : i32
        %dma_start3A_1556 = arith.constant 384 : i32
        %dma_start3A_1557 = tpu.memref_slice %arg10[%dma_start3A_1555, %dma_start3A_1556] : memref<32x1024xf32, #tpu.memory_space<vmem>> -> memref<32x128xf32, #tpu.memory_space<vmem>>
        %dma_start3A_1558 = arith.constant 0 : i32
        %dma_start3A_1559 = tpu.memref_slice %arg5[%dma_start3A_1558, %multiple_of3A_1544] : memref<32x1000000xf32, #tpu.memory_space<hbm>> -> memref<32x128xf32, #tpu.memory_space<hbm>>
        %dma_start3A_1560 = arith.constant 0 : i32
        %dma_start3A_1561 = arith.constant 384 : i32
        %dma_start3A_1562 = tpu.memref_slice %arg10[%dma_start3A_1560, %dma_start3A_1561] : memref<32x1024xf32, #tpu.memory_space<vmem>> -> memref<32x128xf32, #tpu.memory_space<vmem>>
        %dma_start3A_1563 = arith.constant 0 : i32
        %dma_start3A_1564 = tpu.memref_slice %arg5[%dma_start3A_1563, %multiple_of3A_1544] : memref<32x1000000xf32, #tpu.memory_space<hbm>> -> memref<32x128xf32, #tpu.memory_space<hbm>>
        tpu.enqueue_dma source(%dma_start3A_1564 : memref<32x128xf32, #tpu.memory_space<hbm>>) target(%dma_start3A_1562 : memref<32x128xf32, #tpu.memory_space<vmem>>) target_semaphore(%arg12 : memref<!tpu.dma_semaphore, #tpu.memory_space<semaphore_mem>>)
      } else {
      }
      %dma_wait3A_1206 = arith.constant 0 : i32
      %dma_wait3A_1207 = arith.constant 0 : i32
      %dma_wait3A_1208 = tpu.memref_slice %arg9[%dma_wait3A_1206, %dma_wait3A_1207] : memref<32x1024xf32, #tpu.memory_space<vmem>> -> memref<32x512xf32, #tpu.memory_space<vmem>>
      %dma_wait3A_1209 = arith.constant 0 : i32
      %dma_wait3A_1210 = arith.constant 0 : i32
      %dma_wait3A_1211 = tpu.memref_slice %arg4[%dma_wait3A_1209, %dma_wait3A_1210] : memref<32x1000000xf32, #tpu.memory_space<hbm>> -> memref<32x512xf32, #tpu.memory_space<hbm>>
      %dma_wait3A_1212 = arith.constant 0 : i32
      %dma_wait3A_1213 = arith.constant 0 : i32
      %dma_wait3A_1214 = tpu.memref_slice %arg9[%dma_wait3A_1212, %dma_wait3A_1213] : memref<32x1024xf32, #tpu.memory_space<vmem>> -> memref<32x512xf32, #tpu.memory_space<vmem>>
      %dma_wait3A_1215 = arith.constant 0 : i32
      %dma_wait3A_1216 = arith.constant 0 : i32
      %dma_wait3A_1217 = tpu.memref_slice %arg4[%dma_wait3A_1215, %dma_wait3A_1216] : memref<32x1000000xf32, #tpu.memory_space<hbm>> -> memref<32x512xf32, #tpu.memory_space<hbm>>
      tpu.wait_dma2 semaphore(%arg13 : memref<!tpu.dma_semaphore, #tpu.memory_space<semaphore_mem>>) src(%dma_wait3A_1217 : memref<32x512xf32, #tpu.memory_space<hbm>>) dst(%dma_wait3A_1214 : memref<32x512xf32, #tpu.memory_space<vmem>>)
      %dma_wait3A_1218 = arith.constant 0 : i32
      %dma_wait3A_1219 = arith.constant 0 : i32
      %dma_wait3A_1220 = tpu.memref_slice %arg9[%dma_wait3A_1218, %dma_wait3A_1219] : memref<32x1024xf32, #tpu.memory_space<vmem>> -> memref<32x512xf32, #tpu.memory_space<vmem>>
      %dma_wait3A_1221 = arith.constant 0 : i32
      %dma_wait3A_1222 = arith.constant 0 : i32
      %dma_wait3A_1223 = tpu.memref_slice %arg4[%dma_wait3A_1221, %dma_wait3A_1222] : memref<32x1000000xf32, #tpu.memory_space<hbm>> -> memref<32x512xf32, #tpu.memory_space<hbm>>
      %dma_wait3A_1224 = arith.constant 0 : i32
      %dma_wait3A_1225 = arith.constant 0 : i32
      %dma_wait3A_1226 = tpu.memref_slice %arg9[%dma_wait3A_1224, %dma_wait3A_1225] : memref<32x1024xf32, #tpu.memory_space<vmem>> -> memref<32x512xf32, #tpu.memory_space<vmem>>
      %dma_wait3A_1227 = arith.constant 0 : i32
      %dma_wait3A_1228 = arith.constant 0 : i32
      %dma_wait3A_1229 = tpu.memref_slice %arg4[%dma_wait3A_1227, %dma_wait3A_1228] : memref<32x1000000xf32, #tpu.memory_space<hbm>> -> memref<32x512xf32, #tpu.memory_space<hbm>>
      tpu.wait_dma2 semaphore(%arg13 : memref<!tpu.dma_semaphore, #tpu.memory_space<semaphore_mem>>) src(%dma_wait3A_1229 : memref<32x512xf32, #tpu.memory_space<hbm>>) dst(%dma_wait3A_1226 : memref<32x512xf32, #tpu.memory_space<vmem>>)
      %get3A_1230 = arith.index_cast %mul3A_286 : i32 to index
      %get3A_1231 = tpu.vector_load %arg7[%get3A_1230] {strides = array<i32>} : memref<512xi32, #tpu.memory_space<vmem>>, vector<16xi32>,
      %get3A_1232 = arith.index_cast %mul3A_286 : i32 to index
      %get3A_1233 = tpu.vector_load %arg8[%get3A_1232] {strides = array<i32>} : memref<512xi32, #tpu.memory_space<vmem>>, vector<16xi32>,
      %slice3A_1234 = vector.extract_strided_slice %get3A_1231 {offsets = [12], sizes = [1], strides = [1]} : vector<16xi32> to vector<1xi32>
      %squeeze3A_1235 = vector.extract %slice3A_1234[0] : i32 from vector<1xi32>
      %and3A_1236 = arith.constant 127 : i32
      %and3A_1237 = arith.andi %squeeze3A_1235, %and3A_1236 : i32
      %add3A_1238 = arith.constant 512 : i32
      %add3A_1239 = arith.addi %and3A_1237, %add3A_1238 : i32
      %slice3A_1240 = vector.extract_strided_slice %get3A_1233 {offsets = [12], sizes = [1], strides = [1]} : vector<16xi32> to vector<1xi32>
      %squeeze3A_1241 = vector.extract %slice3A_1240[0] : i32 from vector<1xi32>
      %and3A_1242 = arith.constant 127 : i32
      %and3A_1243 = arith.andi %squeeze3A_1241, %and3A_1242 : i32
      %add3A_1244 = arith.constant 512 : i32
      %add3A_1245 = arith.addi %and3A_1243, %add3A_1244 : i32
      %broadcast_in_dim3A_1246 = vector.broadcast %add3A_1239 : i32 to vector<16xi32>
      %broadcast_in_dim3A_1247 = vector.broadcast %add3A_1245 : i32 to vector<16xi32>
      %add3A_1248 = arith.constant 0 : i32
      %add3A_1249 = vector.broadcast %add3A_1248 : i32 to vector<16xi32>
      %add3A_1250 = arith.addi %iota3A, %add3A_1249 : vector<16xi32>
      %gather3A_1251 = tpu.vector_load_idx %arg9[%add3A_1250, %broadcast_in_dim3A_1246] : memref<32x1024xf32, #tpu.memory_space<vmem>>[vector<16xi32>, vector<16xi32>], vector<16xf32>,
      %gather3A_1252 = tpu.vector_load_idx %arg10[%add3A_1250, %broadcast_in_dim3A_1247] : memref<32x1024xf32, #tpu.memory_space<vmem>>[vector<16xi32>, vector<16xi32>], vector<16xf32>,
      %mul3A_1253 = arith.mulf %gather3A_1251, %gather3A_1252 : vector<16xf32>
      %add3A_1254 = arith.constant 12 : i32
      %add3A_1255 = arith.addi %mul3A_286, %add3A_1254 : i32
      %add3A_1256 = arith.constant 0 : i32
      %add3A_1257 = arith.addi %add3A_1255, %add3A_1256 : i32
      %mul3A_1258 = arith.constant 32 : i32
      %mul3A_1259 = arith.muli %add3A_1257, %mul3A_1258 : i32
      %add3A_1260 = arith.constant 0 : i32
      %add3A_1261 = arith.addi %mul3A_1259, %add3A_1260 : i32
      %swap3A_1262 = arith.index_cast %add3A_1261 : i32 to index
      %swap3A_1263 = tpu.vector_load %arg11[%swap3A_1262] {strides = array<i32>} : memref<16384xf32, #tpu.memory_space<vmem>>, vector<16xf32>,
      tpu.vector_store %arg11[%swap3A_1262], %mul3A_1253 {strides = array<i32>} : memref<16384xf32, #tpu.memory_space<vmem>>, vector<16xf32>,
      %add3A_1264 = arith.constant 16 : i32
      %add3A_1265 = vector.broadcast %add3A_1264 : i32 to vector<16xi32>
      %add3A_1266 = arith.addi %iota3A, %add3A_1265 : vector<16xi32>
      %gather3A_1267 = tpu.vector_load_idx %arg9[%add3A_1266, %broadcast_in_dim3A_1246] : memref<32x1024xf32, #tpu.memory_space<vmem>>[vector<16xi32>, vector<16xi32>], vector<16xf32>,
      %gather3A_1268 = tpu.vector_load_idx %arg10[%add3A_1266, %broadcast_in_dim3A_1247] : memref<32x1024xf32, #tpu.memory_space<vmem>>[vector<16xi32>, vector<16xi32>], vector<16xf32>,
      %mul3A_1269 = arith.mulf %gather3A_1267, %gather3A_1268 : vector<16xf32>
      %add3A_1270 = arith.constant 12 : i32
      %add3A_1271 = arith.addi %mul3A_286, %add3A_1270 : i32
      %add3A_1272 = arith.constant 0 : i32
      %add3A_1273 = arith.addi %add3A_1271, %add3A_1272 : i32
      %mul3A_1274 = arith.constant 32 : i32
      %mul3A_1275 = arith.muli %add3A_1273, %mul3A_1274 : i32
      %add3A_1276 = arith.constant 16 : i32
      %add3A_1277 = arith.addi %mul3A_1275, %add3A_1276 : i32
      %swap3A_1278 = arith.index_cast %add3A_1277 : i32 to index
      %swap3A_1279 = tpu.vector_load %arg11[%swap3A_1278] {strides = array<i32>} : memref<16384xf32, #tpu.memory_space<vmem>>, vector<16xf32>,
      tpu.vector_store %arg11[%swap3A_1278], %mul3A_1269 {strides = array<i32>} : memref<16384xf32, #tpu.memory_space<vmem>>, vector<16xf32>,
      %slice3A_1280 = vector.extract_strided_slice %get3A_1231 {offsets = [13], sizes = [1], strides = [1]} : vector<16xi32> to vector<1xi32>
      %squeeze3A_1281 = vector.extract %slice3A_1280[0] : i32 from vector<1xi32>
      %and3A_1282 = arith.constant 127 : i32
      %and3A_1283 = arith.andi %squeeze3A_1281, %and3A_1282 : i32
      %add3A_1284 = arith.constant 640 : i32
      %add3A_1285 = arith.addi %and3A_1283, %add3A_1284 : i32
      %slice3A_1286 = vector.extract_strided_slice %get3A_1233 {offsets = [13], sizes = [1], strides = [1]} : vector<16xi32> to vector<1xi32>
      %squeeze3A_1287 = vector.extract %slice3A_1286[0] : i32 from vector<1xi32>
      %and3A_1288 = arith.constant 127 : i32
      %and3A_1289 = arith.andi %squeeze3A_1287, %and3A_1288 : i32
      %add3A_1290 = arith.constant 640 : i32
      %add3A_1291 = arith.addi %and3A_1289, %add3A_1290 : i32
      %broadcast_in_dim3A_1292 = vector.broadcast %add3A_1285 : i32 to vector<16xi32>
      %broadcast_in_dim3A_1293 = vector.broadcast %add3A_1291 : i32 to vector<16xi32>
      %add3A_1294 = arith.constant 0 : i32
      %add3A_1295 = vector.broadcast %add3A_1294 : i32 to vector<16xi32>
      %add3A_1296 = arith.addi %iota3A, %add3A_1295 : vector<16xi32>
      %gather3A_1297 = tpu.vector_load_idx %arg9[%add3A_1296, %broadcast_in_dim3A_1292] : memref<32x1024xf32, #tpu.memory_space<vmem>>[vector<16xi32>, vector<16xi32>], vector<16xf32>,
      %gather3A_1298 = tpu.vector_load_idx %arg10[%add3A_1296, %broadcast_in_dim3A_1293] : memref<32x1024xf32, #tpu.memory_space<vmem>>[vector<16xi32>, vector<16xi32>], vector<16xf32>,
      %mul3A_1299 = arith.mulf %gather3A_1297, %gather3A_1298 : vector<16xf32>
      %add3A_1300 = arith.constant 12 : i32
      %add3A_1301 = arith.addi %mul3A_286, %add3A_1300 : i32
      %add3A_1302 = arith.constant 1 : i32
      %add3A_1303 = arith.addi %add3A_1301, %add3A_1302 : i32
      %mul3A_1304 = arith.constant 32 : i32
      %mul3A_1305 = arith.muli %add3A_1303, %mul3A_1304 : i32
      %add3A_1306 = arith.constant 0 : i32
      %add3A_1307 = arith.addi %mul3A_1305, %add3A_1306 : i32
      %swap3A_1308 = arith.index_cast %add3A_1307 : i32 to index
      %swap3A_1309 = tpu.vector_load %arg11[%swap3A_1308] {strides = array<i32>} : memref<16384xf32, #tpu.memory_space<vmem>>, vector<16xf32>,
      tpu.vector_store %arg11[%swap3A_1308], %mul3A_1299 {strides = array<i32>} : memref<16384xf32, #tpu.memory_space<vmem>>, vector<16xf32>,
      %add3A_1310 = arith.constant 16 : i32
      %add3A_1311 = vector.broadcast %add3A_1310 : i32 to vector<16xi32>
      %add3A_1312 = arith.addi %iota3A, %add3A_1311 : vector<16xi32>
      %gather3A_1313 = tpu.vector_load_idx %arg9[%add3A_1312, %broadcast_in_dim3A_1292] : memref<32x1024xf32, #tpu.memory_space<vmem>>[vector<16xi32>, vector<16xi32>], vector<16xf32>,
      %gather3A_1314 = tpu.vector_load_idx %arg10[%add3A_1312, %broadcast_in_dim3A_1293] : memref<32x1024xf32, #tpu.memory_space<vmem>>[vector<16xi32>, vector<16xi32>], vector<16xf32>,
      %mul3A_1315 = arith.mulf %gather3A_1313, %gather3A_1314 : vector<16xf32>
      %add3A_1316 = arith.constant 12 : i32
      %add3A_1317 = arith.addi %mul3A_286, %add3A_1316 : i32
      %add3A_1318 = arith.constant 1 : i32
      %add3A_1319 = arith.addi %add3A_1317, %add3A_1318 : i32
      %mul3A_1320 = arith.constant 32 : i32
      %mul3A_1321 = arith.muli %add3A_1319, %mul3A_1320 : i32
      %add3A_1322 = arith.constant 16 : i32
      %add3A_1323 = arith.addi %mul3A_1321, %add3A_1322 : i32
      %swap3A_1324 = arith.index_cast %add3A_1323 : i32 to index
      %swap3A_1325 = tpu.vector_load %arg11[%swap3A_1324] {strides = array<i32>} : memref<16384xf32, #tpu.memory_space<vmem>>, vector<16xf32>,
      tpu.vector_store %arg11[%swap3A_1324], %mul3A_1315 {strides = array<i32>} : memref<16384xf32, #tpu.memory_space<vmem>>, vector<16xf32>,
      %slice3A_1326 = vector.extract_strided_slice %get3A_1231 {offsets = [14], sizes = [1], strides = [1]} : vector<16xi32> to vector<1xi32>
      %squeeze3A_1327 = vector.extract %slice3A_1326[0] : i32 from vector<1xi32>
      %and3A_1328 = arith.constant 127 : i32
      %and3A_1329 = arith.andi %squeeze3A_1327, %and3A_1328 : i32
      %add3A_1330 = arith.constant 768 : i32
      %add3A_1331 = arith.addi %and3A_1329, %add3A_1330 : i32
      %slice3A_1332 = vector.extract_strided_slice %get3A_1233 {offsets = [14], sizes = [1], strides = [1]} : vector<16xi32> to vector<1xi32>
      %squeeze3A_1333 = vector.extract %slice3A_1332[0] : i32 from vector<1xi32>
      %and3A_1334 = arith.constant 127 : i32
      %and3A_1335 = arith.andi %squeeze3A_1333, %and3A_1334 : i32
      %add3A_1336 = arith.constant 768 : i32
      %add3A_1337 = arith.addi %and3A_1335, %add3A_1336 : i32
      %broadcast_in_dim3A_1338 = vector.broadcast %add3A_1331 : i32 to vector<16xi32>
      %broadcast_in_dim3A_1339 = vector.broadcast %add3A_1337 : i32 to vector<16xi32>
      %add3A_1340 = arith.constant 0 : i32
      %add3A_1341 = vector.broadcast %add3A_1340 : i32 to vector<16xi32>
      %add3A_1342 = arith.addi %iota3A, %add3A_1341 : vector<16xi32>
      %gather3A_1343 = tpu.vector_load_idx %arg9[%add3A_1342, %broadcast_in_dim3A_1338] : memref<32x1024xf32, #tpu.memory_space<vmem>>[vector<16xi32>, vector<16xi32>], vector<16xf32>,
      %gather3A_1344 = tpu.vector_load_idx %arg10[%add3A_1342, %broadcast_in_dim3A_1339] : memref<32x1024xf32, #tpu.memory_space<vmem>>[vector<16xi32>, vector<16xi32>], vector<16xf32>,
      %mul3A_1345 = arith.mulf %gather3A_1343, %gather3A_1344 : vector<16xf32>
      %add3A_1346 = arith.constant 12 : i32
      %add3A_1347 = arith.addi %mul3A_286, %add3A_1346 : i32
      %add3A_1348 = arith.constant 2 : i32
      %add3A_1349 = arith.addi %add3A_1347, %add3A_1348 : i32
      %mul3A_1350 = arith.constant 32 : i32
      %mul3A_1351 = arith.muli %add3A_1349, %mul3A_1350 : i32
      %add3A_1352 = arith.constant 0 : i32
      %add3A_1353 = arith.addi %mul3A_1351, %add3A_1352 : i32
      %swap3A_1354 = arith.index_cast %add3A_1353 : i32 to index
      %swap3A_1355 = tpu.vector_load %arg11[%swap3A_1354] {strides = array<i32>} : memref<16384xf32, #tpu.memory_space<vmem>>, vector<16xf32>,
      tpu.vector_store %arg11[%swap3A_1354], %mul3A_1345 {strides = array<i32>} : memref<16384xf32, #tpu.memory_space<vmem>>, vector<16xf32>,
      %add3A_1356 = arith.constant 16 : i32
      %add3A_1357 = vector.broadcast %add3A_1356 : i32 to vector<16xi32>
      %add3A_1358 = arith.addi %iota3A, %add3A_1357 : vector<16xi32>
      %gather3A_1359 = tpu.vector_load_idx %arg9[%add3A_1358, %broadcast_in_dim3A_1338] : memref<32x1024xf32, #tpu.memory_space<vmem>>[vector<16xi32>, vector<16xi32>], vector<16xf32>,
      %gather3A_1360 = tpu.vector_load_idx %arg10[%add3A_1358, %broadcast_in_dim3A_1339] : memref<32x1024xf32, #tpu.memory_space<vmem>>[vector<16xi32>, vector<16xi32>], vector<16xf32>,
      %mul3A_1361 = arith.mulf %gather3A_1359, %gather3A_1360 : vector<16xf32>
      %add3A_1362 = arith.constant 12 : i32
      %add3A_1363 = arith.addi %mul3A_286, %add3A_1362 : i32
      %add3A_1364 = arith.constant 2 : i32
      %add3A_1365 = arith.addi %add3A_1363, %add3A_1364 : i32
      %mul3A_1366 = arith.constant 32 : i32
      %mul3A_1367 = arith.muli %add3A_1365, %mul3A_1366 : i32
      %add3A_1368 = arith.constant 16 : i32
      %add3A_1369 = arith.addi %mul3A_1367, %add3A_1368 : i32
      %swap3A_1370 = arith.index_cast %add3A_1369 : i32 to index
      %swap3A_1371 = tpu.vector_load %arg11[%swap3A_1370] {strides = array<i32>} : memref<16384xf32, #tpu.memory_space<vmem>>, vector<16xf32>,
      tpu.vector_store %arg11[%swap3A_1370], %mul3A_1361 {strides = array<i32>} : memref<16384xf32, #tpu.memory_space<vmem>>, vector<16xf32>,
      %slice3A_1372 = vector.extract_strided_slice %get3A_1231 {offsets = [15], sizes = [1], strides = [1]} : vector<16xi32> to vector<1xi32>
      %squeeze3A_1373 = vector.extract %slice3A_1372[0] : i32 from vector<1xi32>
      %and3A_1374 = arith.constant 127 : i32
      %and3A_1375 = arith.andi %squeeze3A_1373, %and3A_1374 : i32
      %add3A_1376 = arith.constant 896 : i32
      %add3A_1377 = arith.addi %and3A_1375, %add3A_1376 : i32
      %slice3A_1378 = vector.extract_strided_slice %get3A_1233 {offsets = [15], sizes = [1], strides = [1]} : vector<16xi32> to vector<1xi32>
      %squeeze3A_1379 = vector.extract %slice3A_1378[0] : i32 from vector<1xi32>
      %and3A_1380 = arith.constant 127 : i32
      %and3A_1381 = arith.andi %squeeze3A_1379, %and3A_1380 : i32
      %add3A_1382 = arith.constant 896 : i32
      %add3A_1383 = arith.addi %and3A_1381, %add3A_1382 : i32
      %broadcast_in_dim3A_1384 = vector.broadcast %add3A_1377 : i32 to vector<16xi32>
      %broadcast_in_dim3A_1385 = vector.broadcast %add3A_1383 : i32 to vector<16xi32>
      %add3A_1386 = arith.constant 0 : i32
      %add3A_1387 = vector.broadcast %add3A_1386 : i32 to vector<16xi32>
      %add3A_1388 = arith.addi %iota3A, %add3A_1387 : vector<16xi32>
      %gather3A_1389 = tpu.vector_load_idx %arg9[%add3A_1388, %broadcast_in_dim3A_1384] : memref<32x1024xf32, #tpu.memory_space<vmem>>[vector<16xi32>, vector<16xi32>], vector<16xf32>,
      %gather3A_1390 = tpu.vector_load_idx %arg10[%add3A_1388, %broadcast_in_dim3A_1385] : memref<32x1024xf32, #tpu.memory_space<vmem>>[vector<16xi32>, vector<16xi32>], vector<16xf32>,
      %mul3A_1391 = arith.mulf %gather3A_1389, %gather3A_1390 : vector<16xf32>
      %add3A_1392 = arith.constant 12 : i32
      %add3A_1393 = arith.addi %mul3A_286, %add3A_1392 : i32
      %add3A_1394 = arith.constant 3 : i32
      %add3A_1395 = arith.addi %add3A_1393, %add3A_1394 : i32
      %mul3A_1396 = arith.constant 32 : i32
      %mul3A_1397 = arith.muli %add3A_1395, %mul3A_1396 : i32
      %add3A_1398 = arith.constant 0 : i32
      %add3A_1399 = arith.addi %mul3A_1397, %add3A_1398 : i32
      %swap3A_1400 = arith.index_cast %add3A_1399 : i32 to index
      %swap3A_1401 = tpu.vector_load %arg11[%swap3A_1400] {strides = array<i32>} : memref<16384xf32, #tpu.memory_space<vmem>>, vector<16xf32>,
      tpu.vector_store %arg11[%swap3A_1400], %mul3A_1391 {strides = array<i32>} : memref<16384xf32, #tpu.memory_space<vmem>>, vector<16xf32>,
      %add3A_1402 = arith.constant 16 : i32
      %add3A_1403 = vector.broadcast %add3A_1402 : i32 to vector<16xi32>
      %add3A_1404 = arith.addi %iota3A, %add3A_1403 : vector<16xi32>
      %gather3A_1405 = tpu.vector_load_idx %arg9[%add3A_1404, %broadcast_in_dim3A_1384] : memref<32x1024xf32, #tpu.memory_space<vmem>>[vector<16xi32>, vector<16xi32>], vector<16xf32>,
      %gather3A_1406 = tpu.vector_load_idx %arg10[%add3A_1404, %broadcast_in_dim3A_1385] : memref<32x1024xf32, #tpu.memory_space<vmem>>[vector<16xi32>, vector<16xi32>], vector<16xf32>,
      %mul3A_1407 = arith.mulf %gather3A_1405, %gather3A_1406 : vector<16xf32>
      %add3A_1408 = arith.constant 12 : i32
      %add3A_1409 = arith.addi %mul3A_286, %add3A_1408 : i32
      %add3A_1410 = arith.constant 3 : i32
      %add3A_1411 = arith.addi %add3A_1409, %add3A_1410 : i32
      %mul3A_1412 = arith.constant 32 : i32
      %mul3A_1413 = arith.muli %add3A_1411, %mul3A_1412 : i32
      %add3A_1414 = arith.constant 16 : i32
      %add3A_1415 = arith.addi %mul3A_1413, %add3A_1414 : i32
      %swap3A_1416 = arith.index_cast %add3A_1415 : i32 to index
      %swap3A_1417 = tpu.vector_load %arg11[%swap3A_1416] {strides = array<i32>} : memref<16384xf32, #tpu.memory_space<vmem>>, vector<16xf32>,
      tpu.vector_store %arg11[%swap3A_1416], %mul3A_1407 {strides = array<i32>} : memref<16384xf32, #tpu.memory_space<vmem>>, vector<16xf32>,
      %add3A_1418 = arith.constant 16 : i32
      %add3A_1419 = arith.addi %mul3A_286, %add3A_1418 : i32
      %lt3A_1420 = arith.constant 31 : i32
      %lt3A_1421 = arith.cmpi slt, %scan3A_284, %lt3A_1420 : i32
      %convert_element_type3A_1422 = arith.extui %lt3A_1421 : i1 to i32
      %cond3A_1423 = arith.constant 0 : i32
      %cond3A_1424 = arith.cmpi ne, %convert_element_type3A_1422, %cond3A_1423 : i32
      scf.if %cond3A_1424 {
        %get3A_1425 = arith.index_cast %add3A_1419 : i32 to index
        %get3A_1426 = tpu.vector_load %arg7[%get3A_1425] {strides = array<i32>} : memref<512xi32, #tpu.memory_space<vmem>>, vector<16xi32>,
        %get3A_1427 = arith.index_cast %add3A_1419 : i32 to index
        %get3A_1428 = tpu.vector_load %arg8[%get3A_1427] {strides = array<i32>} : memref<512xi32, #tpu.memory_space<vmem>>, vector<16xi32>,
        %slice3A_1429 = vector.extract_strided_slice %get3A_1426 {offsets = [4], sizes = [1], strides = [1]} : vector<16xi32> to vector<1xi32>
        %squeeze3A_1430 = vector.extract %slice3A_1429[0] : i32 from vector<1xi32>
        %shift_right_arithmetic3A_1431 = arith.constant 7 : i32
        %shift_right_arithmetic3A_1432 = arith.shrsi %squeeze3A_1430, %shift_right_arithmetic3A_1431 : i32
        %mul3A_1433 = arith.constant 128 : i32
        %mul3A_1434 = arith.muli %shift_right_arithmetic3A_1432, %mul3A_1433 : i32
        %multiple_of3A_1435 = tpu.assume_multiple %mul3A_1434, 128 : i32
        %slice3A_1436 = vector.extract_strided_slice %get3A_1428 {offsets = [4], sizes = [1], strides = [1]} : vector<16xi32> to vector<1xi32>
        %squeeze3A_1437 = vector.extract %slice3A_1436[0] : i32 from vector<1xi32>
        %shift_right_arithmetic3A_1438 = arith.constant 7 : i32
        %shift_right_arithmetic3A_1439 = arith.shrsi %squeeze3A_1437, %shift_right_arithmetic3A_1438 : i32
        %mul3A_1440 = arith.constant 128 : i32
        %mul3A_1441 = arith.muli %shift_right_arithmetic3A_1439, %mul3A_1440 : i32
        %multiple_of3A_1442 = tpu.assume_multiple %mul3A_1441, 128 : i32
        %dma_start3A_1443 = arith.constant 0 : i32
        %dma_start3A_1444 = arith.constant 512 : i32
        %dma_start3A_1445 = tpu.memref_slice %arg9[%dma_start3A_1443, %dma_start3A_1444] : memref<32x1024xf32, #tpu.memory_space<vmem>> -> memref<32x128xf32, #tpu.memory_space<vmem>>
        %dma_start3A_1446 = arith.constant 0 : i32
        %dma_start3A_1447 = tpu.memref_slice %arg4[%dma_start3A_1446, %multiple_of3A_1435] : memref<32x1000000xf32, #tpu.memory_space<hbm>> -> memref<32x128xf32, #tpu.memory_space<hbm>>
        %dma_start3A_1448 = arith.constant 0 : i32
        %dma_start3A_1449 = arith.constant 512 : i32
        %dma_start3A_1450 = tpu.memref_slice %arg9[%dma_start3A_1448, %dma_start3A_1449] : memref<32x1024xf32, #tpu.memory_space<vmem>> -> memref<32x128xf32, #tpu.memory_space<vmem>>
        %dma_start3A_1451 = arith.constant 0 : i32
        %dma_start3A_1452 = tpu.memref_slice %arg4[%dma_start3A_1451, %multiple_of3A_1435] : memref<32x1000000xf32, #tpu.memory_space<hbm>> -> memref<32x128xf32, #tpu.memory_space<hbm>>
        tpu.enqueue_dma source(%dma_start3A_1452 : memref<32x128xf32, #tpu.memory_space<hbm>>) target(%dma_start3A_1450 : memref<32x128xf32, #tpu.memory_space<vmem>>) target_semaphore(%arg13 : memref<!tpu.dma_semaphore, #tpu.memory_space<semaphore_mem>>)
        %dma_start3A_1453 = arith.constant 0 : i32
        %dma_start3A_1454 = arith.constant 512 : i32
        %dma_start3A_1455 = tpu.memref_slice %arg10[%dma_start3A_1453, %dma_start3A_1454] : memref<32x1024xf32, #tpu.memory_space<vmem>> -> memref<32x128xf32, #tpu.memory_space<vmem>>
        %dma_start3A_1456 = arith.constant 0 : i32
        %dma_start3A_1457 = tpu.memref_slice %arg5[%dma_start3A_1456, %multiple_of3A_1442] : memref<32x1000000xf32, #tpu.memory_space<hbm>> -> memref<32x128xf32, #tpu.memory_space<hbm>>
        %dma_start3A_1458 = arith.constant 0 : i32
        %dma_start3A_1459 = arith.constant 512 : i32
        %dma_start3A_1460 = tpu.memref_slice %arg10[%dma_start3A_1458, %dma_start3A_1459] : memref<32x1024xf32, #tpu.memory_space<vmem>> -> memref<32x128xf32, #tpu.memory_space<vmem>>
        %dma_start3A_1461 = arith.constant 0 : i32
        %dma_start3A_1462 = tpu.memref_slice %arg5[%dma_start3A_1461, %multiple_of3A_1442] : memref<32x1000000xf32, #tpu.memory_space<hbm>> -> memref<32x128xf32, #tpu.memory_space<hbm>>
        tpu.enqueue_dma source(%dma_start3A_1462 : memref<32x128xf32, #tpu.memory_space<hbm>>) target(%dma_start3A_1460 : memref<32x128xf32, #tpu.memory_space<vmem>>) target_semaphore(%arg13 : memref<!tpu.dma_semaphore, #tpu.memory_space<semaphore_mem>>)
        %slice3A_1463 = vector.extract_strided_slice %get3A_1426 {offsets = [5], sizes = [1], strides = [1]} : vector<16xi32> to vector<1xi32>
        %squeeze3A_1464 = vector.extract %slice3A_1463[0] : i32 from vector<1xi32>
        %shift_right_arithmetic3A_1465 = arith.constant 7 : i32
        %shift_right_arithmetic3A_1466 = arith.shrsi %squeeze3A_1464, %shift_right_arithmetic3A_1465 : i32
        %mul3A_1467 = arith.constant 128 : i32
        %mul3A_1468 = arith.muli %shift_right_arithmetic3A_1466, %mul3A_1467 : i32
        %multiple_of3A_1469 = tpu.assume_multiple %mul3A_1468, 128 : i32
        %slice3A_1470 = vector.extract_strided_slice %get3A_1428 {offsets = [5], sizes = [1], strides = [1]} : vector<16xi32> to vector<1xi32>
        %squeeze3A_1471 = vector.extract %slice3A_1470[0] : i32 from vector<1xi32>
        %shift_right_arithmetic3A_1472 = arith.constant 7 : i32
        %shift_right_arithmetic3A_1473 = arith.shrsi %squeeze3A_1471, %shift_right_arithmetic3A_1472 : i32
        %mul3A_1474 = arith.constant 128 : i32
        %mul3A_1475 = arith.muli %shift_right_arithmetic3A_1473, %mul3A_1474 : i32
        %multiple_of3A_1476 = tpu.assume_multiple %mul3A_1475, 128 : i32
        %dma_start3A_1477 = arith.constant 0 : i32
        %dma_start3A_1478 = arith.constant 640 : i32
        %dma_start3A_1479 = tpu.memref_slice %arg9[%dma_start3A_1477, %dma_start3A_1478] : memref<32x1024xf32, #tpu.memory_space<vmem>> -> memref<32x128xf32, #tpu.memory_space<vmem>>
        %dma_start3A_1480 = arith.constant 0 : i32
        %dma_start3A_1481 = tpu.memref_slice %arg4[%dma_start3A_1480, %multiple_of3A_1469] : memref<32x1000000xf32, #tpu.memory_space<hbm>> -> memref<32x128xf32, #tpu.memory_space<hbm>>
        %dma_start3A_1482 = arith.constant 0 : i32
        %dma_start3A_1483 = arith.constant 640 : i32
        %dma_start3A_1484 = tpu.memref_slice %arg9[%dma_start3A_1482, %dma_start3A_1483] : memref<32x1024xf32, #tpu.memory_space<vmem>> -> memref<32x128xf32, #tpu.memory_space<vmem>>
        %dma_start3A_1485 = arith.constant 0 : i32
        %dma_start3A_1486 = tpu.memref_slice %arg4[%dma_start3A_1485, %multiple_of3A_1469] : memref<32x1000000xf32, #tpu.memory_space<hbm>> -> memref<32x128xf32, #tpu.memory_space<hbm>>
        tpu.enqueue_dma source(%dma_start3A_1486 : memref<32x128xf32, #tpu.memory_space<hbm>>) target(%dma_start3A_1484 : memref<32x128xf32, #tpu.memory_space<vmem>>) target_semaphore(%arg13 : memref<!tpu.dma_semaphore, #tpu.memory_space<semaphore_mem>>)
        %dma_start3A_1487 = arith.constant 0 : i32
        %dma_start3A_1488 = arith.constant 640 : i32
        %dma_start3A_1489 = tpu.memref_slice %arg10[%dma_start3A_1487, %dma_start3A_1488] : memref<32x1024xf32, #tpu.memory_space<vmem>> -> memref<32x128xf32, #tpu.memory_space<vmem>>
        %dma_start3A_1490 = arith.constant 0 : i32
        %dma_start3A_1491 = tpu.memref_slice %arg5[%dma_start3A_1490, %multiple_of3A_1476] : memref<32x1000000xf32, #tpu.memory_space<hbm>> -> memref<32x128xf32, #tpu.memory_space<hbm>>
        %dma_start3A_1492 = arith.constant 0 : i32
        %dma_start3A_1493 = arith.constant 640 : i32
        %dma_start3A_1494 = tpu.memref_slice %arg10[%dma_start3A_1492, %dma_start3A_1493] : memref<32x1024xf32, #tpu.memory_space<vmem>> -> memref<32x128xf32, #tpu.memory_space<vmem>>
        %dma_start3A_1495 = arith.constant 0 : i32
        %dma_start3A_1496 = tpu.memref_slice %arg5[%dma_start3A_1495, %multiple_of3A_1476] : memref<32x1000000xf32, #tpu.memory_space<hbm>> -> memref<32x128xf32, #tpu.memory_space<hbm>>
        tpu.enqueue_dma source(%dma_start3A_1496 : memref<32x128xf32, #tpu.memory_space<hbm>>) target(%dma_start3A_1494 : memref<32x128xf32, #tpu.memory_space<vmem>>) target_semaphore(%arg13 : memref<!tpu.dma_semaphore, #tpu.memory_space<semaphore_mem>>)
        %slice3A_1497 = vector.extract_strided_slice %get3A_1426 {offsets = [6], sizes = [1], strides = [1]} : vector<16xi32> to vector<1xi32>
        %squeeze3A_1498 = vector.extract %slice3A_1497[0] : i32 from vector<1xi32>
        %shift_right_arithmetic3A_1499 = arith.constant 7 : i32
        %shift_right_arithmetic3A_1500 = arith.shrsi %squeeze3A_1498, %shift_right_arithmetic3A_1499 : i32
        %mul3A_1501 = arith.constant 128 : i32
        %mul3A_1502 = arith.muli %shift_right_arithmetic3A_1500, %mul3A_1501 : i32
        %multiple_of3A_1503 = tpu.assume_multiple %mul3A_1502, 128 : i32
        %slice3A_1504 = vector.extract_strided_slice %get3A_1428 {offsets = [6], sizes = [1], strides = [1]} : vector<16xi32> to vector<1xi32>
        %squeeze3A_1505 = vector.extract %slice3A_1504[0] : i32 from vector<1xi32>
        %shift_right_arithmetic3A_1506 = arith.constant 7 : i32
        %shift_right_arithmetic3A_1507 = arith.shrsi %squeeze3A_1505, %shift_right_arithmetic3A_1506 : i32
        %mul3A_1508 = arith.constant 128 : i32
        %mul3A_1509 = arith.muli %shift_right_arithmetic3A_1507, %mul3A_1508 : i32
        %multiple_of3A_1510 = tpu.assume_multiple %mul3A_1509, 128 : i32
        %dma_start3A_1511 = arith.constant 0 : i32
        %dma_start3A_1512 = arith.constant 768 : i32
        %dma_start3A_1513 = tpu.memref_slice %arg9[%dma_start3A_1511, %dma_start3A_1512] : memref<32x1024xf32, #tpu.memory_space<vmem>> -> memref<32x128xf32, #tpu.memory_space<vmem>>
        %dma_start3A_1514 = arith.constant 0 : i32
        %dma_start3A_1515 = tpu.memref_slice %arg4[%dma_start3A_1514, %multiple_of3A_1503] : memref<32x1000000xf32, #tpu.memory_space<hbm>> -> memref<32x128xf32, #tpu.memory_space<hbm>>
        %dma_start3A_1516 = arith.constant 0 : i32
        %dma_start3A_1517 = arith.constant 768 : i32
        %dma_start3A_1518 = tpu.memref_slice %arg9[%dma_start3A_1516, %dma_start3A_1517] : memref<32x1024xf32, #tpu.memory_space<vmem>> -> memref<32x128xf32, #tpu.memory_space<vmem>>
        %dma_start3A_1519 = arith.constant 0 : i32
        %dma_start3A_1520 = tpu.memref_slice %arg4[%dma_start3A_1519, %multiple_of3A_1503] : memref<32x1000000xf32, #tpu.memory_space<hbm>> -> memref<32x128xf32, #tpu.memory_space<hbm>>
        tpu.enqueue_dma source(%dma_start3A_1520 : memref<32x128xf32, #tpu.memory_space<hbm>>) target(%dma_start3A_1518 : memref<32x128xf32, #tpu.memory_space<vmem>>) target_semaphore(%arg13 : memref<!tpu.dma_semaphore, #tpu.memory_space<semaphore_mem>>)
        %dma_start3A_1521 = arith.constant 0 : i32
        %dma_start3A_1522 = arith.constant 768 : i32
        %dma_start3A_1523 = tpu.memref_slice %arg10[%dma_start3A_1521, %dma_start3A_1522] : memref<32x1024xf32, #tpu.memory_space<vmem>> -> memref<32x128xf32, #tpu.memory_space<vmem>>
        %dma_start3A_1524 = arith.constant 0 : i32
        %dma_start3A_1525 = tpu.memref_slice %arg5[%dma_start3A_1524, %multiple_of3A_1510] : memref<32x1000000xf32, #tpu.memory_space<hbm>> -> memref<32x128xf32, #tpu.memory_space<hbm>>
        %dma_start3A_1526 = arith.constant 0 : i32
        %dma_start3A_1527 = arith.constant 768 : i32
        %dma_start3A_1528 = tpu.memref_slice %arg10[%dma_start3A_1526, %dma_start3A_1527] : memref<32x1024xf32, #tpu.memory_space<vmem>> -> memref<32x128xf32, #tpu.memory_space<vmem>>
        %dma_start3A_1529 = arith.constant 0 : i32
        %dma_start3A_1530 = tpu.memref_slice %arg5[%dma_start3A_1529, %multiple_of3A_1510] : memref<32x1000000xf32, #tpu.memory_space<hbm>> -> memref<32x128xf32, #tpu.memory_space<hbm>>
        tpu.enqueue_dma source(%dma_start3A_1530 : memref<32x128xf32, #tpu.memory_space<hbm>>) target(%dma_start3A_1528 : memref<32x128xf32, #tpu.memory_space<vmem>>) target_semaphore(%arg13 : memref<!tpu.dma_semaphore, #tpu.memory_space<semaphore_mem>>)
        %slice3A_1531 = vector.extract_strided_slice %get3A_1426 {offsets = [7], sizes = [1], strides = [1]} : vector<16xi32> to vector<1xi32>
        %squeeze3A_1532 = vector.extract %slice3A_1531[0] : i32 from vector<1xi32>
        %shift_right_arithmetic3A_1533 = arith.constant 7 : i32
        %shift_right_arithmetic3A_1534 = arith.shrsi %squeeze3A_1532, %shift_right_arithmetic3A_1533 : i32
        %mul3A_1535 = arith.constant 128 : i32
        %mul3A_1536 = arith.muli %shift_right_arithmetic3A_1534, %mul3A_1535 : i32
        %multiple_of3A_1537 = tpu.assume_multiple %mul3A_1536, 128 : i32
        %slice3A_1538 = vector.extract_strided_slice %get3A_1428 {offsets = [7], sizes = [1], strides = [1]} : vector<16xi32> to vector<1xi32>
        %squeeze3A_1539 = vector.extract %slice3A_1538[0] : i32 from vector<1xi32>
        %shift_right_arithmetic3A_1540 = arith.constant 7 : i32
        %shift_right_arithmetic3A_1541 = arith.shrsi %squeeze3A_1539, %shift_right_arithmetic3A_1540 : i32
        %mul3A_1542 = arith.constant 128 : i32
        %mul3A_1543 = arith.muli %shift_right_arithmetic3A_1541, %mul3A_1542 : i32
        %multiple_of3A_1544 = tpu.assume_multiple %mul3A_1543, 128 : i32
        %dma_start3A_1545 = arith.constant 0 : i32
        %dma_start3A_1546 = arith.constant 896 : i32
        %dma_start3A_1547 = tpu.memref_slice %arg9[%dma_start3A_1545, %dma_start3A_1546] : memref<32x1024xf32, #tpu.memory_space<vmem>> -> memref<32x128xf32, #tpu.memory_space<vmem>>
        %dma_start3A_1548 = arith.constant 0 : i32
        %dma_start3A_1549 = tpu.memref_slice %arg4[%dma_start3A_1548, %multiple_of3A_1537] : memref<32x1000000xf32, #tpu.memory_space<hbm>> -> memref<32x128xf32, #tpu.memory_space<hbm>>
        %dma_start3A_1550 = arith.constant 0 : i32
        %dma_start3A_1551 = arith.constant 896 : i32
        %dma_start3A_1552 = tpu.memref_slice %arg9[%dma_start3A_1550, %dma_start3A_1551] : memref<32x1024xf32, #tpu.memory_space<vmem>> -> memref<32x128xf32, #tpu.memory_space<vmem>>
        %dma_start3A_1553 = arith.constant 0 : i32
        %dma_start3A_1554 = tpu.memref_slice %arg4[%dma_start3A_1553, %multiple_of3A_1537] : memref<32x1000000xf32, #tpu.memory_space<hbm>> -> memref<32x128xf32, #tpu.memory_space<hbm>>
        tpu.enqueue_dma source(%dma_start3A_1554 : memref<32x128xf32, #tpu.memory_space<hbm>>) target(%dma_start3A_1552 : memref<32x128xf32, #tpu.memory_space<vmem>>) target_semaphore(%arg13 : memref<!tpu.dma_semaphore, #tpu.memory_space<semaphore_mem>>)
        %dma_start3A_1555 = arith.constant 0 : i32
        %dma_start3A_1556 = arith.constant 896 : i32
        %dma_start3A_1557 = tpu.memref_slice %arg10[%dma_start3A_1555, %dma_start3A_1556] : memref<32x1024xf32, #tpu.memory_space<vmem>> -> memref<32x128xf32, #tpu.memory_space<vmem>>
        %dma_start3A_1558 = arith.constant 0 : i32
        %dma_start3A_1559 = tpu.memref_slice %arg5[%dma_start3A_1558, %multiple_of3A_1544] : memref<32x1000000xf32, #tpu.memory_space<hbm>> -> memref<32x128xf32, #tpu.memory_space<hbm>>
        %dma_start3A_1560 = arith.constant 0 : i32
        %dma_start3A_1561 = arith.constant 896 : i32
        %dma_start3A_1562 = tpu.memref_slice %arg10[%dma_start3A_1560, %dma_start3A_1561] : memref<32x1024xf32, #tpu.memory_space<vmem>> -> memref<32x128xf32, #tpu.memory_space<vmem>>
        %dma_start3A_1563 = arith.constant 0 : i32
        %dma_start3A_1564 = tpu.memref_slice %arg5[%dma_start3A_1563, %multiple_of3A_1544] : memref<32x1000000xf32, #tpu.memory_space<hbm>> -> memref<32x128xf32, #tpu.memory_space<hbm>>
        tpu.enqueue_dma source(%dma_start3A_1564 : memref<32x128xf32, #tpu.memory_space<hbm>>) target(%dma_start3A_1562 : memref<32x128xf32, #tpu.memory_space<vmem>>) target_semaphore(%arg13 : memref<!tpu.dma_semaphore, #tpu.memory_space<semaphore_mem>>)
      } else {
      }
    }
    %scan3A_281 = arith.constant 32 : i32
    %mul3A_282 = arith.constant 16384 : i32
    %mul3A_283 = arith.muli %add3A, %mul3A_282 : i32
    "tpu.region"() ({
      %run_scoped3A = tpu.sem_alloc : memref<!tpu.dma_semaphore, #tpu.memory_space<semaphore_mem>>
      %dma_start3A_284 = tpu.memref_slice %arg6[%mul3A_283] : memref<524288xf32, #tpu.memory_space<hbm>> -> memref<16384xf32, #tpu.memory_space<hbm>>
      %dma_start3A_285 = tpu.memref_slice %arg6[%mul3A_283] : memref<524288xf32, #tpu.memory_space<hbm>> -> memref<16384xf32, #tpu.memory_space<hbm>>
      tpu.enqueue_dma source(%arg11 : memref<16384xf32, #tpu.memory_space<vmem>>) target(%dma_start3A_285 : memref<16384xf32, #tpu.memory_space<hbm>>) target_semaphore(%run_scoped3A : memref<!tpu.dma_semaphore, #tpu.memory_space<semaphore_mem>>)
      %dma_wait3A = tpu.memref_slice %arg6[%mul3A_283] : memref<524288xf32, #tpu.memory_space<hbm>> -> memref<16384xf32, #tpu.memory_space<hbm>>
      %dma_wait3A_286 = tpu.memref_slice %arg6[%mul3A_283] : memref<524288xf32, #tpu.memory_space<hbm>> -> memref<16384xf32, #tpu.memory_space<hbm>>
      tpu.wait_dma2 semaphore(%run_scoped3A : memref<!tpu.dma_semaphore, #tpu.memory_space<semaphore_mem>>) src(%arg11 : memref<16384xf32, #tpu.memory_space<vmem>>) dst(%dma_wait3A_286 : memref<16384xf32, #tpu.memory_space<hbm>>)
      tpu.yield
    }) : () -> ()
    return
  }
}

module attributes {stable_mosaic.version = 14 : i64} {
  func.func @_mlp_body(%arg0: i32, %arg1: memref<65536xf32, #tpu.memory_space<vmem>>, %arg2: memref<128x128xf32, #tpu.memory_space<vmem>>, %arg3: memref<1x128xf32, #tpu.memory_space<vmem>>, %arg4: memref<128x4xf32, #tpu.memory_space<vmem>>, %arg5: memref<1x1xf32, #tpu.memory_space<vmem>>, %arg6: memref<512x4xf32, #tpu.memory_space<vmem>>) attributes {dimension_semantics = [#tpu.dimension_semantics<arbitrary>], iteration_bounds = array<i64: 8>, scalar_prefetch = 0 : i64, scratch_operands = 0 : i64, tpu.core_type = #tpu.core_type<tc>, window_params = [{transform_indices = @transform_0, window_bounds = array<i64: 65536>}, {pipeline_mode = #tpu.pipeline_mode<synchronous>, transform_indices = @transform_1, window_bounds = array<i64: 128, 128>}, {pipeline_mode = #tpu.pipeline_mode<synchronous>, transform_indices = @transform_2, window_bounds = array<i64: 1, 128>}, {pipeline_mode = #tpu.pipeline_mode<synchronous>, transform_indices = @transform_3, window_bounds = array<i64: 128, 4>}, {pipeline_mode = #tpu.pipeline_mode<synchronous>, transform_indices = @transform_4, window_bounds = array<i64: 1, 1>}, {transform_indices = @transform_5, window_bounds = array<i64: 512, 4>}]} {
    %get3A = arith.constant 0 : index
    %get3A_0 = vector.load %arg1[%get3A] : memref<65536xf32, #tpu.memory_space<vmem>>, vector<65536xf32>
    %reshape3A = vector.shape_cast %get3A_0 : vector<65536xf32> to vector<512x128xf32>
    %get3A_1 = arith.constant 0 : index
    %get3A_2 = arith.constant 0 : index
    %get3A_3 = vector.load %arg2[%get3A_1, %get3A_2] : memref<128x128xf32, #tpu.memory_space<vmem>>, vector<128x128xf32>
    %dot_general3A = arith.constant dense<0.000000e+00> : vector<512x128xf32>
    %dot_general3A_4 = tpu.matmul %reshape3A, %get3A_3, %dot_general3A {dimension_numbers = #tpu.dot_dimension_numbers<[1], [0], [0], [1], [0, 0, 1, 1], [], []>, transpose_lhs_hint = false} : vector<512x128xf32>, vector<128x128xf32>, vector<512x128xf32> -> vector<512x128xf32>
    %get3A_5 = arith.constant 0 : index
    %get3A_6 = arith.constant 0 : index
    %get3A_7 = vector.load %arg3[%get3A_5, %get3A_6] : memref<1x128xf32, #tpu.memory_space<vmem>>, vector<1x128xf32>
    %add3A = vector.broadcast %get3A_7 : vector<1x128xf32> to vector<512x128xf32>
    %add3A_8 = arith.addf %dot_general3A_4, %add3A : vector<512x128xf32>
    %max3A = arith.constant 0.000000e+00 : f32
    %max3A_9 = vector.broadcast %max3A : f32 to vector<512x128xf32>
    %max3A_10 = arith.maximumf %add3A_8, %max3A_9 : vector<512x128xf32>
    %get3A_11 = arith.constant 0 : index
    %get3A_12 = arith.constant 0 : index
    %get3A_13 = vector.load %arg4[%get3A_11, %get3A_12] : memref<128x4xf32, #tpu.memory_space<vmem>>, vector<128x4xf32>
    %dot_general3A_14 = arith.constant dense<0.000000e+00> : vector<512x4xf32>
    %dot_general3A_15 = tpu.matmul %max3A_10, %get3A_13, %dot_general3A_14 {dimension_numbers = #tpu.dot_dimension_numbers<[1], [0], [0], [1], [0, 0, 1, 1], [], []>, transpose_lhs_hint = false} : vector<512x128xf32>, vector<128x4xf32>, vector<512x4xf32> -> vector<512x4xf32>
    %get3A_16 = arith.constant 0 : index
    %get3A_17 = arith.constant 0 : index
    %get3A_18 = vector.load %arg5[%get3A_16, %get3A_17] : memref<1x1xf32, #tpu.memory_space<vmem>>, vector<1x1xf32>
    %add3A_19 = vector.broadcast %get3A_18 : vector<1x1xf32> to vector<512x4xf32>
    %add3A_20 = arith.addf %dot_general3A_15, %add3A_19 : vector<512x4xf32>
    %logistic3A = arith.negf %add3A_20 : vector<512x4xf32>
    %logistic3A_21 = math.exp %logistic3A : vector<512x4xf32>
    %logistic3A_22 = arith.constant 1.000000e+00 : f32
    %logistic3A_23 = vector.broadcast %logistic3A_22 : f32 to vector<512x4xf32>
    %logistic3A_24 = arith.addf %logistic3A_23, %logistic3A_21 : vector<512x4xf32>
    %logistic3A_25 = arith.divf %logistic3A_23, %logistic3A_24 : vector<512x4xf32>
    %swap3A = arith.constant 0 : index
    %swap3A_26 = arith.constant 0 : index
    %swap3A_27 = vector.load %arg6[%swap3A, %swap3A_26] : memref<512x4xf32, #tpu.memory_space<vmem>>, vector<512x4xf32>
    tpu.vector_store %arg6[%swap3A, %swap3A_26], %logistic3A_25 {strides = array<i32>} : memref<512x4xf32, #tpu.memory_space<vmem>>, vector<512x4xf32>,
    return
  }
  func.func @transform_0(%arg0: i32) -> i32 {
    %c0_i32 = arith.constant 0 : i32
    return %arg0 : i32
  }
  func.func @transform_1(%arg0: i32) -> (i32, i32) {
    %c0_i32 = arith.constant 0 : i32
    %c0_i32_0 = arith.constant 0 : i32
    %c0_i32_1 = arith.constant 0 : i32
    return %c0_i32, %c0_i32_0 : i32, i32
  }
  func.func @transform_2(%arg0: i32) -> (i32, i32) {
    %c0_i32 = arith.constant 0 : i32
    %c0_i32_0 = arith.constant 0 : i32
    %c0_i32_1 = arith.constant 0 : i32
    return %c0_i32, %c0_i32_0 : i32, i32
  }
  func.func @transform_3(%arg0: i32) -> (i32, i32) {
    %c0_i32 = arith.constant 0 : i32
    %c0_i32_0 = arith.constant 0 : i32
    %c0_i32_1 = arith.constant 0 : i32
    return %c0_i32, %c0_i32_0 : i32, i32
  }
  func.func @transform_4(%arg0: i32) -> (i32, i32) {
    %c0_i32 = arith.constant 0 : i32
    %c0_i32_0 = arith.constant 0 : i32
    %c0_i32_1 = arith.constant 0 : i32
    return %c0_i32, %c0_i32_0 : i32, i32
  }
  func.func @transform_5(%arg0: i32) -> (i32, i32) {
    %c0_i32 = arith.constant 0 : i32
    %c0_i32_0 = arith.constant 0 : i32
    return %arg0, %c0_i32 : i32, i32
  }
}

</mosaic_0001>

<sc_bundles>
// kernel: kernel.4.cloned.1.call-start
scs
__scs_entry_jumppad:
0x0: {  	(pc) =	sbr.rel $0x88, $3  }
0x1: {  	(tag) =	ssettag $0x0;
	lr =	simm.s32 $0x1  }
0x2: {  	[smem:$0x3F99] =	sst lr;
	_ =	strace $0xD0000000  }
0x3: {  	_ = 	snop  }
0x4: {  	_ = 	snop  }
0x5: {  	_ = 	snop  }
0x6: {  	_ = 	snop  }
0x7: {  	_ = 	snop  }
__scs_overlays_trampoline_lowered:
0x8: {  	[smem:$0x3FA8] =	sst s0  }
0x9: {  	[smem:$0x3FA9] =	sst s1  }
0xa: {  	[smem:$0x3FAA] =	sst s2  }
0xb: {  	[smem:$0x3FAB] =	sst s3  }
0xc: {  	[smem:$0x3FAC] =	sst s4  }
0xd: {  	[smem:$0x3FAD] =	sst s5  }
0xe: {  	[smem:$0x3FAE] =	sst s6  }
0xf: {  	[smem:$0x3FAF] =	sst s7  }
0x10: {  	[smem:$0x3FB0] =	sst s8  }
0x11: {  	[smem:$0x3FB1] =	sst s9;
	s0 =	simm.s32 @!p0 $0x0  }
0x12: {  	s1 =	sld [smem:$0x3F97];
	s0 =	simm.s32 @p0 $0x1  }
0x13: {  	[smem:$0x3FB2] =	sst s0;
	s0 =	simm.s32 @!p1 $0x0  }
0x14: {  	s2 =	sld [smem:$0x3F96];
	s0 =	simm.s32 @p1 $0x1  }
0x15: {  	[smem:$0x3FB3] =	sst s0;
	s0 =	simm.s32 @!p2 $0x0  }
0x16: {  	s3 =	sld [smem:$0x3FDB];
	s0 =	simm.s32 @p2 $0x1  }
0x17: {  	s4 =	simm.s32 $0x1BF5;
	[smem:$0x3FB5] =	sst s0  }
0x18: {  	s0 =	sld [smem:$0x3F98];
	_ =	swait.ge [sflag:s4], $0x0  }
0x19: {  	s7 =	sld [smem:$0x3F99]  }
0x1a: {  	s8 =	sadd.s32 $0xFFFFE003, lr  }
0x1b: {  	s9 =	sadd.s32 $0xFFFFFEF7, lr;
	s5 =	simm.s32 $0xFFFFFFFF;
	p2 =	slt.u32 s8, $0xFFFFF086  }
0x1c: {  	p1 =	slt.u32 s9, $0xF7A;
	s5 =	simm.s32 @!p2 $0x0  }
0x1d: {  	s5 =	simm.s32 @p1 $0x1;
	p0 =	seq.s32 s7, s2  }
0x1e: {  	s7 =	smul.u32 @!p0 $0xF7A, s2;
	p2 =	seq.s32 @!p0 s5, $0x0  }
0x1f: {  	s9 =	smul.u32 $0xF7A, s1;
	s8 =	simm.s32 @!p0 $0x1BF5;
	p2 =	por !p2, p0  }
0x20: {  	[sflag:s8] =	ssyncset.s32 @!p0 $0xFFFFF086;
	s6 =	sadd.s32 @!p0 s3, s7;
	s7 =	simm.s32 @!p0 $0x108  }
0x21: {  	s3 =	sadd.s32 s3, s9;
	s6 =	sadd.s32 @!p0 $0x88, s6;
	s7 =	simm.s32 @p2 $0x1082  }
0x22: {  	[simem:s7], [sflag:s8] =	dma.local @!p0 [hbm:s6], $0xF7A  }
0x23: {  	s9 =	sor.u32 $0xD0000000, s2;
	s6 =	simm.s32 $0x108;
	_ =	swait.ge @!p0 [sflag:s8], $0x0  }
0x24: {  	s3 =	sadd.s32 $0x88, s3;
	s6 =	simm.s32 @!p1 $0x1082;
	[sflag:s4] =	ssyncset.s32 $0xFFFFF086  }
0x25: {  	[simem:s6], [sflag:s4] =	dma.local [hbm:s3], $0xF7A  }
0x26: {  	[smem:$0x3F99] =	sst s1;
	(tag) =	ssettag s2;
	_ =	strace s9  }
0x27: {  	s1 =	sld [smem:$0x3FA9]  }
0x28: {  	s2 =	sld [smem:$0x3FAA]  }
0x29: {  	s4 =	sld [smem:$0x3FAC]  }
0x2a: {  	p0 =	seq.s32 s5, $0x0;
	s5 =	sld [smem:$0x3FAD]  }
0x2b: {  	s6 =	sld [smem:$0x3FAE]  }
0x2c: {  	s7 =	sld [smem:$0x3FAF]  }
0x2d: {  	s3 =	simm.s32 $0x108;
	s8 =	sld [smem:$0x3FB0]  }
0x2e: {  	s3 =	simm.s32 @!p0 $0x1082;
	s9 =	sld [smem:$0x3FB1]  }
0x2f: {  	lr =	sadd.s32 s0, s3;
	s0 =	sld [smem:$0x3FA8]  }
0x30: {  	s3 =	sld [smem:$0x3FAB]  }
0x31: {  	[smem:$0x3FB4] =	sst s10  }
0x32: {  	s10 =	sld [smem:$0x3FB2];
	_ =	sdelay $0x3  }
0x33: {  	p0 =	seq.s32 s10, $0x1;
	s10 =	sld [smem:$0x3FB4];
	_ =	sdelay $0x3  }
0x34: {  	[smem:$0x3FB4] =	sst s10  }
0x35: {  	s10 =	sld [smem:$0x3FB3];
	_ =	sdelay $0x3  }
0x36: {  	p1 =	seq.s32 s10, $0x1;
	s10 =	sld [smem:$0x3FB4];
	_ =	sdelay $0x3  }
0x37: {  	[smem:$0x3FB4] =	sst s10  }
0x38: {  	s10 =	sld [smem:$0x3FB5]  }
0x39: {  	_ = 	snop;
	(pc) =	sbr.ind lr, $3  }
0x3a: {  	_ = 	snop  }
0x3b: {  	_ = 	snop  }
0x3c: {  	p2 =	seq.s32 s10, $0x1;
	s10 =	sld [smem:$0x3FB4]  }
0x3d: {  	_ =	shalt  }
0x3e: {  	_ =	shalt  }
0x3f: {  	_ =	shalt  }
0x40: {  	_ =	shalt  }
0x41: {  	_ =	shalt  }
0x42: {  	_ =	shalt  }
0x43: {  	_ =	shalt  }
0x44: {  	_ =	shalt  }
0x45: {  	_ =	shalt  }
0x46: {  	_ =	shalt  }
0x47: {  	_ =	shalt  }
0x48: {  	_ =	shalt  }
0x49: {  	_ =	shalt  }
0x4a: {  	_ =	shalt  }
0x4b: {  	_ =	shalt  }
0x4c: {  	_ =	shalt  }
0x4d: {  	_ =	shalt  }
0x4e: {  	_ =	shalt  }
0x4f: {  	_ =	shalt  }
0x50: {  	_ =	shalt  }
0x51: {  	_ =	shalt  }
0x52: {  	_ =	shalt  }
0x53: {  	_ =	shalt  }
0x54: {  	_ =	shalt  }
0x55: {  	_ =	shalt  }
0x56: {  	_ =	shalt  }
0x57: {  	_ =	shalt  }
0x58: {  	_ =	shalt  }
0x59: {  	_ =	shalt  }
0x5a: {  	_ =	shalt  }
0x5b: {  	_ =	shalt  }
0x5c: {  	_ =	shalt  }
0x5d: {  	_ =	shalt  }
0x5e: {  	_ =	shalt  }
0x5f: {  	_ =	shalt  }
0x60: {  	_ =	shalt  }
0x61: {  	_ =	shalt  }
0x62: {  	_ =	shalt  }
0x63: {  	_ =	shalt  }
0x64: {  	_ =	shalt  }
0x65: {  	_ =	shalt  }
0x66: {  	_ =	shalt  }
0x67: {  	_ =	shalt  }
0x68: {  	_ =	shalt  }
0x69: {  	_ =	shalt  }
0x6a: {  	_ =	shalt  }
0x6b: {  	_ =	shalt  }
0x6c: {  	_ =	shalt  }
0x6d: {  	_ =	shalt  }
0x6e: {  	_ =	shalt  }
0x6f: {  	_ =	shalt  }
0x70: {  	_ =	shalt  }
0x71: {  	_ =	shalt  }
0x72: {  	_ =	shalt  }
0x73: {  	_ =	shalt  }
0x74: {  	_ =	shalt  }
0x75: {  	_ =	shalt  }
0x76: {  	_ =	shalt  }
0x77: {  	_ =	shalt  }
0x78: {  	_ =	shalt  }
0x79: {  	_ =	shalt  }
0x7a: {  	_ =	shalt  }
0x7b: {  	_ =	shalt  }
0x7c: {  	_ =	shalt  }
0x7d: {  	_ =	shalt  }
0x7e: {  	_ =	shalt  }
0x7f: {  	_ =	shalt  }
0x80: {  	_ =	shalt  }
0x81: {  	_ =	shalt  }
0x82: {  	_ =	shalt  }
0x83: {  	_ =	shalt  }
0x84: {  	_ =	shalt  }
0x85: {  	_ =	shalt  }
0x86: {  	_ =	shalt  }
0x87: {  	_ =	shalt  }
.Lfunc_end0:
.L_simem_size_0:
called_computation_lowered:
.L_overlay_start_0:
0x88: {  	s2 =	sld [smem:$0x3FD9]  }
0x89: {  	s3 =	sld [smem:$0x3FFE];
	_ =	sdelay $0x1  }
0x8a: {  	s1 =	srdreg.scid  }
0x8b: {  	s0 =	sand.u32 $0x1, s1  }
0x8c: {  	s17 =	sshll.u32 s0, $0xA;
	s2 =	sadd.s32 s3, s2  }
0x8d: {  	s2 =	sadd.s32 s2, s17  }
0x8e: {  	[smem:$0x3FC0] =	sst s2  }
0x8f: {  	_ = 	snop  }
0x90: {  	s2 =	sld [smem:$0x3FC9]  }
0x91: {  	s18 =	sld [smem:$0x3FC8]  }
0x92: {  	s4 =	sld [smem:$0x3FC7]  }
0x93: {  	s5 =	sld [smem:$0x3FC6];
	(tm) =	ssettm $0x1  }
0x94: {  	s6 =	sld [smem:$0x3FFB];
	_ =	sdelay $0x3  }
0x95: {  	_ =	strace s6  }
0x96: {  	s6 =	sld [smem:$0x3FFC];
	_ =	sdelay $0x3  }
0x97: {  	_ =	strace s6  }
0x98: {  	s6 =	sld [smem:$0x3FFD];
	_ =	sdelay $0x3  }
0x99: {  	_ =	strace s6  }
0x9a: {  	_ =	strace $0x8FFFFFFF  }
0x9b: {  	s19 =	sld [smem:$0x3FDB];
	_ =	sdelay $0x1  }
0x9c: {  	s7 =	simm.s32 $_scs_section_size  }
0x9d: {  	s8 =	simm.s32 $_size__tile_overlayer_lowered;
	s9 =	simm.s32 $_tile_overlayer_lowered  }
0x9e: {  	s22 =	simm.s32 $0x1BFF;
	s21 =	sshll.u32 s9, $0x1;
	s6 =	sadd.s32 s7, s19  }
0x9f: {  	s10 =	simm.s32 $0x0;
	s20 =	sshll.u32 s8, $0x1;
	s8 =	sadd.s32 s21, s6  }
0xa0: {  	[timem:s10], [sflag:s22] =	dma.local [hbm:s8], s20  }
0xa1: {  	_ =	swait.ge [sflag:s22], s20  }
0xa2: {  	s7 =	ssub.s32 $0x0, s20;
	[sflag:s22] =	ssyncset.done $0x0  }
0xa3: {  	[sflag:s22] =	ssyncadd.s32 s7;
	_ =	sdelay $0x1  }
0xa4: {  	s23 =	simm.s32 $0x1B8B  }
0xa5: {  	_ =	swait.ge [sflag:s23], $0x1  }
0xa6: {  	[sflag:s23] =	ssyncset.done $0x0  }
0xa7: {  	s25 =	simm.s32 $0x1B8E;
	s24 =	sld [smem:$0x3FFE];
	[sflag:s23] =	ssyncadd.s32 $0xFFFFFFFF  }
0xa8: {  	s26 =	simm.s32 $execute0_lowered;
	[smem:$0x3FD2] =	sst s25  }
0xa9: {  	s8 =	sshll.u32 s26, $0x1;
	_ =	strace $0x80000046;
	[dreg:$0x1] =	wrdreg $0xFFFFFFFF  }
0xaa: {  	s28 =	simm.s32 $_size_execute0_lowered;
	s6 =	sadd.s32 s6, s8;
	[dreg:$0x0] =	wrdreg $0x0  }
0xab: {  	s8 =	sshll.u32 s28, $0x1;
	[dreg:$0x2] =	wrdreg s6  }
0xac: {  	[dreg:$0x3] =	wrdreg s8  }
0xad: {  	[dreg:$0x4] =	wrdreg $0xC0  }
0xae: {  	_ =	task [dreg:s10], $0x5FFFF  }
0xaf: {  	[dreg:$0x1] =	wrdreg $0xFFFFFFFF  }
0xb0: {  	[dreg:$0x0] =	wrdreg $0x60  }
0xb1: {  	[dreg:$0x2] =	wrdreg s2  }
0xb2: {  	[dreg:$0x3] =	wrdreg s18  }
0xb3: {  	[dreg:$0x4] =	wrdreg s4  }
0xb4: {  	[dreg:$0x5] =	wrdreg s5  }
0xb5: {  	[dreg:$0x6] =	wrdreg s24  }
0xb6: {  	[dreg:$0x7] =	wrdreg $0x9  }
0xb7: {  	_ =	task.clear_ibuf [dreg:s10], $0x8FFFF;
	_ =	strace $0x90000046  }
0xb8: {  	s29 =	simm.s32 $0x9;
	_ =	strace $0x80000048  }
0xb9: {  	_ =	swait.ge [sflag:s29], $0x1  }
0xba: {  	[sflag:s29] =	ssyncadd.s32 $0xFFFFFFFF  }
0xbb: {  	_ =	strace $0x90000048  }
0xbc: {  	_ =	sfence  }
0xbd: {  	s30 =	sld [smem:$0x0];
	_ =	sdelay $0x2  }
0xbe: {  	s31 =	sshll.u32 s1, $0xD;
	s1 =	sshrl.u32 s1, $0x2  }
0xbf: {  	s3 =	sand.u32 $0x4000, s31;
	s1 =	sadd.s32 s1, s30  }
0xc0: {  	s0 =	sor.u32 s3, s0;
	s1 =	sshll.u32 s1, $0x11  }
0xc1: {  	s0 =	sor.u32 s1, s0  }
0xc2: {  	s0 =	sadd.s32 $0x8F2B, s0  }
0xc3: {  	[sflag:s0] =	ssyncadd.remote.s32 $0x1  }
0xc4: {  	_ =	sfence.sel $0xFFFF  }
0xc5: {  	[dreg:$0x0] =	wrdreg $0xFFFFFFFF;
	(pc) =	sbr.abs _section_cstart, $3  }
0xc6: {  	[dreg:$0x1] =	wrdreg $0xFFFFFFFF  }
0xc7: {  	_ =	task.clear_ibuf [dreg:s10], $0x2FFFF;
	_ =	strace $0x9FFFFFFF  }
0xc8: {  	(tm) =	ssettm $0x7FFFFFFF  }
0xc9: {  	_ =	shalt  }
tec
execute0_lowered:
.L_overlay_start_1:
0x0: {  	(tag) =	ssettag $0x1  }
0x1: {  	v0 =	vimm.s32 $0x2380  }
0x2: {  	vm14 =	vcmask $0x300;
	vm13 =	vcmask $0x704;
	vm12 =	vcmask $0xB08  }
0x3: {  	vm11 =	vcmask $0xF0C;
	vm10 =	vcmask $0x1310;
	vm9 =	vcmask $0x1714  }
0x4: {  	vm8 =	vcmask $0x1B18;
	vm7 =	vcmask $0x1F1C;
	vm6 =	vcmask $0x2320  }
0x5: {  	vm5 =	vcmask $0x2724;
	vm4 =	vcmask $0x2B28;
	vm3 =	vcmask $0x2F2C  }
0x6: {  	vm2 =	vcmask $0x3330;
	vm1 =	vcmask $0x3734;
	vm0 =	vcmask $0x3B38  }
0x7: {  	v1 =	vimm.s32 $0x6380;
	v2 =	vimm.s32 $0x2780;
	v3 =	vimm.s32 $0x6780  }
0x8: {  	v4 =	vimm.s32 $0x2B80;
	v5 =	vimm.s32 $0x6B80;
	v6 =	vimm.s32 $0x2F80  }
0x9: {  	v7 =	vimm.s32 $0x6F80;
	v8 =	vimm.s32 $0x3380;
	v9 =	vimm.s32 $0x7380  }
0xa: {  	v10 =	vimm.s32 $0x3780;
	v11 =	vimm.s32 $0x7780;
	v12 =	vimm.s32 $0x3B80  }
0xb: {  	v13 =	vimm.s32 $0x7B80;
	v14 =	vimm.s32 $0x3F80;
	v15 =	vimm.s32 $0x7F80  }
0xc: {  	v0 =	vsel vm14, $0x0, v0;
	v1 =	vsel vm14, $0x4000, v1;
	v2 =	vsel vm14, $0x400, v2  }
0xd: {  	v3 =	vsel vm14, $0x4400, v3;
	v4 =	vsel vm14, $0x800, v4;
	v5 =	vsel vm14, $0x4800, v5  }
0xe: {  	v6 =	vsel vm14, $0xC00, v6;
	v7 =	vsel vm14, $0x4C00, v7;
	v8 =	vsel vm14, $0x1000, v8  }
0xf: {  	v9 =	vsel vm14, $0x5000, v9;
	v10 =	vsel vm14, $0x1400, v10;
	v11 =	vsel vm14, $0x5400, v11  }
0x10: {  	v12 =	vsel vm14, $0x1800, v12;
	v13 =	vsel vm14, $0x5800, v13;
	v14 =	vsel vm14, $0x1C00, v14  }
0x11: {  	v15 =	vsel vm14, $0x5C00, v15;
	v0 =	vsel vm13, $0x80, v0;
	v1 =	vsel vm13, $0x4080, v1  }
0x12: {  	v2 =	vsel vm13, $0x480, v2;
	v3 =	vsel vm13, $0x4480, v3;
	v4 =	vsel vm13, $0x880, v4  }
0x13: {  	v5 =	vsel vm13, $0x4880, v5;
	v6 =	vsel vm13, $0xC80, v6;
	v7 =	vsel vm13, $0x4C80, v7  }
0x14: {  	v8 =	vsel vm13, $0x1080, v8;
	v9 =	vsel vm13, $0x5080, v9;
	v10 =	vsel vm13, $0x1480, v10  }
0x15: {  	v11 =	vsel vm13, $0x5480, v11;
	v12 =	vsel vm13, $0x1880, v12;
	v13 =	vsel vm13, $0x5880, v13  }
0x16: {  	v14 =	vsel vm13, $0x1C80, v14;
	v15 =	vsel vm13, $0x5C80, v15;
	v0 =	vsel vm12, $0x100, v0  }
0x17: {  	v1 =	vsel vm12, $0x4100, v1;
	v2 =	vsel vm12, $0x500, v2;
	v3 =	vsel vm12, $0x4500, v3  }
0x18: {  	v4 =	vsel vm12, $0x900, v4;
	v5 =	vsel vm12, $0x4900, v5;
	v6 =	vsel vm12, $0xD00, v6  }
0x19: {  	v7 =	vsel vm12, $0x4D00, v7;
	v8 =	vsel vm12, $0x1100, v8;
	v9 =	vsel vm12, $0x5100, v9  }
0x1a: {  	v10 =	vsel vm12, $0x1500, v10;
	v11 =	vsel vm12, $0x5500, v11;
	v12 =	vsel vm12, $0x1900, v12  }
0x1b: {  	v13 =	vsel vm12, $0x5900, v13;
	v14 =	vsel vm12, $0x1D00, v14;
	v15 =	vsel vm12, $0x5D00, v15  }
0x1c: {  	v0 =	vsel vm11, $0x180, v0;
	v1 =	vsel vm11, $0x4180, v1;
	v2 =	vsel vm11, $0x580, v2  }
0x1d: {  	v3 =	vsel vm11, $0x4580, v3;
	v4 =	vsel vm11, $0x980, v4;
	v5 =	vsel vm11, $0x4980, v5  }
0x1e: {  	v6 =	vsel vm11, $0xD80, v6;
	v7 =	vsel vm11, $0x4D80, v7;
	v8 =	vsel vm11, $0x1180, v8  }
0x1f: {  	v9 =	vsel vm11, $0x5180, v9;
	v10 =	vsel vm11, $0x1580, v10;
	v11 =	vsel vm11, $0x5580, v11  }
0x20: {  	v12 =	vsel vm11, $0x1980, v12;
	v13 =	vsel vm11, $0x5980, v13;
	v14 =	vsel vm11, $0x1D80, v14  }
0x21: {  	v15 =	vsel vm11, $0x5D80, v15;
	v0 =	vsel vm10, $0x200, v0;
	v1 =	vsel vm10, $0x4200, v1  }
0x22: {  	v2 =	vsel vm10, $0x600, v2;
	v3 =	vsel vm10, $0x4600, v3;
	v4 =	vsel vm10, $0xA00, v4  }
0x23: {  	v5 =	vsel vm10, $0x4A00, v5;
	v6 =	vsel vm10, $0xE00, v6;
	v7 =	vsel vm10, $0x4E00, v7  }
0x24: {  	v8 =	vsel vm10, $0x1200, v8;
	v9 =	vsel vm10, $0x5200, v9;
	v10 =	vsel vm10, $0x1600, v10  }
0x25: {  	v11 =	vsel vm10, $0x5600, v11;
	v12 =	vsel vm10, $0x1A00, v12;
	v13 =	vsel vm10, $0x5A00, v13  }
0x26: {  	v14 =	vsel vm10, $0x1E00, v14;
	v15 =	vsel vm10, $0x5E00, v15;
	v0 =	vsel vm9, $0x280, v0  }
0x27: {  	v1 =	vsel vm9, $0x4280, v1;
	v2 =	vsel vm9, $0x680, v2;
	v3 =	vsel vm9, $0x4680, v3  }
0x28: {  	v4 =	vsel vm9, $0xA80, v4;
	v5 =	vsel vm9, $0x4A80, v5;
	v6 =	vsel vm9, $0xE80, v6  }
0x29: {  	v7 =	vsel vm9, $0x4E80, v7;
	v8 =	vsel vm9, $0x1280, v8;
	v9 =	vsel vm9, $0x5280, v9  }
0x2a: {  	v10 =	vsel vm9, $0x1680, v10;
	v11 =	vsel vm9, $0x5680, v11;
	v12 =	vsel vm9, $0x1A80, v12  }
0x2b: {  	v13 =	vsel vm9, $0x5A80, v13;
	v14 =	vsel vm9, $0x1E80, v14;
	v15 =	vsel vm9, $0x5E80, v15  }
0x2c: {  	v0 =	vsel vm8, $0x300, v0;
	v1 =	vsel vm8, $0x4300, v1;
	v2 =	vsel vm8, $0x700, v2  }
0x2d: {  	v3 =	vsel vm8, $0x4700, v3;
	v4 =	vsel vm8, $0xB00, v4;
	v5 =	vsel vm8, $0x4B00, v5  }
0x2e: {  	v6 =	vsel vm8, $0xF00, v6;
	v7 =	vsel vm8, $0x4F00, v7;
	v8 =	vsel vm8, $0x1300, v8  }
0x2f: {  	v9 =	vsel vm8, $0x5300, v9;
	v10 =	vsel vm8, $0x1700, v10;
	v11 =	vsel vm8, $0x5700, v11  }
0x30: {  	v12 =	vsel vm8, $0x1B00, v12;
	v13 =	vsel vm8, $0x5B00, v13;
	v14 =	vsel vm8, $0x1F00, v14  }
0x31: {  	v15 =	vsel vm8, $0x5F00, v15;
	v0 =	vsel vm7, $0x380, v0;
	v1 =	vsel vm7, $0x4380, v1  }
0x32: {  	v2 =	vsel vm7, $0x780, v2;
	v3 =	vsel vm7, $0x4780, v3;
	v4 =	vsel vm7, $0xB80, v4  }
0x33: {  	v5 =	vsel vm7, $0x4B80, v5;
	v6 =	vsel vm7, $0xF80, v6;
	v7 =	vsel vm7, $0x4F80, v7  }
0x34: {  	v8 =	vsel vm7, $0x1380, v8;
	v9 =	vsel vm7, $0x5380, v9;
	v10 =	vsel vm7, $0x1780, v10  }
0x35: {  	v11 =	vsel vm7, $0x5780, v11;
	v12 =	vsel vm7, $0x1B80, v12;
	v13 =	vsel vm7, $0x5B80, v13  }
0x36: {  	v14 =	vsel vm7, $0x1F80, v14;
	v15 =	vsel vm7, $0x5F80, v15;
	v0 =	vsel vm6, $0x2000, v0  }
0x37: {  	v1 =	vsel vm6, $0x6000, v1;
	v2 =	vsel vm6, $0x2400, v2;
	v3 =	vsel vm6, $0x6400, v3  }
0x38: {  	v4 =	vsel vm6, $0x2800, v4;
	v5 =	vsel vm6, $0x6800, v5;
	v6 =	vsel vm6, $0x2C00, v6  }
0x39: {  	v7 =	vsel vm6, $0x6C00, v7;
	v8 =	vsel vm6, $0x3000, v8;
	v9 =	vsel vm6, $0x7000, v9  }
0x3a: {  	v10 =	vsel vm6, $0x3400, v10;
	v11 =	vsel vm6, $0x7400, v11;
	v12 =	vsel vm6, $0x3800, v12  }
0x3b: {  	v13 =	vsel vm6, $0x7800, v13;
	v14 =	vsel vm6, $0x3C00, v14;
	v15 =	vsel vm6, $0x7C00, v15  }
0x3c: {  	v0 =	vsel vm5, $0x2080, v0;
	v1 =	vsel vm5, $0x6080, v1;
	v2 =	vsel vm5, $0x2480, v2  }
0x3d: {  	v3 =	vsel vm5, $0x6480, v3;
	v4 =	vsel vm5, $0x2880, v4;
	v5 =	vsel vm5, $0x6880, v5  }
0x3e: {  	v6 =	vsel vm5, $0x2C80, v6;
	v7 =	vsel vm5, $0x6C80, v7;
	v8 =	vsel vm5, $0x3080, v8  }
0x3f: {  	v9 =	vsel vm5, $0x7080, v9;
	v10 =	vsel vm5, $0x3480, v10;
	v11 =	vsel vm5, $0x7480, v11  }
0x40: {  	v12 =	vsel vm5, $0x3880, v12;
	v13 =	vsel vm5, $0x7880, v13;
	v14 =	vsel vm5, $0x3C80, v14  }
0x41: {  	v15 =	vsel vm5, $0x7C80, v15;
	v0 =	vsel vm4, $0x2100, v0;
	v1 =	vsel vm4, $0x6100, v1  }
0x42: {  	v2 =	vsel vm4, $0x2500, v2;
	v3 =	vsel vm4, $0x6500, v3;
	v4 =	vsel vm4, $0x2900, v4  }
0x43: {  	v5 =	vsel vm4, $0x6900, v5;
	v6 =	vsel vm4, $0x2D00, v6;
	v7 =	vsel vm4, $0x6D00, v7  }
0x44: {  	v8 =	vsel vm4, $0x3100, v8;
	v9 =	vsel vm4, $0x7100, v9;
	v10 =	vsel vm4, $0x3500, v10  }
0x45: {  	v11 =	vsel vm4, $0x7500, v11;
	v12 =	vsel vm4, $0x3900, v12;
	v13 =	vsel vm4, $0x7900, v13  }
0x46: {  	v14 =	vsel vm4, $0x3D00, v14;
	v15 =	vsel vm4, $0x7D00, v15;
	v0 =	vsel vm3, $0x2180, v0  }
0x47: {  	s2 =	rddreg [dreg:$0x0];
	v1 =	vsel vm3, $0x6180, v1;
	v2 =	vsel vm3, $0x2580, v2;
	v3 =	vsel vm3, $0x6580, v3  }
0x48: {  	s3 =	rddreg [dreg:$0x1];
	v4 =	vsel vm3, $0x2980, v4;
	v5 =	vsel vm3, $0x6980, v5;
	v6 =	vsel vm3, $0x2D80, v6  }
0x49: {  	s0 =	rddreg [dreg:$0x2];
	v7 =	vsel vm3, $0x6D80, v7;
	v8 =	vsel vm3, $0x3180, v8;
	v9 =	vsel vm3, $0x7180, v9  }
0x4a: {  	s1 =	rddreg [dreg:$0x3];
	v10 =	vsel vm3, $0x3580, v10;
	v11 =	vsel vm3, $0x7580, v11;
	v12 =	vsel vm3, $0x3980, v12  }
0x4b: {  	s5 =	rddreg [dreg:$0x4];
	v13 =	vsel vm3, $0x7980, v13;
	v14 =	vsel vm3, $0x3D80, v14;
	v15 =	vsel vm3, $0x7D80, v15  }
0x4c: {  	s6 =	srdreg.scid;
	s7 =	stileid.u32;
	s4 =	simm.s32 $0x0;
	v0 =	vsel vm2, $0x2200, v0;
	v1 =	vsel vm2, $0x6200, v1;
	v2 =	vsel vm2, $0x2600, v2  }
0x4d: {  	s11 =	simm.s32 $0x400;
	s15 =	simm.s32 $0x8400;
	s31 =	simm.s32 $0x1400;
	v3 =	vsel vm2, $0x6600, v3;
	v4 =	vsel vm2, $0x2A00, v4;
	v5 =	vsel vm2, $0x6A00, v5  }
0x4e: {  	s10 =	simm.s32 $0x7400;
	s9 =	simm.s32 $0x1800;
	s12 =	simm.s32 $0x3800;
	v6 =	vsel vm2, $0x2E00, v6;
	v7 =	vsel vm2, $0x6E00, v7;
	v8 =	vsel vm2, $0x3200, v8  }
0x4f: {  	s14 =	simm.s32 $0x7800;
	s16 =	simm.s32 $0x9800;
	s17 =	simm.s32 $0xB800;
	v9 =	vsel vm2, $0x7200, v9;
	v10 =	vsel vm2, $0x3600, v10;
	v11 =	vsel vm2, $0x7600, v11  }
0x50: {  	s18 =	simm.s32 $0xD800;
	s19 =	simm.s32 $0xF800;
	s20 =	simm.s32 $0x1C00;
	v12 =	vsel vm2, $0x3A00, v12;
	v13 =	vsel vm2, $0x7A00, v13;
	v14 =	vsel vm2, $0x3E00, v14  }
0x51: {  	s21 =	simm.s32 $0x3C00;
	s22 =	simm.s32 $0x5C00;
	s29 =	simm.s32 $0x9C00;
	v15 =	vsel vm2, $0x7E00, v15;
	v0 =	vsel vm1, $0x2280, v0;
	v1 =	vsel vm1, $0x6280, v1  }
0x52: {  	s30 =	simm.s32 $0xBC00;
	s6 =	sand.u32 $0x1, s6;
	s7 =	sshll.u32 s7, $0x1;
	v2 =	vsel vm1, $0x2680, v2;
	v3 =	vsel vm1, $0x6680, v3;
	v4 =	vsel vm1, $0x2A80, v4  }
0x53: {  	s23 =	simm.s32 $0x0;
	[smem:$0x7FF] =	sst s4;
	s7 =	sor.u32 s6, s7;
	v5 =	vsel vm1, $0x6A80, v5;
	v6 =	vsel vm1, $0x2E80, v6;
	v7 =	vsel vm1, $0x6E80, v7  }
0x54: {  	_ =	strace $0x80000047;
	s6 =	ssub.s32 $0x2, s6;
	s8 =	sshll.u32 s7, $0xB;
	v8 =	vsel vm1, $0x3280, v8;
	v9 =	vsel vm1, $0x7280, v9;
	v10 =	vsel vm1, $0x3680, v10  }
0x55: {  	s24 =	sshrl.u32 s6, $0x1;
	s7 =	sshll.u32 s7, $0x6;
	s5 =	sadd.s32 s8, s5;
	v11 =	vsel vm1, $0x7680, v11;
	v12 =	vsel vm1, $0x3A80, v12;
	v13 =	vsel vm1, $0x7A80, v13  }
0x56: {  	s6 =	ssub.s32 s6, s24;
	s2 =	sadd.s32 s2, s7;
	s25 =	sadd.s32 s3, s7;
	v14 =	vsel vm1, $0x3E80, v14;
	v15 =	vsel vm1, $0x7E80, v15;
	v0 =	vsel vm0, $0x2300, v0  }
.Ltmp0:
0x57: {  	s3 =	simm.s32 $0x5400;
	s7 =	simm.s32 $0xD400;
	v1 =	vsel vm0, $0x6300, v1;
	v2 =	vsel vm0, $0x2700, v2;
	v3 =	vsel vm0, $0x6700, v3;
	(pc) =	sbr.rel .LBB2_1-.Ltmp0, $4  }
0x58: {  	s8 =	simm.s32 $0xF400;
	s24 =	simm.s32 $0x5800;
	[dreg:$0x6] =	wrdreg s2;
	v4 =	vsel vm0, $0x2B00, v4;
	v5 =	vsel vm0, $0x6B00, v5;
	v6 =	vsel vm0, $0x2F00, v6  }
0x59: {  	[dreg:$0x7] =	wrdreg s25;
	s26 =	sadd.s32 $0xC00, s5;
	s28 =	smax.u32 s6, $0x1;
	v7 =	vsel vm0, $0x6F00, v7;
	v8 =	vsel vm0, $0x3300, v8;
	v9 =	vsel vm0, $0x7300, v9  }
0x5a: {  	s2 =	simm.s32 $0x3400;
	s5 =	simm.s32 $0x9400;
	[dreg:$0x8] =	wrdreg s26;
	v10 =	vsel vm0, $0x3700, v10;
	v11 =	vsel vm0, $0x7700, v11;
	v12 =	vsel vm0, $0x3B00, v12  }
0x5b: {  	s6 =	simm.s32 $0xB400;
	[dreg:$0x9] =	wrdreg s28;
	s26 =	simm.s32 $0x3;
	v13 =	vsel vm0, $0x7B00, v13;
	v14 =	vsel vm0, $0x3F00, v14;
	v15 =	vsel vm0, $0x7F00, v15  }
.LBB2_6:
0x5c: {  	s25 =	rddreg [dreg:$0x8];
	s23 =	simm.s32 $0x10400;
	s26 =	simm.s32 $0x3  }
0x5d: {  	[hbm4b:s25+s4] =	stream.linear.scatter [tilespmem:s23], [sflag:$0x3], $0x4000, $0x38;
	[tilespmem:$0x14400] =	vst v63  }
0x5e: {  	_ =	swait.ge [sflag:s26], $0x4000  }
0x5f: {  	s25 =	rddreg [dreg:$0xa]  }
0x60: {  	s28 =	rddreg [dreg:$0x9];
	s23 =	sadd.s32 $0x1, s25  }
0x61: {  	p0 =	sne.s32 s23, s28  }
.Ltmp1:
0x62: {  	_ = 	snop;
	(pc) =	sbr.rel @!p0 .LBB2_7-.Ltmp1, $3  }
0x63: {  	_ =	sdelay $0x1  }
0x64: {  	[sflag:s26] =	ssyncset.done $0x0  }
0x65: {  	s29 =	simm.s32 $0x9C00;
	s30 =	simm.s32 $0xBC00;
	[sflag:s26] =	ssyncadd.s32 $0xFFFFC000  }
.LBB2_1:
0x66: {  	[dreg:$0xa] =	wrdreg s23  }
0x67: {  	s25 =	rddreg [dreg:$0x6]  }
0x68: {  	[tilespmem:s4], [sflag:$0x3] =	stream.linear.gather [hbm4b:s25+s4], $0x200, $0x38;
	[tilespmem:$0x14400] =	vst v63  }
0x69: {  	_ =	swait.ge [sflag:s26], $0x200  }
0x6a: {  	[sflag:s26] =	ssyncset.done $0x0  }
0x6b: {  	s28 =	simm.s32 $0x200;
	s23 =	rddreg [dreg:$0x7];
	[sflag:s26] =	ssyncadd.s32 $0xFFFFFE00  }
0x6c: {  	[tilespmem:s28], [sflag:$0x3] =	stream.linear.gather [hbm4b:s23+s4], $0x200, $0x38;
	[tilespmem:$0x14400] =	vst v63  }
0x6d: {  	_ =	swait.ge [sflag:s26], $0x200  }
0x6e: {  	[sflag:s26] =	ssyncset.done $0x0  }
0x6f: {  	[sflag:s26] =	ssyncadd.s32 $0xFFFFFE00  }
0x70: {  	v16 =	vld [tilespmem:$0x0];
	_ =	sdelay $0x4  }
0x71: {  	(v2sf) =	vpush v16, $0x0;
	_ =	sdelay $0x2  }
0x72: {  	v17 =	vld [tilespmem:$0x200];
	_ =	sdelay $0x4  }
0x73: {  	(v2sf) =	vpush v17, $0x0;
	_ =	sdelay $0x6  }
0x74: {  	s28 =	spop (v2sf)  }
0x75: {  	s25 =	sand.u32 $0xFFFFF80, s28  }
0x76: {  	(v2sf) =	vpush v16, $0x1;
	s25 =	sadd.s32 s0, s25  }
0x77: {  	[tilespmem:s11], [sflag:$0x1] =	stream.linear.gather [hbm4b:s25+s4], $0x400, $0x38;
	[tilespmem:$0x14400] =	vst v63  }
0x78: {  	s23 =	simm.s32 $0x2400;
	s13 =	sadd.s32 $0xF4280, s25  }
0x79: {  	[tilespmem:s23], [sflag:$0x1] =	stream.linear.gather [hbm4b:s13+s4], $0x400, $0x38;
	[tilespmem:$0x14400] =	vst v63  }
0x7a: {  	s13 =	sadd.s32 $0x1E8500, s25;
	s23 =	simm.s32 $0x4400  }
0x7b: {  	[tilespmem:s23], [sflag:$0x1] =	stream.linear.gather [hbm4b:s13+s4], $0x400, $0x38;
	[tilespmem:$0x14400] =	vst v63  }
0x7c: {  	s28 =	simm.s32 $0x6400;
	s25 =	sadd.s32 $0x2DC780, s25;
	s13 =	spop (v2sf)  }
0x7d: {  	[tilespmem:s28], [sflag:$0x1] =	stream.linear.gather [hbm4b:s25+s4], $0x400, $0x38;
	[tilespmem:$0x14400] =	vst v63  }
0x7e: {  	s25 =	sand.u32 $0xFFFFF80, s13  }
0x7f: {  	(v2sf) =	vpush v17, $0x1;
	s25 =	sadd.s32 s1, s25  }
0x80: {  	[tilespmem:s15], [sflag:$0x1] =	stream.linear.gather [hbm4b:s25+s4], $0x400, $0x38;
	[tilespmem:$0x14400] =	vst v63  }
0x81: {  	s13 =	simm.s32 $0xA400;
	s23 =	sadd.s32 $0xF4280, s25  }
0x82: {  	[tilespmem:s13], [sflag:$0x1] =	stream.linear.gather [hbm4b:s23+s4], $0x400, $0x38;
	[tilespmem:$0x14400] =	vst v63  }
0x83: {  	s23 =	sadd.s32 $0x1E8500, s25;
	s13 =	simm.s32 $0xC400  }
0x84: {  	[tilespmem:s13], [sflag:$0x1] =	stream.linear.gather [hbm4b:s23+s4], $0x400, $0x38;
	[tilespmem:$0x14400] =	vst v63  }
0x85: {  	s25 =	sadd.s32 $0x2DC780, s25;
	s23 =	simm.s32 $0xE400;
	s28 =	spop (v2sf)  }
0x86: {  	[tilespmem:s23], [sflag:$0x1] =	stream.linear.gather [hbm4b:s25+s4], $0x400, $0x38;
	[tilespmem:$0x14400] =	vst v63  }
0x87: {  	s25 =	sand.u32 $0xFFFFF80, s28  }
0x88: {  	s13 =	simm.s32 $0x800;
	(v2sf) =	vpush v16, $0x2;
	s25 =	sadd.s32 s0, s25  }
0x89: {  	[tilespmem:s13], [sflag:$0x1] =	stream.linear.gather [hbm4b:s25+s4], $0x400, $0x38;
	[tilespmem:$0x14400] =	vst v63  }
0x8a: {  	s23 =	sadd.s32 $0xF4280, s25;
	s13 =	simm.s32 $0x2800  }
0x8b: {  	[tilespmem:s13], [sflag:$0x1] =	stream.linear.gather [hbm4b:s23+s4], $0x400, $0x38;
	[tilespmem:$0x14400] =	vst v63  }
0x8c: {  	s23 =	sadd.s32 $0x1E8500, s25;
	s13 =	simm.s32 $0x4800  }
0x8d: {  	[tilespmem:s13], [sflag:$0x1] =	stream.linear.gather [hbm4b:s23+s4], $0x400, $0x38;
	[tilespmem:$0x14400] =	vst v63  }
0x8e: {  	s25 =	sadd.s32 $0x2DC780, s25;
	s28 =	spop (v2sf);
	s23 =	simm.s32 $0x6800  }
0x8f: {  	[tilespmem:s23], [sflag:$0x1] =	stream.linear.gather [hbm4b:s25+s4], $0x400, $0x38;
	[tilespmem:$0x14400] =	vst v63  }
0x90: {  	s25 =	sand.u32 $0xFFFFF80, s28  }
0x91: {  	(v2sf) =	vpush v17, $0x2;
	s13 =	simm.s32 $0x8800;
	s25 =	sadd.s32 s1, s25  }
0x92: {  	[tilespmem:s13], [sflag:$0x1] =	stream.linear.gather [hbm4b:s25+s4], $0x400, $0x38;
	[tilespmem:$0x14400] =	vst v63  }
0x93: {  	s23 =	sadd.s32 $0xF4280, s25;
	s13 =	simm.s32 $0xA800  }
0x94: {  	[tilespmem:s13], [sflag:$0x1] =	stream.linear.gather [hbm4b:s23+s4], $0x400, $0x38;
	[tilespmem:$0x14400] =	vst v63  }
0x95: {  	s23 =	sadd.s32 $0x1E8500, s25;
	s13 =	simm.s32 $0xC800  }
0x96: {  	[tilespmem:s13], [sflag:$0x1] =	stream.linear.gather [hbm4b:s23+s4], $0x400, $0x38;
	[tilespmem:$0x14400] =	vst v63  }
0x97: {  	s25 =	sadd.s32 $0x2DC780, s25;
	s28 =	spop (v2sf);
	s23 =	simm.s32 $0xE800  }
0x98: {  	[tilespmem:s23], [sflag:$0x1] =	stream.linear.gather [hbm4b:s25+s4], $0x400, $0x38;
	[tilespmem:$0x14400] =	vst v63  }
0x99: {  	s25 =	sand.u32 $0xFFFFF80, s28  }
0x9a: {  	(v2sf) =	vpush v16, $0x3;
	s13 =	simm.s32 $0xC00;
	s25 =	sadd.s32 s0, s25  }
0x9b: {  	[tilespmem:s13], [sflag:$0x1] =	stream.linear.gather [hbm4b:s25+s4], $0x400, $0x38;
	[tilespmem:$0x14400] =	vst v63  }
0x9c: {  	s23 =	sadd.s32 $0xF4280, s25;
	s13 =	simm.s32 $0x2C00  }
0x9d: {  	[tilespmem:s13], [sflag:$0x1] =	stream.linear.gather [hbm4b:s23+s4], $0x400, $0x38;
	[tilespmem:$0x14400] =	vst v63  }
0x9e: {  	s23 =	sadd.s32 $0x1E8500, s25;
	s13 =	simm.s32 $0x4C00  }
0x9f: {  	[tilespmem:s13], [sflag:$0x1] =	stream.linear.gather [hbm4b:s23+s4], $0x400, $0x38;
	[tilespmem:$0x14400] =	vst v63  }
0xa0: {  	s25 =	sadd.s32 $0x2DC780, s25;
	s28 =	spop (v2sf);
	s23 =	simm.s32 $0x6C00  }
0xa1: {  	[tilespmem:s23], [sflag:$0x1] =	stream.linear.gather [hbm4b:s25+s4], $0x400, $0x38;
	[tilespmem:$0x14400] =	vst v63  }
0xa2: {  	s25 =	sand.u32 $0xFFFFF80, s28  }
0xa3: {  	(v2sf) =	vpush v17, $0x3;
	s13 =	simm.s32 $0x8C00;
	s25 =	sadd.s32 s1, s25  }
0xa4: {  	[tilespmem:s13], [sflag:$0x1] =	stream.linear.gather [hbm4b:s25+s4], $0x400, $0x38;
	[tilespmem:$0x14400] =	vst v63  }
0xa5: {  	s23 =	sadd.s32 $0xF4280, s25;
	s13 =	simm.s32 $0xAC00  }
0xa6: {  	[tilespmem:s13], [sflag:$0x1] =	stream.linear.gather [hbm4b:s23+s4], $0x400, $0x38;
	[tilespmem:$0x14400] =	vst v63  }
0xa7: {  	s23 =	sadd.s32 $0x1E8500, s25;
	s13 =	simm.s32 $0xCC00  }
0xa8: {  	[tilespmem:s13], [sflag:$0x1] =	stream.linear.gather [hbm4b:s23+s4], $0x400, $0x38;
	[tilespmem:$0x14400] =	vst v63  }
0xa9: {  	s25 =	sadd.s32 $0x2DC780, s25;
	s28 =	spop (v2sf);
	s23 =	simm.s32 $0xEC00  }
0xaa: {  	[tilespmem:s23], [sflag:$0x1] =	stream.linear.gather [hbm4b:s25+s4], $0x400, $0x38;
	[tilespmem:$0x14400] =	vst v63  }
0xab: {  	s25 =	sand.u32 $0xFFFFF80, s28  }
0xac: {  	s13 =	simm.s32 $0x1000;
	s25 =	sadd.s32 s0, s25  }
0xad: {  	[tilespmem:s13], [sflag:$0x1] =	stream.linear.gather [hbm4b:s25+s4], $0x400, $0x38;
	[tilespmem:$0x14400] =	vst v63  }
0xae: {  	s23 =	sadd.s32 $0xF4280, s25;
	s13 =	simm.s32 $0x3000  }
0xaf: {  	[tilespmem:s13], [sflag:$0x1] =	stream.linear.gather [hbm4b:s23+s4], $0x400, $0x38;
	[tilespmem:$0x14400] =	vst v63  }
0xb0: {  	s23 =	sadd.s32 $0x1E8500, s25;
	s13 =	simm.s32 $0x5000  }
0xb1: {  	[tilespmem:s13], [sflag:$0x1] =	stream.linear.gather [hbm4b:s23+s4], $0x400, $0x38;
	[tilespmem:$0x14400] =	vst v63  }
0xb2: {  	s28 =	spop (v2sf);
	s25 =	sadd.s32 $0x2DC780, s25;
	s23 =	simm.s32 $0x7000  }
0xb3: {  	[tilespmem:s23], [sflag:$0x1] =	stream.linear.gather [hbm4b:s25+s4], $0x400, $0x38;
	[tilespmem:$0x14400] =	vst v63  }
0xb4: {  	s25 =	sand.u32 $0xFFFFF80, s28  }
0xb5: {  	s13 =	simm.s32 $0x9000;
	s25 =	sadd.s32 s1, s25  }
0xb6: {  	[tilespmem:s13], [sflag:$0x1] =	stream.linear.gather [hbm4b:s25+s4], $0x400, $0x38;
	[tilespmem:$0x14400] =	vst v63  }
0xb7: {  	s23 =	sadd.s32 $0xF4280, s25;
	s13 =	simm.s32 $0xB000  }
0xb8: {  	[tilespmem:s13], [sflag:$0x1] =	stream.linear.gather [hbm4b:s23+s4], $0x400, $0x38;
	[tilespmem:$0x14400] =	vst v63  }
0xb9: {  	s23 =	sadd.s32 $0x1E8500, s25;
	s13 =	simm.s32 $0xD000  }
0xba: {  	[tilespmem:s13], [sflag:$0x1] =	stream.linear.gather [hbm4b:s23+s4], $0x400, $0x38;
	[tilespmem:$0x14400] =	vst v63  }
0xbb: {  	s25 =	sadd.s32 $0x2DC780, s25;
	s23 =	simm.s32 $0xF000  }
0xbc: {  	[tilespmem:s23], [sflag:$0x1] =	stream.linear.gather [hbm4b:s25+s4], $0x400, $0x38;
	[tilespmem:$0x14400] =	vst v63  }
0xbd: {  	v16 =	vld [tilespmem:$0x0];
	_ =	sdelay $0x4  }
0xbe: {  	(v2sf) =	vpush v16, $0x4;
	_ =	sdelay $0x2  }
0xbf: {  	v17 =	vld [tilespmem:$0x200];
	_ =	sdelay $0x4  }
0xc0: {  	(v2sf) =	vpush v17, $0x4;
	_ =	sdelay $0x6  }
0xc1: {  	s26 =	spop (v2sf)  }
0xc2: {  	s25 =	sand.u32 $0xFFFFF80, s26  }
0xc3: {  	(v2sf) =	vpush v16, $0x5;
	s25 =	sadd.s32 s0, s25  }
0xc4: {  	[tilespmem:s31], [sflag:$0x2] =	stream.linear.gather [hbm4b:s25+s4], $0x400, $0x38;
	[tilespmem:$0x14400] =	vst v63  }
0xc5: {  	s28 =	sadd.s32 $0xF4280, s25  }
0xc6: {  	[tilespmem:s2], [sflag:$0x2] =	stream.linear.gather [hbm4b:s28+s4], $0x400, $0x38;
	[tilespmem:$0x14400] =	vst v63  }
0xc7: {  	s31 =	sadd.s32 $0x1E8500, s25  }
0xc8: {  	[tilespmem:s3], [sflag:$0x2] =	stream.linear.gather [hbm4b:s31+s4], $0x400, $0x38;
	[tilespmem:$0x14400] =	vst v63  }
0xc9: {  	s25 =	sadd.s32 $0x2DC780, s25;
	s2 =	spop (v2sf)  }
0xca: {  	[tilespmem:s10], [sflag:$0x2] =	stream.linear.gather [hbm4b:s25+s4], $0x400, $0x38;
	[tilespmem:$0x14400] =	vst v63  }
0xcb: {  	s25 =	sand.u32 $0xFFFFF80, s2  }
0xcc: {  	(v2sf) =	vpush v17, $0x5;
	s25 =	sadd.s32 s1, s25  }
0xcd: {  	[tilespmem:s5], [sflag:$0x2] =	stream.linear.gather [hbm4b:s25+s4], $0x400, $0x38;
	[tilespmem:$0x14400] =	vst v63  }
0xce: {  	s3 =	sadd.s32 $0xF4280, s25  }
0xcf: {  	[tilespmem:s6], [sflag:$0x2] =	stream.linear.gather [hbm4b:s3+s4], $0x400, $0x38;
	[tilespmem:$0x14400] =	vst v63  }
0xd0: {  	s5 =	sadd.s32 $0x1E8500, s25  }
0xd1: {  	[tilespmem:s7], [sflag:$0x2] =	stream.linear.gather [hbm4b:s5+s4], $0x400, $0x38;
	[tilespmem:$0x14400] =	vst v63  }
0xd2: {  	s25 =	sadd.s32 $0x2DC780, s25;
	s6 =	spop (v2sf)  }
0xd3: {  	[tilespmem:s8], [sflag:$0x2] =	stream.linear.gather [hbm4b:s25+s4], $0x400, $0x38;
	[tilespmem:$0x14400] =	vst v63  }
0xd4: {  	s25 =	sand.u32 $0xFFFFF80, s6  }
0xd5: {  	(v2sf) =	vpush v16, $0x6;
	s25 =	sadd.s32 s0, s25  }
0xd6: {  	[tilespmem:s9], [sflag:$0x2] =	stream.linear.gather [hbm4b:s25+s4], $0x400, $0x38;
	[tilespmem:$0x14400] =	vst v63  }
0xd7: {  	s7 =	sadd.s32 $0xF4280, s25  }
0xd8: {  	[tilespmem:s12], [sflag:$0x2] =	stream.linear.gather [hbm4b:s7+s4], $0x400, $0x38;
	[tilespmem:$0x14400] =	vst v63  }
0xd9: {  	s8 =	sadd.s32 $0x1E8500, s25  }
0xda: {  	[tilespmem:s24], [sflag:$0x2] =	stream.linear.gather [hbm4b:s8+s4], $0x400, $0x38;
	[tilespmem:$0x14400] =	vst v63  }
0xdb: {  	s25 =	sadd.s32 $0x2DC780, s25;
	s9 =	spop (v2sf)  }
0xdc: {  	[tilespmem:s14], [sflag:$0x2] =	stream.linear.gather [hbm4b:s25+s4], $0x400, $0x38;
	[tilespmem:$0x14400] =	vst v63  }
0xdd: {  	s25 =	sand.u32 $0xFFFFF80, s9  }
0xde: {  	(v2sf) =	vpush v17, $0x6;
	s25 =	sadd.s32 s1, s25  }
0xdf: {  	[tilespmem:s16], [sflag:$0x2] =	stream.linear.gather [hbm4b:s25+s4], $0x400, $0x38;
	[tilespmem:$0x14400] =	vst v63  }
0xe0: {  	s10 =	sadd.s32 $0xF4280, s25  }
0xe1: {  	[tilespmem:s17], [sflag:$0x2] =	stream.linear.gather [hbm4b:s10+s4], $0x400, $0x38;
	[tilespmem:$0x14400] =	vst v63  }
0xe2: {  	s12 =	sadd.s32 $0x1E8500, s25  }
0xe3: {  	[tilespmem:s18], [sflag:$0x2] =	stream.linear.gather [hbm4b:s12+s4], $0x400, $0x38;
	[tilespmem:$0x14400] =	vst v63  }
0xe4: {  	s25 =	sadd.s32 $0x2DC780, s25;
	s13 =	spop (v2sf)  }
0xe5: {  	(v2sf) =	vpush v16, $0x7;
	[tilespmem:s19], [sflag:$0x2] =	stream.linear.gather [hbm4b:s25+s4], $0x400, $0x38;
	[tilespmem:$0x14400] =	vst v63  }
0xe6: {  	s25 =	sand.u32 $0xFFFFF80, s13  }
0xe7: {  	s25 =	sadd.s32 s0, s25  }
0xe8: {  	[tilespmem:s20], [sflag:$0x2] =	stream.linear.gather [hbm4b:s25+s4], $0x400, $0x38;
	[tilespmem:$0x14400] =	vst v63  }
0xe9: {  	s14 =	sadd.s32 $0xF4280, s25  }
0xea: {  	[tilespmem:s21], [sflag:$0x2] =	stream.linear.gather [hbm4b:s14+s4], $0x400, $0x38;
	[tilespmem:$0x14400] =	vst v63  }
0xeb: {  	s16 =	sadd.s32 $0x1E8500, s25  }
0xec: {  	[tilespmem:s22], [sflag:$0x2] =	stream.linear.gather [hbm4b:s16+s4], $0x400, $0x38;
	[tilespmem:$0x14400] =	vst v63  }
0xed: {  	s17 =	simm.s32 $0x7C00;
	s25 =	sadd.s32 $0x2DC780, s25;
	s18 =	spop (v2sf)  }
0xee: {  	[tilespmem:s17], [sflag:$0x2] =	stream.linear.gather [hbm4b:s25+s4], $0x400, $0x38;
	[tilespmem:$0x14400] =	vst v63  }
0xef: {  	(v2sf) =	vpush v17, $0x7;
	s25 =	sand.u32 $0xFFFFF80, s18  }
0xf0: {  	s25 =	sadd.s32 s1, s25  }
0xf1: {  	[tilespmem:s29], [sflag:$0x2] =	stream.linear.gather [hbm4b:s25+s4], $0x400, $0x38;
	[tilespmem:$0x14400] =	vst v63  }
0xf2: {  	s21 =	simm.s32 $0xDC00;
	s19 =	sadd.s32 $0xF4280, s25  }
0xf3: {  	[tilespmem:s30], [sflag:$0x2] =	stream.linear.gather [hbm4b:s19+s4], $0x400, $0x38;
	[tilespmem:$0x14400] =	vst v63  }
0xf4: {  	s20 =	sadd.s32 $0x1E8500, s25;
	s25 =	sadd.s32 $0x2DC780, s25;
	s22 =	spop (v2sf)  }
0xf5: {  	[tilespmem:s21], [sflag:$0x2] =	stream.linear.gather [hbm4b:s20+s4], $0x400, $0x38;
	[tilespmem:$0x14400] =	vst v63  }
0xf6: {  	s23 =	sand.u32 $0xFFFFF80, s22;
	s20 =	simm.s32 $0xFC00  }
0xf7: {  	[tilespmem:s20], [sflag:$0x2] =	stream.linear.gather [hbm4b:s25+s4], $0x400, $0x38;
	[tilespmem:$0x14400] =	vst v63  }
0xf8: {  	s19 =	simm.s32 $0x2000;
	s25 =	sadd.s32 s0, s23  }
0xf9: {  	[tilespmem:s19], [sflag:$0x2] =	stream.linear.gather [hbm4b:s25+s4], $0x400, $0x38;
	[tilespmem:$0x14400] =	vst v63  }
0xfa: {  	s26 =	simm.s32 $0x10500;
	s18 =	simm.s32 $0x4000;
	s24 =	sadd.s32 $0xF4280, s25  }
0xfb: {  	[tilespmem:s18], [sflag:$0x2] =	stream.linear.gather [hbm4b:s24+s4], $0x400, $0x38;
	[tilespmem:$0x14400] =	vst v63  }
0xfc: {  	s2 =	simm.s32 $0x1400;
	s17 =	simm.s32 $0x6000;
	s28 =	sadd.s32 $0x1E8500, s25  }
0xfd: {  	[tilespmem:s17], [sflag:$0x2] =	stream.linear.gather [hbm4b:s28+s4], $0x400, $0x38;
	[tilespmem:$0x14400] =	vst v63  }
0xfe: {  	s16 =	simm.s32 $0x8000;
	s29 =	spop (v2sf);
	s25 =	sadd.s32 $0x2DC780, s25  }
0xff: {  	[tilespmem:s16], [sflag:$0x2] =	stream.linear.gather [hbm4b:s25+s4], $0x400, $0x38;
	[tilespmem:$0x14400] =	vst v63  }
0x100: {  	s3 =	simm.s32 $0x3400;
	s5 =	simm.s32 $0x7400;
	s25 =	sand.u32 $0xFFFFF80, s29  }
0x101: {  	s6 =	simm.s32 $0x9400;
	s14 =	simm.s32 $0xA000;
	s25 =	sadd.s32 s1, s25  }
0x102: {  	[tilespmem:s14], [sflag:$0x2] =	stream.linear.gather [hbm4b:s25+s4], $0x400, $0x38;
	[tilespmem:$0x14400] =	vst v63  }
0x103: {  	s7 =	simm.s32 $0xB400;
	s23 =	simm.s32 $0xC000;
	s30 =	sadd.s32 $0xF4280, s25  }
0x104: {  	[tilespmem:s23], [sflag:$0x2] =	stream.linear.gather [hbm4b:s30+s4], $0x400, $0x38;
	[tilespmem:$0x14400] =	vst v63  }
0x105: {  	s8 =	simm.s32 $0xD400;
	s24 =	simm.s32 $0xE000;
	s31 =	sadd.s32 $0x1E8500, s25  }
0x106: {  	[tilespmem:s24], [sflag:$0x2] =	stream.linear.gather [hbm4b:s31+s4], $0x400, $0x38;
	[tilespmem:$0x14400] =	vst v63  }
0x107: {  	s9 =	simm.s32 $0x40;
	s12 =	simm.s32 $0x10000;
	s25 =	sadd.s32 $0x2DC780, s25  }
0x108: {  	[tilespmem:s12], [sflag:$0x2] =	stream.linear.gather [hbm4b:s25+s4], $0x400, $0x38;
	[tilespmem:$0x14400] =	vst v63  }
0x109: {  	s10 =	simm.s32 $0x5400;
	s22 =	simm.s32 $0xBC00;
	s25 =	simm.s32 $0x9C00  }
.LBB2_2:
0x10a: {  	s13 =	simm.s32 $0x1  }
0x10b: {  	_ =	swait.ge [sflag:s13], $0x4000  }
0x10c: {  	[sflag:s13] =	ssyncset.done $0x0  }
0x10d: {  	[sflag:s13] =	ssyncadd.s32 $0xFFFFC000  }
0x10e: {  	_ =	swait.ge [sflag:s13], $0x4000  }
0x10f: {  	[sflag:s13] =	ssyncset.done $0x0  }
0x110: {  	s28 =	sshra.s32 s9, $0x2;
	[sflag:s13] =	ssyncadd.s32 $0xFFFFC000  }
0x111: {  	v16 =	vld [tilespmem:s28+$0xFFFFFFF0]  }
0x112: {  	v17 =	vld [tilespmem:s28+$0x1F0];
	_ =	sdelay $0x3  }
0x113: {  	(v2sf) =	vpush v16, $0x0  }
0x114: {  	(v2sf) =	vpush v17, $0x0;
	_ =	sdelay $0xd  }
0x115: {  	s29 =	spop (v2sf)  }
0x116: {  	s29 =	sand.u32 $0x7F, s29;
	s30 =	spop (v2sf)  }
0x117: {  	s30 =	sand.u32 $0x7F, s30;
	v18 =	vor.u32 s29, v0  }
0x118: {  	v19 =	vor.u32 s30, v0;
	_ =	sdelay $0x3  }
0x119: {  	v18 =	vld.idx.msk [tilespmem:v18+s11+$0x0], $0xffff  }
0x11a: {  	v19 =	vld.idx.msk [tilespmem:v19+s15+$0x0], $0xffff;
	_ =	sdelay $0x2  }
0x11b: {  	v20 =	vor.u32 s29, v1  }
0x11c: {  	v21 =	vor.u32 s30, v1  }
0x11d: {  	v18 =	vmul.f32 v19, v18;
	_ =	sdelay $0x1  }
0x11e: {  	[tilespmem:s26+$0xFFFFFF00] =	vst v18  }
0x11f: {  	v18 =	vld.idx.msk [tilespmem:v20+s11+$0x0], $0xffff  }
0x120: {  	v16 =	vand.u32 $0x7F, v16;
	v51 =	vld.idx.msk [tilespmem:v21+s15+$0x0], $0xffff  }
0x121: {  	v52 =	vbroadcast v16, $0x1;
	v17 =	vand.u32 $0x7F, v17  }
0x122: {  	v53 =	vbroadcast v17, $0x1  }
0x123: {  	v22 =	vor.u32 v2, v52  }
0x124: {  	v23 =	vor.u32 v2, v53  }
0x125: {  	v18 =	vmul.f32 v51, v18;
	_ =	sdelay $0x1  }
0x126: {  	[tilespmem:s26+$0xFFFFFF10] =	vst v18  }
0x127: {  	v18 =	vld.idx.msk [tilespmem:v22+s11+$0x0], $0xffff  }
0x128: {  	v54 =	vld.idx.msk [tilespmem:v23+s15+$0x0], $0xffff;
	_ =	sdelay $0x2  }
0x129: {  	v20 =	vor.u32 v3, v52  }
0x12a: {  	v21 =	vor.u32 v3, v53  }
0x12b: {  	v18 =	vmul.f32 v54, v18;
	_ =	sdelay $0x1  }
0x12c: {  	[tilespmem:s26+$0xFFFFFF20] =	vst v18  }
0x12d: {  	v18 =	vld.idx.msk [tilespmem:v20+s11+$0x0], $0xffff  }
0x12e: {  	v55 =	vld.idx.msk [tilespmem:v21+s15+$0x0], $0xffff  }
0x12f: {  	v56 =	vbroadcast v16, $0x2  }
0x130: {  	v57 =	vbroadcast v17, $0x2  }
0x131: {  	v58 =	vor.u32 v4, v56  }
0x132: {  	v59 =	vor.u32 v4, v57  }
0x133: {  	v18 =	vmul.f32 v55, v18;
	_ =	sdelay $0x1  }
0x134: {  	[tilespmem:s26+$0xFFFFFF30] =	vst v18  }
0x135: {  	v18 =	vld.idx.msk [tilespmem:v58+s11+$0x0], $0xffff  }
0x136: {  	v60 =	vld.idx.msk [tilespmem:v59+s15+$0x0], $0xffff;
	_ =	sdelay $0x2  }
0x137: {  	v20 =	vor.u32 v5, v56  }
0x138: {  	v21 =	vor.u32 v5, v57  }
0x139: {  	v18 =	vmul.f32 v60, v18;
	_ =	sdelay $0x1  }
0x13a: {  	[tilespmem:s26+$0xFFFFFF40] =	vst v18  }
0x13b: {  	v18 =	vld.idx.msk [tilespmem:v20+s11+$0x0], $0xffff  }
0x13c: {  	v61 =	vld.idx.msk [tilespmem:v21+s15+$0x0], $0xffff  }
0x13d: {  	v16 =	vbroadcast v16, $0x3  }
0x13e: {  	v17 =	vbroadcast v17, $0x3  }
0x13f: {  	v62 =	vor.u32 v6, v16  }
0x140: {  	v63 =	vor.u32 v6, v17  }
0x141: {  	v18 =	vmul.f32 v61, v18;
	_ =	sdelay $0x1  }
0x142: {  	[tilespmem:s26+$0xFFFFFF50] =	vst v18  }
0x143: {  	v18 =	vld.idx.msk [tilespmem:v62+s11+$0x0], $0xffff  }
0x144: {  	v24 =	vld.idx.msk [tilespmem:v63+s15+$0x0], $0xffff;
	_ =	sdelay $0x2  }
0x145: {  	v16 =	vor.u32 v7, v16  }
0x146: {  	v17 =	vor.u32 v7, v17  }
0x147: {  	v18 =	vmul.f32 v24, v18;
	_ =	sdelay $0x1  }
0x148: {  	[tilespmem:s26+$0xFFFFFF60] =	vst v18  }
0x149: {  	v16 =	vld.idx.msk [tilespmem:v16+s11+$0x0], $0xffff  }
0x14a: {  	v17 =	vld.idx.msk [tilespmem:v17+s15+$0x0], $0xffff;
	_ =	sdelay $0x4  }
0x14b: {  	v16 =	vmul.f32 v17, v16;
	_ =	sdelay $0x1  }
0x14c: {  	[tilespmem:s26+$0xFFFFFF70] =	vst v16  }
0x14d: {  	v16 =	vld [tilespmem:s28+$0xFFFFFFF0];
	_ =	sdelay $0x4  }
0x14e: {  	(v2sf) =	vpush v16, $0x8;
	_ =	sdelay $0x4  }
0x14f: {  	v17 =	vld [tilespmem:s28+$0x1F0];
	_ =	sdelay $0x4  }
0x150: {  	(v2sf) =	vpush v17, $0x8;
	_ =	sdelay $0x4  }
0x151: {  	s30 =	spop (v2sf)  }
0x152: {  	s29 =	sand.u32 $0xFFFFF80, s30  }
0x153: {  	s29 =	sadd.s32 s0, s29  }
0x154: {  	[tilespmem:s11], [sflag:$0x1] =	stream.linear.gather [hbm4b:s29+s4], $0x400, $0x38;
	[tilespmem:$0x14400] =	vst v63  }
0x155: {  	s31 =	simm.s32 $0x2400;
	s30 =	sadd.s32 $0xF4280, s29  }
0x156: {  	(v2sf) =	vpush v16, $0x9;
	[tilespmem:s31], [sflag:$0x1] =	stream.linear.gather [hbm4b:s30+s4], $0x400, $0x38;
	[tilespmem:$0x14400] =	vst v63  }
0x157: {  	s30 =	sadd.s32 $0x1E8500, s29;
	s31 =	simm.s32 $0x4400  }
0x158: {  	[tilespmem:s31], [sflag:$0x1] =	stream.linear.gather [hbm4b:s30+s4], $0x400, $0x38;
	[tilespmem:$0x14400] =	vst v63  }
0x159: {  	s29 =	sadd.s32 $0x2DC780, s29;
	s30 =	simm.s32 $0x6400  }
0x15a: {  	[tilespmem:s30], [sflag:$0x1] =	stream.linear.gather [hbm4b:s29+s4], $0x400, $0x38;
	[tilespmem:$0x14400] =	vst v63  }
0x15b: {  	s30 =	spop (v2sf)  }
0x15c: {  	s29 =	sand.u32 $0xFFFFF80, s30  }
0x15d: {  	s29 =	sadd.s32 s1, s29  }
0x15e: {  	[tilespmem:s15], [sflag:$0x1] =	stream.linear.gather [hbm4b:s29+s4], $0x400, $0x38;
	[tilespmem:$0x14400] =	vst v63  }
0x15f: {  	s31 =	simm.s32 $0xA400;
	s30 =	sadd.s32 $0xF4280, s29  }
0x160: {  	(v2sf) =	vpush v17, $0x9;
	[tilespmem:s31], [sflag:$0x1] =	stream.linear.gather [hbm4b:s30+s4], $0x400, $0x38;
	[tilespmem:$0x14400] =	vst v63  }
0x161: {  	s30 =	sadd.s32 $0x1E8500, s29;
	s31 =	simm.s32 $0xC400  }
0x162: {  	[tilespmem:s31], [sflag:$0x1] =	stream.linear.gather [hbm4b:s30+s4], $0x400, $0x38;
	[tilespmem:$0x14400] =	vst v63  }
0x163: {  	s29 =	sadd.s32 $0x2DC780, s29;
	s30 =	simm.s32 $0xE400  }
0x164: {  	[tilespmem:s30], [sflag:$0x1] =	stream.linear.gather [hbm4b:s29+s4], $0x400, $0x38;
	[tilespmem:$0x14400] =	vst v63  }
0x165: {  	s30 =	spop (v2sf)  }
0x166: {  	s29 =	sand.u32 $0xFFFFF80, s30  }
0x167: {  	s30 =	simm.s32 $0x800;
	s29 =	sadd.s32 s0, s29  }
0x168: {  	[tilespmem:s30], [sflag:$0x1] =	stream.linear.gather [hbm4b:s29+s4], $0x400, $0x38;
	[tilespmem:$0x14400] =	vst v63  }
0x169: {  	s31 =	simm.s32 $0x2800;
	s30 =	sadd.s32 $0xF4280, s29  }
0x16a: {  	(v2sf) =	vpush v16, $0xA;
	[tilespmem:s31], [sflag:$0x1] =	stream.linear.gather [hbm4b:s30+s4], $0x400, $0x38;
	[tilespmem:$0x14400] =	vst v63  }
0x16b: {  	s30 =	sadd.s32 $0x1E8500, s29;
	s31 =	simm.s32 $0x4800  }
0x16c: {  	[tilespmem:s31], [sflag:$0x1] =	stream.linear.gather [hbm4b:s30+s4], $0x400, $0x38;
	[tilespmem:$0x14400] =	vst v63  }
0x16d: {  	s29 =	sadd.s32 $0x2DC780, s29;
	s30 =	simm.s32 $0x6800  }
0x16e: {  	[tilespmem:s30], [sflag:$0x1] =	stream.linear.gather [hbm4b:s29+s4], $0x400, $0x38;
	[tilespmem:$0x14400] =	vst v63  }
0x16f: {  	s30 =	spop (v2sf)  }
0x170: {  	s29 =	sand.u32 $0xFFFFF80, s30  }
0x171: {  	s30 =	simm.s32 $0x8800;
	s29 =	sadd.s32 s1, s29  }
0x172: {  	[tilespmem:s30], [sflag:$0x1] =	stream.linear.gather [hbm4b:s29+s4], $0x400, $0x38;
	[tilespmem:$0x14400] =	vst v63  }
0x173: {  	s31 =	simm.s32 $0xA800;
	s30 =	sadd.s32 $0xF4280, s29  }
0x174: {  	(v2sf) =	vpush v17, $0xA;
	[tilespmem:s31], [sflag:$0x1] =	stream.linear.gather [hbm4b:s30+s4], $0x400, $0x38;
	[tilespmem:$0x14400] =	vst v63  }
0x175: {  	s30 =	sadd.s32 $0x1E8500, s29;
	s31 =	simm.s32 $0xC800  }
0x176: {  	[tilespmem:s31], [sflag:$0x1] =	stream.linear.gather [hbm4b:s30+s4], $0x400, $0x38;
	[tilespmem:$0x14400] =	vst v63  }
0x177: {  	s29 =	sadd.s32 $0x2DC780, s29;
	s30 =	simm.s32 $0xE800  }
0x178: {  	[tilespmem:s30], [sflag:$0x1] =	stream.linear.gather [hbm4b:s29+s4], $0x400, $0x38;
	[tilespmem:$0x14400] =	vst v63  }
0x179: {  	s30 =	spop (v2sf)  }
0x17a: {  	s29 =	sand.u32 $0xFFFFF80, s30  }
0x17b: {  	s30 =	simm.s32 $0xC00;
	s29 =	sadd.s32 s0, s29  }
0x17c: {  	[tilespmem:s30], [sflag:$0x1] =	stream.linear.gather [hbm4b:s29+s4], $0x400, $0x38;
	[tilespmem:$0x14400] =	vst v63  }
0x17d: {  	s31 =	simm.s32 $0x2C00;
	s30 =	sadd.s32 $0xF4280, s29  }
0x17e: {  	(v2sf) =	vpush v16, $0xB;
	[tilespmem:s31], [sflag:$0x1] =	stream.linear.gather [hbm4b:s30+s4], $0x400, $0x38;
	[tilespmem:$0x14400] =	vst v63  }
0x17f: {  	s30 =	sadd.s32 $0x1E8500, s29;
	s31 =	simm.s32 $0x4C00  }
0x180: {  	[tilespmem:s31], [sflag:$0x1] =	stream.linear.gather [hbm4b:s30+s4], $0x400, $0x38;
	[tilespmem:$0x14400] =	vst v63  }
0x181: {  	s29 =	sadd.s32 $0x2DC780, s29;
	s30 =	simm.s32 $0x6C00  }
0x182: {  	[tilespmem:s30], [sflag:$0x1] =	stream.linear.gather [hbm4b:s29+s4], $0x400, $0x38;
	[tilespmem:$0x14400] =	vst v63  }
0x183: {  	s30 =	spop (v2sf)  }
0x184: {  	s29 =	sand.u32 $0xFFFFF80, s30  }
0x185: {  	s30 =	simm.s32 $0x8C00;
	s29 =	sadd.s32 s1, s29  }
0x186: {  	[tilespmem:s30], [sflag:$0x1] =	stream.linear.gather [hbm4b:s29+s4], $0x400, $0x38;
	[tilespmem:$0x14400] =	vst v63  }
0x187: {  	s31 =	simm.s32 $0xAC00;
	s30 =	sadd.s32 $0xF4280, s29  }
0x188: {  	(v2sf) =	vpush v17, $0xB;
	[tilespmem:s31], [sflag:$0x1] =	stream.linear.gather [hbm4b:s30+s4], $0x400, $0x38;
	[tilespmem:$0x14400] =	vst v63  }
0x189: {  	s30 =	sadd.s32 $0x1E8500, s29;
	s31 =	simm.s32 $0xCC00  }
0x18a: {  	[tilespmem:s31], [sflag:$0x1] =	stream.linear.gather [hbm4b:s30+s4], $0x400, $0x38;
	[tilespmem:$0x14400] =	vst v63  }
0x18b: {  	s29 =	sadd.s32 $0x2DC780, s29;
	s30 =	simm.s32 $0xEC00  }
0x18c: {  	[tilespmem:s30], [sflag:$0x1] =	stream.linear.gather [hbm4b:s29+s4], $0x400, $0x38;
	[tilespmem:$0x14400] =	vst v63  }
0x18d: {  	s30 =	spop (v2sf)  }
0x18e: {  	s29 =	sand.u32 $0xFFFFF80, s30  }
0x18f: {  	s30 =	simm.s32 $0x1000;
	s29 =	sadd.s32 s0, s29  }
0x190: {  	[tilespmem:s30], [sflag:$0x1] =	stream.linear.gather [hbm4b:s29+s4], $0x400, $0x38;
	[tilespmem:$0x14400] =	vst v63  }
0x191: {  	s31 =	simm.s32 $0x3000;
	s30 =	sadd.s32 $0xF4280, s29  }
0x192: {  	[tilespmem:s31], [sflag:$0x1] =	stream.linear.gather [hbm4b:s30+s4], $0x400, $0x38;
	[tilespmem:$0x14400] =	vst v63  }
0x193: {  	s30 =	sadd.s32 $0x1E8500, s29;
	s31 =	simm.s32 $0x5000  }
0x194: {  	[tilespmem:s31], [sflag:$0x1] =	stream.linear.gather [hbm4b:s30+s4], $0x400, $0x38;
	[tilespmem:$0x14400] =	vst v63  }
0x195: {  	s29 =	sadd.s32 $0x2DC780, s29;
	s30 =	simm.s32 $0x7000  }
0x196: {  	[tilespmem:s30], [sflag:$0x1] =	stream.linear.gather [hbm4b:s29+s4], $0x400, $0x38;
	[tilespmem:$0x14400] =	vst v63  }
0x197: {  	s30 =	spop (v2sf)  }
0x198: {  	s29 =	sand.u32 $0xFFFFF80, s30  }
0x199: {  	s30 =	simm.s32 $0x9000;
	s29 =	sadd.s32 s1, s29  }
0x19a: {  	[tilespmem:s30], [sflag:$0x1] =	stream.linear.gather [hbm4b:s29+s4], $0x400, $0x38;
	[tilespmem:$0x14400] =	vst v63  }
0x19b: {  	s31 =	simm.s32 $0xB000;
	s30 =	sadd.s32 $0xF4280, s29  }
0x19c: {  	[tilespmem:s31], [sflag:$0x1] =	stream.linear.gather [hbm4b:s30+s4], $0x400, $0x38;
	[tilespmem:$0x14400] =	vst v63  }
0x19d: {  	s30 =	sadd.s32 $0x1E8500, s29;
	s31 =	simm.s32 $0xD000  }
0x19e: {  	[tilespmem:s31], [sflag:$0x1] =	stream.linear.gather [hbm4b:s30+s4], $0x400, $0x38;
	[tilespmem:$0x14400] =	vst v63  }
0x19f: {  	s29 =	sadd.s32 $0x2DC780, s29;
	s30 =	simm.s32 $0xF000  }
0x1a0: {  	[tilespmem:s30], [sflag:$0x1] =	stream.linear.gather [hbm4b:s29+s4], $0x400, $0x38;
	[tilespmem:$0x14400] =	vst v63  }
0x1a1: {  	s30 =	simm.s32 $0x2  }
0x1a2: {  	_ =	swait.ge [sflag:s30], $0x4000  }
0x1a3: {  	[sflag:s30] =	ssyncset.done $0x0  }
0x1a4: {  	[sflag:s30] =	ssyncadd.s32 $0xFFFFC000  }
0x1a5: {  	_ =	swait.ge [sflag:s30], $0x4000  }
0x1a6: {  	[sflag:s30] =	ssyncset.done $0x0  }
0x1a7: {  	[sflag:s30] =	ssyncadd.s32 $0xFFFFC000  }
0x1a8: {  	v16 =	vld [tilespmem:s28+$0xFFFFFFF0]  }
0x1a9: {  	v17 =	vld [tilespmem:s28+$0x1F0];
	_ =	sdelay $0x3  }
0x1aa: {  	v16 =	vand.u32 $0x7F, v16  }
0x1ab: {  	v17 =	vand.u32 $0x7F, v17;
	v25 =	vbroadcast v16, $0x4  }
0x1ac: {  	v26 =	vbroadcast v17, $0x4  }
0x1ad: {  	v27 =	vor.u32 v8, v25  }
0x1ae: {  	v28 =	vor.u32 v8, v26;
	_ =	sdelay $0x3  }
0x1af: {  	v20 =	vld.idx.msk [tilespmem:v27+s11+$0x0], $0xffff  }
0x1b0: {  	v21 =	vld.idx.msk [tilespmem:v28+s15+$0x0], $0xffff;
	_ =	sdelay $0x2  }
0x1b1: {  	v18 =	vor.u32 v9, v25  }
0x1b2: {  	v19 =	vor.u32 v9, v26  }
0x1b3: {  	v20 =	vmul.f32 v21, v20;
	_ =	sdelay $0x1  }
0x1b4: {  	[tilespmem:s26+$0xFFFFFF80] =	vst v20  }
0x1b5: {  	v18 =	vld.idx.msk [tilespmem:v18+s11+$0x0], $0xffff  }
0x1b6: {  	v19 =	vld.idx.msk [tilespmem:v19+s15+$0x0], $0xffff  }
0x1b7: {  	v29 =	vbroadcast v16, $0x5  }
0x1b8: {  	v30 =	vbroadcast v17, $0x5  }
0x1b9: {  	v31 =	vor.u32 v10, v29  }
0x1ba: {  	v32 =	vor.u32 v10, v30  }
0x1bb: {  	v18 =	vmul.f32 v19, v18;
	_ =	sdelay $0x1  }
0x1bc: {  	[tilespmem:s26+$0xFFFFFF90] =	vst v18  }
0x1bd: {  	v18 =	vld.idx.msk [tilespmem:v31+s11+$0x0], $0xffff  }
0x1be: {  	v33 =	vld.idx.msk [tilespmem:v32+s15+$0x0], $0xffff;
	_ =	sdelay $0x2  }
0x1bf: {  	v20 =	vor.u32 v11, v29  }
0x1c0: {  	v21 =	vor.u32 v11, v30  }
0x1c1: {  	v18 =	vmul.f32 v33, v18;
	_ =	sdelay $0x1  }
0x1c2: {  	[tilespmem:s26+$0xFFFFFFA0] =	vst v18  }
0x1c3: {  	v18 =	vld.idx.msk [tilespmem:v20+s11+$0x0], $0xffff  }
0x1c4: {  	v34 =	vld.idx.msk [tilespmem:v21+s15+$0x0], $0xffff  }
0x1c5: {  	v35 =	vbroadcast v16, $0x6  }
0x1c6: {  	v36 =	vbroadcast v17, $0x6  }
0x1c7: {  	v37 =	vor.u32 v12, v35  }
0x1c8: {  	v38 =	vor.u32 v12, v36  }
0x1c9: {  	v18 =	vmul.f32 v34, v18;
	_ =	sdelay $0x1  }
0x1ca: {  	[tilespmem:s26+$0xFFFFFFB0] =	vst v18  }
0x1cb: {  	v18 =	vld.idx.msk [tilespmem:v37+s11+$0x0], $0xffff  }
0x1cc: {  	v39 =	vld.idx.msk [tilespmem:v38+s15+$0x0], $0xffff;
	_ =	sdelay $0x2  }
0x1cd: {  	v20 =	vor.u32 v13, v35  }
0x1ce: {  	v21 =	vor.u32 v13, v36  }
0x1cf: {  	v18 =	vmul.f32 v39, v18;
	_ =	sdelay $0x1  }
0x1d0: {  	[tilespmem:s26+$0xFFFFFFC0] =	vst v18  }
0x1d1: {  	v18 =	vld.idx.msk [tilespmem:v20+s11+$0x0], $0xffff  }
0x1d2: {  	v40 =	vld.idx.msk [tilespmem:v21+s15+$0x0], $0xffff  }
0x1d3: {  	v16 =	vbroadcast v16, $0x7  }
0x1d4: {  	v17 =	vbroadcast v17, $0x7  }
0x1d5: {  	v41 =	vor.u32 v14, v16  }
0x1d6: {  	v42 =	vor.u32 v14, v17  }
0x1d7: {  	v18 =	vmul.f32 v40, v18;
	_ =	sdelay $0x1  }
0x1d8: {  	[tilespmem:s26+$0xFFFFFFD0] =	vst v18  }
0x1d9: {  	v18 =	vld.idx.msk [tilespmem:v41+s11+$0x0], $0xffff  }
0x1da: {  	v43 =	vld.idx.msk [tilespmem:v42+s15+$0x0], $0xffff;
	_ =	sdelay $0x2  }
0x1db: {  	v16 =	vor.u32 v15, v16  }
0x1dc: {  	v17 =	vor.u32 v15, v17  }
0x1dd: {  	v18 =	vmul.f32 v43, v18;
	_ =	sdelay $0x1  }
0x1de: {  	[tilespmem:s26+$0xFFFFFFE0] =	vst v18  }
0x1df: {  	v16 =	vld.idx.msk [tilespmem:v16+s11+$0x0], $0xffff  }
0x1e0: {  	v17 =	vld.idx.msk [tilespmem:v17+s15+$0x0], $0xffff;
	_ =	sdelay $0x4  }
0x1e1: {  	v16 =	vmul.f32 v17, v16;
	_ =	sdelay $0x1  }
0x1e2: {  	[tilespmem:s26+$0xFFFFFFF0] =	vst v16  }
0x1e3: {  	v16 =	vld [tilespmem:s28+$0xFFFFFFF0];
	_ =	sdelay $0x4  }
0x1e4: {  	(v2sf) =	vpush v16, $0xC;
	_ =	sdelay $0x2  }
0x1e5: {  	v17 =	vld [tilespmem:s28+$0x1F0];
	_ =	sdelay $0x4  }
0x1e6: {  	(v2sf) =	vpush v17, $0xC;
	_ =	sdelay $0x6  }
0x1e7: {  	s30 =	spop (v2sf)  }
0x1e8: {  	s29 =	sand.u32 $0xFFFFF80, s30  }
0x1e9: {  	(v2sf) =	vpush v16, $0xD;
	s29 =	sadd.s32 s0, s29  }
0x1ea: {  	[tilespmem:s2], [sflag:$0x2] =	stream.linear.gather [hbm4b:s29+s4], $0x400, $0x38;
	[tilespmem:$0x14400] =	vst v63  }
0x1eb: {  	s2 =	sadd.s32 $0xF4280, s29  }
0x1ec: {  	[tilespmem:s3], [sflag:$0x2] =	stream.linear.gather [hbm4b:s2+s4], $0x400, $0x38;
	[tilespmem:$0x14400] =	vst v63  }
0x1ed: {  	s3 =	sadd.s32 $0x1E8500, s29  }
0x1ee: {  	[tilespmem:s10], [sflag:$0x2] =	stream.linear.gather [hbm4b:s3+s4], $0x400, $0x38;
	[tilespmem:$0x14400] =	vst v63  }
0x1ef: {  	s30 =	spop (v2sf);
	s29 =	sadd.s32 $0x2DC780, s29  }
0x1f0: {  	[tilespmem:s5], [sflag:$0x2] =	stream.linear.gather [hbm4b:s29+s4], $0x400, $0x38;
	[tilespmem:$0x14400] =	vst v63  }
0x1f1: {  	s29 =	sand.u32 $0xFFFFF80, s30  }
0x1f2: {  	(v2sf) =	vpush v17, $0xD;
	s29 =	sadd.s32 s1, s29  }
0x1f3: {  	[tilespmem:s6], [sflag:$0x2] =	stream.linear.gather [hbm4b:s29+s4], $0x400, $0x38;
	[tilespmem:$0x14400] =	vst v63  }
0x1f4: {  	s2 =	sadd.s32 $0xF4280, s29  }
0x1f5: {  	[tilespmem:s7], [sflag:$0x2] =	stream.linear.gather [hbm4b:s2+s4], $0x400, $0x38;
	[tilespmem:$0x14400] =	vst v63  }
0x1f6: {  	s3 =	sadd.s32 $0x1E8500, s29  }
0x1f7: {  	[tilespmem:s8], [sflag:$0x2] =	stream.linear.gather [hbm4b:s3+s4], $0x400, $0x38;
	[tilespmem:$0x14400] =	vst v63  }
0x1f8: {  	s5 =	simm.s32 $0xF400;
	s29 =	sadd.s32 $0x2DC780, s29;
	s6 =	spop (v2sf)  }
0x1f9: {  	[tilespmem:s5], [sflag:$0x2] =	stream.linear.gather [hbm4b:s29+s4], $0x400, $0x38;
	[tilespmem:$0x14400] =	vst v63  }
0x1fa: {  	s29 =	sand.u32 $0xFFFFF80, s6  }
0x1fb: {  	s7 =	simm.s32 $0x1800;
	(v2sf) =	vpush v16, $0xE;
	s29 =	sadd.s32 s0, s29  }
0x1fc: {  	[tilespmem:s7], [sflag:$0x2] =	stream.linear.gather [hbm4b:s29+s4], $0x400, $0x38;
	[tilespmem:$0x14400] =	vst v63  }
0x1fd: {  	s10 =	simm.s32 $0x3800;
	s8 =	sadd.s32 $0xF4280, s29  }
0x1fe: {  	[tilespmem:s10], [sflag:$0x2] =	stream.linear.gather [hbm4b:s8+s4], $0x400, $0x38;
	[tilespmem:$0x14400] =	vst v63  }
0x1ff: {  	s3 =	simm.s32 $0x5800;
	s2 =	sadd.s32 $0x1E8500, s29  }
0x200: {  	[tilespmem:s3], [sflag:$0x2] =	stream.linear.gather [hbm4b:s2+s4], $0x400, $0x38;
	[tilespmem:$0x14400] =	vst v63  }
0x201: {  	s5 =	simm.s32 $0x7800;
	s6 =	spop (v2sf);
	s29 =	sadd.s32 $0x2DC780, s29  }
0x202: {  	[tilespmem:s5], [sflag:$0x2] =	stream.linear.gather [hbm4b:s29+s4], $0x400, $0x38;
	[tilespmem:$0x14400] =	vst v63  }
0x203: {  	s29 =	sand.u32 $0xFFFFF80, s6  }
0x204: {  	(v2sf) =	vpush v17, $0xE;
	s7 =	simm.s32 $0x9800;
	s29 =	sadd.s32 s1, s29  }
0x205: {  	[tilespmem:s7], [sflag:$0x2] =	stream.linear.gather [hbm4b:s29+s4], $0x400, $0x38;
	[tilespmem:$0x14400] =	vst v63  }
0x206: {  	s10 =	simm.s32 $0xB800;
	s8 =	sadd.s32 $0xF4280, s29  }
0x207: {  	[tilespmem:s10], [sflag:$0x2] =	stream.linear.gather [hbm4b:s8+s4], $0x400, $0x38;
	[tilespmem:$0x14400] =	vst v63  }
0x208: {  	s3 =	simm.s32 $0xD800;
	s2 =	sadd.s32 $0x1E8500, s29  }
0x209: {  	[tilespmem:s3], [sflag:$0x2] =	stream.linear.gather [hbm4b:s2+s4], $0x400, $0x38;
	[tilespmem:$0x14400] =	vst v63  }
0x20a: {  	s5 =	simm.s32 $0xF800;
	s29 =	sadd.s32 $0x2DC780, s29;
	s6 =	spop (v2sf)  }
0x20b: {  	[tilespmem:s5], [sflag:$0x2] =	stream.linear.gather [hbm4b:s29+s4], $0x400, $0x38;
	[tilespmem:$0x14400] =	vst v63  }
0x20c: {  	s29 =	sand.u32 $0xFFFFF80, s6  }
0x20d: {  	s7 =	simm.s32 $0x1C00;
	(v2sf) =	vpush v16, $0xF;
	s29 =	sadd.s32 s0, s29  }
0x20e: {  	[tilespmem:s7], [sflag:$0x2] =	stream.linear.gather [hbm4b:s29+s4], $0x400, $0x38;
	[tilespmem:$0x14400] =	vst v63  }
0x20f: {  	s10 =	simm.s32 $0x3C00;
	s8 =	sadd.s32 $0xF4280, s29  }
0x210: {  	[tilespmem:s10], [sflag:$0x2] =	stream.linear.gather [hbm4b:s8+s4], $0x400, $0x38;
	[tilespmem:$0x14400] =	vst v63  }
0x211: {  	s3 =	simm.s32 $0x5C00;
	s2 =	sadd.s32 $0x1E8500, s29  }
0x212: {  	[tilespmem:s3], [sflag:$0x2] =	stream.linear.gather [hbm4b:s2+s4], $0x400, $0x38;
	[tilespmem:$0x14400] =	vst v63  }
0x213: {  	s5 =	simm.s32 $0x7C00;
	s6 =	spop (v2sf);
	s29 =	sadd.s32 $0x2DC780, s29  }
0x214: {  	[tilespmem:s5], [sflag:$0x2] =	stream.linear.gather [hbm4b:s29+s4], $0x400, $0x38;
	[tilespmem:$0x14400] =	vst v63  }
0x215: {  	s29 =	sand.u32 $0xFFFFF80, s6  }
0x216: {  	(v2sf) =	vpush v17, $0xF;
	s29 =	sadd.s32 s1, s29  }
0x217: {  	[tilespmem:s25], [sflag:$0x2] =	stream.linear.gather [hbm4b:s29+s4], $0x400, $0x38;
	[tilespmem:$0x14400] =	vst v63  }
0x218: {  	s7 =	sadd.s32 $0xF4280, s29  }
0x219: {  	[tilespmem:s22], [sflag:$0x2] =	stream.linear.gather [hbm4b:s7+s4], $0x400, $0x38;
	[tilespmem:$0x14400] =	vst v63  }
0x21a: {  	s8 =	sadd.s32 $0x1E8500, s29  }
0x21b: {  	[tilespmem:s21], [sflag:$0x2] =	stream.linear.gather [hbm4b:s8+s4], $0x400, $0x38;
	[tilespmem:$0x14400] =	vst v63  }
0x21c: {  	s29 =	sadd.s32 $0x2DC780, s29;
	s10 =	spop (v2sf)  }
0x21d: {  	[tilespmem:s20], [sflag:$0x2] =	stream.linear.gather [hbm4b:s29+s4], $0x400, $0x38;
	[tilespmem:$0x14400] =	vst v63  }
0x21e: {  	s29 =	sand.u32 $0xFFFFF80, s10  }
0x21f: {  	s29 =	sadd.s32 s0, s29  }
0x220: {  	[tilespmem:s19], [sflag:$0x2] =	stream.linear.gather [hbm4b:s29+s4], $0x400, $0x38;
	[tilespmem:$0x14400] =	vst v63  }
0x221: {  	s19 =	sadd.s32 $0xF4280, s29  }
0x222: {  	[tilespmem:s18], [sflag:$0x2] =	stream.linear.gather [hbm4b:s19+s4], $0x400, $0x38;
	[tilespmem:$0x14400] =	vst v63  }
0x223: {  	s20 =	sadd.s32 $0x1E8500, s29  }
0x224: {  	[tilespmem:s17], [sflag:$0x2] =	stream.linear.gather [hbm4b:s20+s4], $0x400, $0x38;
	[tilespmem:$0x14400] =	vst v63  }
0x225: {  	s21 =	spop (v2sf);
	s29 =	sadd.s32 $0x2DC780, s29  }
0x226: {  	[tilespmem:s16], [sflag:$0x2] =	stream.linear.gather [hbm4b:s29+s4], $0x400, $0x38;
	[tilespmem:$0x14400] =	vst v63  }
0x227: {  	s29 =	sand.u32 $0xFFFFF80, s21  }
0x228: {  	s29 =	sadd.s32 s1, s29  }
0x229: {  	[tilespmem:s14], [sflag:$0x2] =	stream.linear.gather [hbm4b:s29+s4], $0x400, $0x38;
	[tilespmem:$0x14400] =	vst v63  }
0x22a: {  	s22 =	sadd.s32 $0xF4280, s29  }
0x22b: {  	[tilespmem:s23], [sflag:$0x2] =	stream.linear.gather [hbm4b:s22+s4], $0x400, $0x38;
	[tilespmem:$0x14400] =	vst v63  }
0x22c: {  	s23 =	sadd.s32 $0x1E8500, s29  }
0x22d: {  	[tilespmem:s24], [sflag:$0x2] =	stream.linear.gather [hbm4b:s23+s4], $0x400, $0x38;
	[tilespmem:$0x14400] =	vst v63  }
0x22e: {  	s29 =	sadd.s32 $0x2DC780, s29  }
0x22f: {  	[tilespmem:s12], [sflag:$0x2] =	stream.linear.gather [hbm4b:s29+s4], $0x400, $0x38;
	[tilespmem:$0x14400] =	vst v63  }
0x230: {  	_ =	swait.ge [sflag:s13], $0x4000  }
0x231: {  	[sflag:s13] =	ssyncset.done $0x0  }
0x232: {  	[sflag:s13] =	ssyncadd.s32 $0xFFFFC000  }
0x233: {  	_ =	swait.ge [sflag:s13], $0x4000  }
0x234: {  	[sflag:s13] =	ssyncset.done $0x0  }
0x235: {  	[sflag:s13] =	ssyncadd.s32 $0xFFFFC000  }
0x236: {  	v16 =	vld [tilespmem:s28+$0xFFFFFFF0]  }
0x237: {  	v17 =	vld [tilespmem:s28+$0x1F0];
	_ =	sdelay $0x3  }
0x238: {  	(v2sf) =	vpush v16, $0x8  }
0x239: {  	(v2sf) =	vpush v17, $0x8;
	_ =	sdelay $0xd  }
0x23a: {  	s24 =	spop (v2sf)  }
0x23b: {  	s29 =	sand.u32 $0x7F, s24;
	s25 =	spop (v2sf)  }
0x23c: {  	s30 =	sand.u32 $0x7F, s25;
	v44 =	vor.u32 s29, v0  }
0x23d: {  	v45 =	vor.u32 s30, v0;
	_ =	sdelay $0x3  }
0x23e: {  	v18 =	vld.idx.msk [tilespmem:v44+s11+$0x0], $0xffff  }
0x23f: {  	v19 =	vld.idx.msk [tilespmem:v45+s15+$0x0], $0xffff;
	_ =	sdelay $0x2  }
0x240: {  	v46 =	vor.u32 s29, v1  }
0x241: {  	v47 =	vor.u32 s30, v1  }
0x242: {  	v18 =	vmul.f32 v19, v18;
	_ =	sdelay $0x1  }
0x243: {  	[tilespmem:s26+$0x0] =	vst v18  }
0x244: {  	v18 =	vld.idx.msk [tilespmem:v46+s11+$0x0], $0xffff  }
0x245: {  	v16 =	vand.u32 $0x7F, v16;
	v48 =	vld.idx.msk [tilespmem:v47+s15+$0x0], $0xffff  }
0x246: {  	v49 =	vbroadcast v16, $0x9;
	v17 =	vand.u32 $0x7F, v17  }
0x247: {  	v50 =	vbroadcast v17, $0x9  }
0x248: {  	v51 =	vor.u32 v2, v49  }
0x249: {  	v52 =	vor.u32 v2, v50  }
0x24a: {  	v18 =	vmul.f32 v48, v18;
	_ =	sdelay $0x1  }
0x24b: {  	[tilespmem:s26+$0x10] =	vst v18  }
0x24c: {  	v18 =	vld.idx.msk [tilespmem:v51+s11+$0x0], $0xffff  }
0x24d: {  	v53 =	vld.idx.msk [tilespmem:v52+s15+$0x0], $0xffff;
	_ =	sdelay $0x2  }
0x24e: {  	v20 =	vor.u32 v3, v49  }
0x24f: {  	v21 =	vor.u32 v3, v50  }
0x250: {  	v18 =	vmul.f32 v53, v18;
	_ =	sdelay $0x1  }
0x251: {  	[tilespmem:s26+$0x20] =	vst v18  }
0x252: {  	v18 =	vld.idx.msk [tilespmem:v20+s11+$0x0], $0xffff  }
0x253: {  	v54 =	vld.idx.msk [tilespmem:v21+s15+$0x0], $0xffff  }
0x254: {  	v55 =	vbroadcast v16, $0xA  }
0x255: {  	v56 =	vbroadcast v17, $0xA  }
0x256: {  	v57 =	vor.u32 v4, v55  }
0x257: {  	v58 =	vor.u32 v4, v56  }
0x258: {  	v18 =	vmul.f32 v54, v18;
	_ =	sdelay $0x1  }
0x259: {  	[tilespmem:s26+$0x30] =	vst v18  }
0x25a: {  	v18 =	vld.idx.msk [tilespmem:v57+s11+$0x0], $0xffff  }
0x25b: {  	v59 =	vld.idx.msk [tilespmem:v58+s15+$0x0], $0xffff;
	_ =	sdelay $0x2  }
0x25c: {  	v20 =	vor.u32 v5, v55  }
0x25d: {  	v21 =	vor.u32 v5, v56  }
0x25e: {  	v18 =	vmul.f32 v59, v18;
	_ =	sdelay $0x1  }
0x25f: {  	[tilespmem:s26+$0x40] =	vst v18  }
0x260: {  	v18 =	vld.idx.msk [tilespmem:v20+s11+$0x0], $0xffff  }
0x261: {  	v60 =	vld.idx.msk [tilespmem:v21+s15+$0x0], $0xffff  }
0x262: {  	v16 =	vbroadcast v16, $0xB  }
0x263: {  	v17 =	vbroadcast v17, $0xB  }
0x264: {  	v61 =	vor.u32 v6, v16  }
0x265: {  	v62 =	vor.u32 v6, v17  }
0x266: {  	v18 =	vmul.f32 v60, v18;
	_ =	sdelay $0x1  }
0x267: {  	[tilespmem:s26+$0x50] =	vst v18  }
0x268: {  	v18 =	vld.idx.msk [tilespmem:v61+s11+$0x0], $0xffff  }
0x269: {  	v63 =	vld.idx.msk [tilespmem:v62+s15+$0x0], $0xffff;
	_ =	sdelay $0x2  }
0x26a: {  	v16 =	vor.u32 v7, v16  }
0x26b: {  	v17 =	vor.u32 v7, v17  }
0x26c: {  	v18 =	vmul.f32 v63, v18;
	_ =	sdelay $0x1  }
0x26d: {  	[tilespmem:s26+$0x60] =	vst v18  }
0x26e: {  	v16 =	vld.idx.msk [tilespmem:v16+s11+$0x0], $0xffff  }
0x26f: {  	p0 =	seq.s32 s9, $0x800;
	s31 =	simm.s32 $0x1400;
	v17 =	vld.idx.msk [tilespmem:v17+s15+$0x0], $0xffff  }
0x270: {  	s2 =	simm.s32 $0x3400;
	s3 =	simm.s32 $0x5400;
	s5 =	simm.s32 $0x9400  }
0x271: {  	s6 =	simm.s32 $0xB400;
	s7 =	simm.s32 $0xD400;
	s8 =	simm.s32 $0xF400  }
.Ltmp2:
0x272: {  	s10 =	simm.s32 $0x7400;
	s18 =	simm.s32 $0xD800;
	(pc) =	sbr.rel @p0 .LBB2_4-.Ltmp2, $4  }
0x273: {  	s19 =	simm.s32 $0xF800;
	s17 =	simm.s32 $0xB800;
	s20 =	simm.s32 $0x1C00  }
0x274: {  	s16 =	simm.s32 $0x9800;
	s21 =	simm.s32 $0x3C00;
	s14 =	simm.s32 $0x7800;
	v16 =	vmul.f32 v17, v16  }
0x275: {  	s22 =	simm.s32 $0x5C00;
	s12 =	simm.s32 $0x3800;
	s13 =	smov.u32 s9  }
0x276: {  	s9 =	simm.s32 $0x1800;
	s24 =	simm.s32 $0x5800;
	s25 =	simm.s32 $0x7C00;
	[tilespmem:s26+$0x70] =	vst v16  }
0x277: {  	v16 =	vld [tilespmem:s28+$0x0];
	_ =	sdelay $0x4  }
0x278: {  	(v2sf) =	vpush v16, $0x0;
	_ =	sdelay $0x2  }
0x279: {  	v17 =	vld [tilespmem:s28+$0x200];
	_ =	sdelay $0x4  }
0x27a: {  	(v2sf) =	vpush v17, $0x0;
	_ =	sdelay $0x6  }
0x27b: {  	s29 =	spop (v2sf)  }
0x27c: {  	s29 =	sand.u32 $0xFFFFF80, s29  }
0x27d: {  	(v2sf) =	vpush v16, $0x1;
	s29 =	sadd.s32 s0, s29  }
0x27e: {  	[tilespmem:s11], [sflag:$0x1] =	stream.linear.gather [hbm4b:s29+s4], $0x400, $0x38;
	[tilespmem:$0x14400] =	vst v63  }
0x27f: {  	s31 =	simm.s32 $0x2400;
	s30 =	sadd.s32 $0xF4280, s29  }
0x280: {  	[tilespmem:s31], [sflag:$0x1] =	stream.linear.gather [hbm4b:s30+s4], $0x400, $0x38;
	[tilespmem:$0x14400] =	vst v63  }
0x281: {  	s23 =	sadd.s32 $0x1E8500, s29;
	s31 =	simm.s32 $0x4400  }
0x282: {  	[tilespmem:s31], [sflag:$0x1] =	stream.linear.gather [hbm4b:s23+s4], $0x400, $0x38;
	[tilespmem:$0x14400] =	vst v63  }
0x283: {  	s29 =	sadd.s32 $0x2DC780, s29;
	s30 =	spop (v2sf);
	s23 =	simm.s32 $0x6400  }
0x284: {  	[tilespmem:s23], [sflag:$0x1] =	stream.linear.gather [hbm4b:s29+s4], $0x400, $0x38;
	[tilespmem:$0x14400] =	vst v63  }
0x285: {  	s29 =	sand.u32 $0xFFFFF80, s30  }
0x286: {  	(v2sf) =	vpush v17, $0x1;
	s29 =	sadd.s32 s1, s29  }
0x287: {  	[tilespmem:s15], [sflag:$0x1] =	stream.linear.gather [hbm4b:s29+s4], $0x400, $0x38;
	[tilespmem:$0x14400] =	vst v63  }
0x288: {  	s31 =	simm.s32 $0xA400;
	s23 =	sadd.s32 $0xF4280, s29  }
0x289: {  	[tilespmem:s31], [sflag:$0x1] =	stream.linear.gather [hbm4b:s23+s4], $0x400, $0x38;
	[tilespmem:$0x14400] =	vst v63  }
0x28a: {  	s23 =	sadd.s32 $0x1E8500, s29;
	s31 =	simm.s32 $0xC400  }
0x28b: {  	[tilespmem:s31], [sflag:$0x1] =	stream.linear.gather [hbm4b:s23+s4], $0x400, $0x38;
	[tilespmem:$0x14400] =	vst v63  }
0x28c: {  	s29 =	sadd.s32 $0x2DC780, s29;
	s23 =	simm.s32 $0xE400;
	s30 =	spop (v2sf)  }
0x28d: {  	[tilespmem:s23], [sflag:$0x1] =	stream.linear.gather [hbm4b:s29+s4], $0x400, $0x38;
	[tilespmem:$0x14400] =	vst v63  }
0x28e: {  	s29 =	sand.u32 $0xFFFFF80, s30  }
0x28f: {  	(v2sf) =	vpush v16, $0x2;
	s23 =	simm.s32 $0x800;
	s29 =	sadd.s32 s0, s29  }
0x290: {  	[tilespmem:s23], [sflag:$0x1] =	stream.linear.gather [hbm4b:s29+s4], $0x400, $0x38;
	[tilespmem:$0x14400] =	vst v63  }
0x291: {  	s31 =	simm.s32 $0x2800;
	s23 =	sadd.s32 $0xF4280, s29  }
0x292: {  	[tilespmem:s31], [sflag:$0x1] =	stream.linear.gather [hbm4b:s23+s4], $0x400, $0x38;
	[tilespmem:$0x14400] =	vst v63  }
0x293: {  	s23 =	sadd.s32 $0x1E8500, s29;
	s31 =	simm.s32 $0x4800  }
0x294: {  	[tilespmem:s31], [sflag:$0x1] =	stream.linear.gather [hbm4b:s23+s4], $0x400, $0x38;
	[tilespmem:$0x14400] =	vst v63  }
0x295: {  	s30 =	spop (v2sf);
	s29 =	sadd.s32 $0x2DC780, s29;
	s23 =	simm.s32 $0x6800  }
0x296: {  	[tilespmem:s23], [sflag:$0x1] =	stream.linear.gather [hbm4b:s29+s4], $0x400, $0x38;
	[tilespmem:$0x14400] =	vst v63  }
0x297: {  	s29 =	sand.u32 $0xFFFFF80, s30  }
0x298: {  	(v2sf) =	vpush v17, $0x2;
	s23 =	simm.s32 $0x8800;
	s29 =	sadd.s32 s1, s29  }
0x299: {  	[tilespmem:s23], [sflag:$0x1] =	stream.linear.gather [hbm4b:s29+s4], $0x400, $0x38;
	[tilespmem:$0x14400] =	vst v63  }
0x29a: {  	s31 =	simm.s32 $0xA800;
	s23 =	sadd.s32 $0xF4280, s29  }
0x29b: {  	[tilespmem:s31], [sflag:$0x1] =	stream.linear.gather [hbm4b:s23+s4], $0x400, $0x38;
	[tilespmem:$0x14400] =	vst v63  }
0x29c: {  	s23 =	sadd.s32 $0x1E8500, s29;
	s31 =	simm.s32 $0xC800  }
0x29d: {  	[tilespmem:s31], [sflag:$0x1] =	stream.linear.gather [hbm4b:s23+s4], $0x400, $0x38;
	[tilespmem:$0x14400] =	vst v63  }
0x29e: {  	s29 =	sadd.s32 $0x2DC780, s29;
	s30 =	spop (v2sf);
	s23 =	simm.s32 $0xE800  }
0x29f: {  	[tilespmem:s23], [sflag:$0x1] =	stream.linear.gather [hbm4b:s29+s4], $0x400, $0x38;
	[tilespmem:$0x14400] =	vst v63  }
0x2a0: {  	s29 =	sand.u32 $0xFFFFF80, s30  }
0x2a1: {  	(v2sf) =	vpush v16, $0x3;
	s23 =	simm.s32 $0xC00;
	s29 =	sadd.s32 s0, s29  }
0x2a2: {  	[tilespmem:s23], [sflag:$0x1] =	stream.linear.gather [hbm4b:s29+s4], $0x400, $0x38;
	[tilespmem:$0x14400] =	vst v63  }
0x2a3: {  	s31 =	simm.s32 $0x2C00;
	s23 =	sadd.s32 $0xF4280, s29  }
0x2a4: {  	[tilespmem:s31], [sflag:$0x1] =	stream.linear.gather [hbm4b:s23+s4], $0x400, $0x38;
	[tilespmem:$0x14400] =	vst v63  }
0x2a5: {  	s23 =	sadd.s32 $0x1E8500, s29;
	s31 =	simm.s32 $0x4C00  }
0x2a6: {  	[tilespmem:s31], [sflag:$0x1] =	stream.linear.gather [hbm4b:s23+s4], $0x400, $0x38;
	[tilespmem:$0x14400] =	vst v63  }
0x2a7: {  	s30 =	spop (v2sf);
	s29 =	sadd.s32 $0x2DC780, s29;
	s23 =	simm.s32 $0x6C00  }
0x2a8: {  	[tilespmem:s23], [sflag:$0x1] =	stream.linear.gather [hbm4b:s29+s4], $0x400, $0x38;
	[tilespmem:$0x14400] =	vst v63  }
0x2a9: {  	s29 =	sand.u32 $0xFFFFF80, s30  }
0x2aa: {  	(v2sf) =	vpush v17, $0x3;
	s23 =	simm.s32 $0x8C00;
	s29 =	sadd.s32 s1, s29  }
0x2ab: {  	[tilespmem:s23], [sflag:$0x1] =	stream.linear.gather [hbm4b:s29+s4], $0x400, $0x38;
	[tilespmem:$0x14400] =	vst v63  }
0x2ac: {  	s31 =	simm.s32 $0xAC00;
	s23 =	sadd.s32 $0xF4280, s29  }
0x2ad: {  	[tilespmem:s31], [sflag:$0x1] =	stream.linear.gather [hbm4b:s23+s4], $0x400, $0x38;
	[tilespmem:$0x14400] =	vst v63  }
0x2ae: {  	s23 =	sadd.s32 $0x1E8500, s29;
	s31 =	simm.s32 $0xCC00  }
0x2af: {  	[tilespmem:s31], [sflag:$0x1] =	stream.linear.gather [hbm4b:s23+s4], $0x400, $0x38;
	[tilespmem:$0x14400] =	vst v63  }
0x2b0: {  	s29 =	sadd.s32 $0x2DC780, s29;
	s23 =	spop (v2sf)  }
0x2b1: {  	s31 =	simm.s32 $0xEC00;
	s30 =	sand.u32 $0xFFFFF80, s23  }
0x2b2: {  	[tilespmem:s31], [sflag:$0x1] =	stream.linear.gather [hbm4b:s29+s4], $0x400, $0x38;
	[tilespmem:$0x14400] =	vst v63  }
0x2b3: {  	s23 =	simm.s32 $0x1000;
	s29 =	sadd.s32 s0, s30  }
0x2b4: {  	[tilespmem:s23], [sflag:$0x1] =	stream.linear.gather [hbm4b:s29+s4], $0x400, $0x38;
	[tilespmem:$0x14400] =	vst v63  }
0x2b5: {  	s31 =	simm.s32 $0x3000;
	s23 =	sadd.s32 $0xF4280, s29  }
0x2b6: {  	[tilespmem:s31], [sflag:$0x1] =	stream.linear.gather [hbm4b:s23+s4], $0x400, $0x38;
	[tilespmem:$0x14400] =	vst v63  }
0x2b7: {  	s23 =	sadd.s32 $0x1E8500, s29;
	s31 =	simm.s32 $0x5000  }
0x2b8: {  	[tilespmem:s31], [sflag:$0x1] =	stream.linear.gather [hbm4b:s23+s4], $0x400, $0x38;
	[tilespmem:$0x14400] =	vst v63  }
0x2b9: {  	s30 =	spop (v2sf);
	s29 =	sadd.s32 $0x2DC780, s29;
	s23 =	simm.s32 $0x7000  }
0x2ba: {  	[tilespmem:s23], [sflag:$0x1] =	stream.linear.gather [hbm4b:s29+s4], $0x400, $0x38;
	[tilespmem:$0x14400] =	vst v63  }
0x2bb: {  	s29 =	sand.u32 $0xFFFFF80, s30  }
0x2bc: {  	s23 =	simm.s32 $0x9000;
	s29 =	sadd.s32 s1, s29  }
0x2bd: {  	[tilespmem:s23], [sflag:$0x1] =	stream.linear.gather [hbm4b:s29+s4], $0x400, $0x38;
	[tilespmem:$0x14400] =	vst v63  }
0x2be: {  	s31 =	simm.s32 $0xB000;
	s23 =	sadd.s32 $0xF4280, s29  }
0x2bf: {  	[tilespmem:s31], [sflag:$0x1] =	stream.linear.gather [hbm4b:s23+s4], $0x400, $0x38;
	[tilespmem:$0x14400] =	vst v63  }
0x2c0: {  	s23 =	sadd.s32 $0x1E8500, s29;
	s31 =	simm.s32 $0xD000  }
0x2c1: {  	[tilespmem:s31], [sflag:$0x1] =	stream.linear.gather [hbm4b:s23+s4], $0x400, $0x38;
	[tilespmem:$0x14400] =	vst v63  }
0x2c2: {  	s29 =	sadd.s32 $0x2DC780, s29;
	s31 =	simm.s32 $0x1400;
	s23 =	simm.s32 $0xF000  }
0x2c3: {  	[tilespmem:s23], [sflag:$0x1] =	stream.linear.gather [hbm4b:s29+s4], $0x400, $0x38;
	[tilespmem:$0x14400] =	vst v63  }
.LBB2_4:
0x2c4: {  	s23 =	simm.s32 $0x2  }
0x2c5: {  	_ =	swait.ge [sflag:s23], $0x4000  }
0x2c6: {  	[sflag:s23] =	ssyncset.done $0x0  }
0x2c7: {  	[sflag:s23] =	ssyncadd.s32 $0xFFFFC000  }
0x2c8: {  	_ =	swait.ge [sflag:s23], $0x4000  }
0x2c9: {  	[sflag:s23] =	ssyncset.done $0x0  }
0x2ca: {  	[sflag:s23] =	ssyncadd.s32 $0xFFFFC000  }
0x2cb: {  	v16 =	vld [tilespmem:s28+$0xFFFFFFF0]  }
0x2cc: {  	v17 =	vld [tilespmem:s28+$0x1F0];
	_ =	sdelay $0x3  }
0x2cd: {  	v16 =	vand.u32 $0x7F, v16  }
0x2ce: {  	v17 =	vand.u32 $0x7F, v17;
	v18 =	vbroadcast v16, $0xC  }
0x2cf: {  	v19 =	vbroadcast v17, $0xC  }
0x2d0: {  	v20 =	vor.u32 v8, v18  }
0x2d1: {  	v21 =	vor.u32 v8, v19;
	_ =	sdelay $0x3  }
0x2d2: {  	v20 =	vld.idx.msk [tilespmem:v20+s11+$0x0], $0xffff  }
0x2d3: {  	v21 =	vld.idx.msk [tilespmem:v21+s15+$0x0], $0xffff;
	_ =	sdelay $0x2  }
0x2d4: {  	v18 =	vor.u32 v9, v18  }
0x2d5: {  	v19 =	vor.u32 v9, v19  }
0x2d6: {  	v20 =	vmul.f32 v21, v20;
	_ =	sdelay $0x1  }
0x2d7: {  	[tilespmem:s26+$0x80] =	vst v20  }
0x2d8: {  	v18 =	vld.idx.msk [tilespmem:v18+s11+$0x0], $0xffff  }
0x2d9: {  	v19 =	vld.idx.msk [tilespmem:v19+s15+$0x0], $0xffff  }
0x2da: {  	v51 =	vbroadcast v16, $0xD  }
0x2db: {  	v52 =	vbroadcast v17, $0xD  }
0x2dc: {  	v22 =	vor.u32 v10, v51  }
0x2dd: {  	v23 =	vor.u32 v10, v52  }
0x2de: {  	v18 =	vmul.f32 v19, v18;
	_ =	sdelay $0x1  }
0x2df: {  	[tilespmem:s26+$0x90] =	vst v18  }
0x2e0: {  	v18 =	vld.idx.msk [tilespmem:v22+s11+$0x0], $0xffff  }
0x2e1: {  	v53 =	vld.idx.msk [tilespmem:v23+s15+$0x0], $0xffff;
	_ =	sdelay $0x2  }
0x2e2: {  	v20 =	vor.u32 v11, v51  }
0x2e3: {  	v21 =	vor.u32 v11, v52  }
0x2e4: {  	v18 =	vmul.f32 v53, v18;
	_ =	sdelay $0x1  }
0x2e5: {  	[tilespmem:s26+$0xA0] =	vst v18  }
0x2e6: {  	v18 =	vld.idx.msk [tilespmem:v20+s11+$0x0], $0xffff  }
0x2e7: {  	v54 =	vld.idx.msk [tilespmem:v21+s15+$0x0], $0xffff  }
0x2e8: {  	v55 =	vbroadcast v16, $0xE  }
0x2e9: {  	v56 =	vbroadcast v17, $0xE  }
0x2ea: {  	v57 =	vor.u32 v12, v55  }
0x2eb: {  	v58 =	vor.u32 v12, v56  }
0x2ec: {  	v18 =	vmul.f32 v54, v18;
	_ =	sdelay $0x1  }
0x2ed: {  	[tilespmem:s26+$0xB0] =	vst v18  }
0x2ee: {  	v18 =	vld.idx.msk [tilespmem:v57+s11+$0x0], $0xffff  }
0x2ef: {  	v59 =	vld.idx.msk [tilespmem:v58+s15+$0x0], $0xffff;
	_ =	sdelay $0x2  }
0x2f0: {  	v20 =	vor.u32 v13, v55  }
0x2f1: {  	v21 =	vor.u32 v13, v56  }
0x2f2: {  	v18 =	vmul.f32 v59, v18;
	_ =	sdelay $0x1  }
0x2f3: {  	[tilespmem:s26+$0xC0] =	vst v18  }
0x2f4: {  	v18 =	vld.idx.msk [tilespmem:v20+s11+$0x0], $0xffff  }
0x2f5: {  	v60 =	vld.idx.msk [tilespmem:v21+s15+$0x0], $0xffff  }
0x2f6: {  	v16 =	vbroadcast v16, $0xF  }
0x2f7: {  	v17 =	vbroadcast v17, $0xF  }
0x2f8: {  	v61 =	vor.u32 v14, v16  }
0x2f9: {  	v62 =	vor.u32 v14, v17  }
0x2fa: {  	v18 =	vmul.f32 v60, v18;
	_ =	sdelay $0x1  }
0x2fb: {  	[tilespmem:s26+$0xD0] =	vst v18  }
0x2fc: {  	v18 =	vld.idx.msk [tilespmem:v61+s11+$0x0], $0xffff  }
0x2fd: {  	v63 =	vld.idx.msk [tilespmem:v62+s15+$0x0], $0xffff;
	_ =	sdelay $0x2  }
0x2fe: {  	v16 =	vor.u32 v15, v16  }
0x2ff: {  	v17 =	vor.u32 v15, v17  }
0x300: {  	v18 =	vmul.f32 v63, v18;
	_ =	sdelay $0x1  }
0x301: {  	[tilespmem:s26+$0xE0] =	vst v18  }
0x302: {  	v16 =	vld.idx.msk [tilespmem:v16+s11+$0x0], $0xffff  }
0x303: {  	v17 =	vld.idx.msk [tilespmem:v17+s15+$0x0], $0xffff;
	_ =	sdelay $0x2  }
.Ltmp3:
0x304: {  	_ = 	snop;
	(pc) =	sbr.rel @p0 .LBB2_6-.Ltmp3, $3  }
0x305: {  	_ = 	snop  }
0x306: {  	v16 =	vmul.f32 v17, v16;
	_ =	sdelay $0x1  }
0x307: {  	[tilespmem:s26+$0xF0] =	vst v16  }
0x308: {  	v16 =	vld [tilespmem:s28+$0x0];
	_ =	sdelay $0x4  }
0x309: {  	(v2sf) =	vpush v16, $0x4;
	_ =	sdelay $0x2  }
0x30a: {  	v17 =	vld [tilespmem:s28+$0x200];
	_ =	sdelay $0x4  }
0x30b: {  	(v2sf) =	vpush v17, $0x4;
	_ =	sdelay $0x6  }
0x30c: {  	s30 =	spop (v2sf)  }
0x30d: {  	s28 =	sand.u32 $0xFFFFF80, s30  }
0x30e: {  	(v2sf) =	vpush v16, $0x5;
	s28 =	sadd.s32 s0, s28  }
0x30f: {  	[tilespmem:s31], [sflag:$0x2] =	stream.linear.gather [hbm4b:s28+s4], $0x400, $0x38;
	[tilespmem:$0x14400] =	vst v63  }
0x310: {  	s29 =	sadd.s32 $0xF4280, s28  }
0x311: {  	[tilespmem:s2], [sflag:$0x2] =	stream.linear.gather [hbm4b:s29+s4], $0x400, $0x38;
	[tilespmem:$0x14400] =	vst v63  }
0x312: {  	s23 =	sadd.s32 $0x1E8500, s28  }
0x313: {  	[tilespmem:s3], [sflag:$0x2] =	stream.linear.gather [hbm4b:s23+s4], $0x400, $0x38;
	[tilespmem:$0x14400] =	vst v63  }
0x314: {  	s28 =	sadd.s32 $0x2DC780, s28;
	s29 =	spop (v2sf)  }
0x315: {  	[tilespmem:s10], [sflag:$0x2] =	stream.linear.gather [hbm4b:s28+s4], $0x400, $0x38;
	[tilespmem:$0x14400] =	vst v63  }
0x316: {  	s28 =	sand.u32 $0xFFFFF80, s29  }
0x317: {  	(v2sf) =	vpush v17, $0x5;
	s28 =	sadd.s32 s1, s28  }
0x318: {  	[tilespmem:s5], [sflag:$0x2] =	stream.linear.gather [hbm4b:s28+s4], $0x400, $0x38;
	[tilespmem:$0x14400] =	vst v63  }
0x319: {  	s30 =	sadd.s32 $0xF4280, s28  }
0x31a: {  	[tilespmem:s6], [sflag:$0x2] =	stream.linear.gather [hbm4b:s30+s4], $0x400, $0x38;
	[tilespmem:$0x14400] =	vst v63  }
0x31b: {  	s31 =	sadd.s32 $0x1E8500, s28  }
0x31c: {  	[tilespmem:s7], [sflag:$0x2] =	stream.linear.gather [hbm4b:s31+s4], $0x400, $0x38;
	[tilespmem:$0x14400] =	vst v63  }
0x31d: {  	s28 =	sadd.s32 $0x2DC780, s28;
	s2 =	spop (v2sf)  }
0x31e: {  	[tilespmem:s8], [sflag:$0x2] =	stream.linear.gather [hbm4b:s28+s4], $0x400, $0x38;
	[tilespmem:$0x14400] =	vst v63  }
0x31f: {  	s28 =	sand.u32 $0xFFFFF80, s2  }
0x320: {  	(v2sf) =	vpush v16, $0x6;
	s28 =	sadd.s32 s0, s28  }
0x321: {  	[tilespmem:s9], [sflag:$0x2] =	stream.linear.gather [hbm4b:s28+s4], $0x400, $0x38;
	[tilespmem:$0x14400] =	vst v63  }
0x322: {  	s3 =	sadd.s32 $0xF4280, s28  }
0x323: {  	[tilespmem:s12], [sflag:$0x2] =	stream.linear.gather [hbm4b:s3+s4], $0x400, $0x38;
	[tilespmem:$0x14400] =	vst v63  }
0x324: {  	s5 =	sadd.s32 $0x1E8500, s28  }
0x325: {  	[tilespmem:s24], [sflag:$0x2] =	stream.linear.gather [hbm4b:s5+s4], $0x400, $0x38;
	[tilespmem:$0x14400] =	vst v63  }
0x326: {  	s28 =	sadd.s32 $0x2DC780, s28;
	s6 =	spop (v2sf)  }
0x327: {  	[tilespmem:s14], [sflag:$0x2] =	stream.linear.gather [hbm4b:s28+s4], $0x400, $0x38;
	[tilespmem:$0x14400] =	vst v63  }
0x328: {  	s28 =	sand.u32 $0xFFFFF80, s6  }
0x329: {  	(v2sf) =	vpush v17, $0x6;
	s28 =	sadd.s32 s1, s28  }
0x32a: {  	[tilespmem:s16], [sflag:$0x2] =	stream.linear.gather [hbm4b:s28+s4], $0x400, $0x38;
	[tilespmem:$0x14400] =	vst v63  }
0x32b: {  	s7 =	sadd.s32 $0xF4280, s28  }
0x32c: {  	[tilespmem:s17], [sflag:$0x2] =	stream.linear.gather [hbm4b:s7+s4], $0x400, $0x38;
	[tilespmem:$0x14400] =	vst v63  }
0x32d: {  	s8 =	sadd.s32 $0x1E8500, s28  }
0x32e: {  	[tilespmem:s18], [sflag:$0x2] =	stream.linear.gather [hbm4b:s8+s4], $0x400, $0x38;
	[tilespmem:$0x14400] =	vst v63  }
0x32f: {  	s28 =	sadd.s32 $0x2DC780, s28;
	s9 =	spop (v2sf)  }
0x330: {  	(v2sf) =	vpush v16, $0x7;
	[tilespmem:s19], [sflag:$0x2] =	stream.linear.gather [hbm4b:s28+s4], $0x400, $0x38;
	[tilespmem:$0x14400] =	vst v63  }
0x331: {  	s28 =	sand.u32 $0xFFFFF80, s9  }
0x332: {  	s28 =	sadd.s32 s0, s28  }
0x333: {  	[tilespmem:s20], [sflag:$0x2] =	stream.linear.gather [hbm4b:s28+s4], $0x400, $0x38;
	[tilespmem:$0x14400] =	vst v63  }
0x334: {  	s10 =	sadd.s32 $0xF4280, s28  }
0x335: {  	[tilespmem:s21], [sflag:$0x2] =	stream.linear.gather [hbm4b:s10+s4], $0x400, $0x38;
	[tilespmem:$0x14400] =	vst v63  }
0x336: {  	s12 =	sadd.s32 $0x1E8500, s28  }
0x337: {  	[tilespmem:s22], [sflag:$0x2] =	stream.linear.gather [hbm4b:s12+s4], $0x400, $0x38;
	[tilespmem:$0x14400] =	vst v63  }
0x338: {  	s28 =	sadd.s32 $0x2DC780, s28;
	s14 =	spop (v2sf)  }
0x339: {  	[tilespmem:s25], [sflag:$0x2] =	stream.linear.gather [hbm4b:s28+s4], $0x400, $0x38;
	[tilespmem:$0x14400] =	vst v63  }
0x33a: {  	(v2sf) =	vpush v17, $0x7;
	s28 =	sand.u32 $0xFFFFF80, s14  }
0x33b: {  	s25 =	simm.s32 $0x9C00;
	s28 =	sadd.s32 s1, s28  }
0x33c: {  	[tilespmem:s25], [sflag:$0x2] =	stream.linear.gather [hbm4b:s28+s4], $0x400, $0x38;
	[tilespmem:$0x14400] =	vst v63  }
0x33d: {  	s20 =	simm.s32 $0xFC00;
	s22 =	simm.s32 $0xBC00;
	s16 =	sadd.s32 $0xF4280, s28  }
0x33e: {  	[tilespmem:s22], [sflag:$0x2] =	stream.linear.gather [hbm4b:s16+s4], $0x400, $0x38;
	[tilespmem:$0x14400] =	vst v63  }
0x33f: {  	s21 =	simm.s32 $0xDC00;
	s17 =	sadd.s32 $0x1E8500, s28;
	s18 =	spop (v2sf)  }
0x340: {  	[tilespmem:s21], [sflag:$0x2] =	stream.linear.gather [hbm4b:s17+s4], $0x400, $0x38;
	[tilespmem:$0x14400] =	vst v63  }
0x341: {  	s28 =	sadd.s32 $0x2DC780, s28;
	s19 =	sand.u32 $0xFFFFF80, s18  }
0x342: {  	[tilespmem:s20], [sflag:$0x2] =	stream.linear.gather [hbm4b:s28+s4], $0x400, $0x38;
	[tilespmem:$0x14400] =	vst v63  }
0x343: {  	s28 =	sadd.s32 s0, s19;
	s19 =	simm.s32 $0x2000  }
0x344: {  	[tilespmem:s19], [sflag:$0x2] =	stream.linear.gather [hbm4b:s28+s4], $0x400, $0x38;
	[tilespmem:$0x14400] =	vst v63  }
0x345: {  	s18 =	simm.s32 $0x4000;
	s23 =	sadd.s32 $0xF4280, s28  }
0x346: {  	[tilespmem:s18], [sflag:$0x2] =	stream.linear.gather [hbm4b:s23+s4], $0x400, $0x38;
	[tilespmem:$0x14400] =	vst v63  }
0x347: {  	s26 =	sadd.s32 $0x200, s26;
	s17 =	simm.s32 $0x6000;
	s24 =	sadd.s32 $0x1E8500, s28  }
0x348: {  	[tilespmem:s17], [sflag:$0x2] =	stream.linear.gather [hbm4b:s24+s4], $0x400, $0x38;
	[tilespmem:$0x14400] =	vst v63  }
0x349: {  	s16 =	simm.s32 $0x8000;
	s29 =	spop (v2sf);
	s28 =	sadd.s32 $0x2DC780, s28  }
0x34a: {  	[tilespmem:s16], [sflag:$0x2] =	stream.linear.gather [hbm4b:s28+s4], $0x400, $0x38;
	[tilespmem:$0x14400] =	vst v63  }
0x34b: {  	s2 =	simm.s32 $0x1400;
	s3 =	simm.s32 $0x3400;
	s28 =	sand.u32 $0xFFFFF80, s29  }
0x34c: {  	s5 =	simm.s32 $0x7400;
	s14 =	simm.s32 $0xA000;
	s28 =	sadd.s32 s1, s28  }
0x34d: {  	[tilespmem:s14], [sflag:$0x2] =	stream.linear.gather [hbm4b:s28+s4], $0x400, $0x38;
	[tilespmem:$0x14400] =	vst v63  }
0x34e: {  	s6 =	simm.s32 $0x9400;
	s23 =	simm.s32 $0xC000;
	s30 =	sadd.s32 $0xF4280, s28  }
0x34f: {  	[tilespmem:s23], [sflag:$0x2] =	stream.linear.gather [hbm4b:s30+s4], $0x400, $0x38;
	[tilespmem:$0x14400] =	vst v63  }
.Ltmp4:
0x350: {  	s7 =	simm.s32 $0xB400;
	s8 =	simm.s32 $0xD400;
	(pc) =	sbr.rel .LBB2_2-.Ltmp4, $4  }
0x351: {  	s9 =	sadd.s32 $0x40, s13;
	s24 =	simm.s32 $0xE000;
	s31 =	sadd.s32 $0x1E8500, s28  }
0x352: {  	[tilespmem:s24], [sflag:$0x2] =	stream.linear.gather [hbm4b:s31+s4], $0x400, $0x38;
	[tilespmem:$0x14400] =	vst v63  }
0x353: {  	s10 =	simm.s32 $0x5400;
	s12 =	simm.s32 $0x10000;
	s28 =	sadd.s32 $0x2DC780, s28  }
0x354: {  	[tilespmem:s12], [sflag:$0x2] =	stream.linear.gather [hbm4b:s28+s4], $0x400, $0x38;
	[tilespmem:$0x14400] =	vst v63  }
.LBB2_7:
0x355: {  	_ =	sfence.sel $0x180000  }
0x356: {  	[bflag:$0x0] =	sbarrier.arrive $0xFFFF  }
0x357: {  	_ =	strace $0x90000047  }
0x358: {  	s0 =	stileid.u32;
	[bflag:$0x2] =	sbarrier.arrive $0xFFFF  }
0x359: {  	p0 =	sne.s32 s0, $0x0;
	s0 =	rddreg [dreg:$0x5]  }
0x35a: {  	s0 =	sadd.s32 @!p0 $0x100000, s0  }
0x35b: {  	[sflag:s0] =	ssyncadd.tile.s32 @!p0 $0x1;
	_ =	shalt  }
.Lfunc_end2:
_tile_overlayer_lowered:
.L_overlay_start_2:
0x35c: {  	(tag) =	ssettag $0x2  }
0x35d: {  	s0 =	rddreg [dreg:$0x0];
	s2 =	stileid.u32  }
0x35e: {  	s1 =	rddreg [dreg:$0x1];
	p0 =	sne.s32 s2, $0x0  }
0x35f: {  	s3 =	rddreg [dreg:$0x2];
	[bflag:$0x3] =	sbarrier.arrive $0xFFFF;
	s2 =	simm.s32 @!p0 $0x1C03  }
0x360: {  	[timem:s3], [sflag:s2] =	dma.local @!p0 [hbm:s0], s1  }
0x361: {  	s0 =	simm.s32 @!p0 $0x3  }
0x362: {  	_ =	swait.ge @!p0 [sflag:s0], s1  }
0x363: {  	s1 =	ssub.s32 @!p0 $0x0, s1;
	[sflag:s0] =	ssyncset.done @!p0 $0x0  }
0x364: {  	[sflag:s0] =	ssyncadd.s32 @!p0 s1  }
0x365: {  	[bflag:$0x3] =	sbarrier.arrive $0xFFFF  }
0x366: {  	_ =	shalt  }

</sc_bundles>
